<compile_context>
chip_gen: v7x
topology: tpu7x:2x2x1
jax: 0.10.2.dev20260603
libtpu: 0.0.44.dev20260713+nightly
codegen_flags: <defaults>
</compile_context>

<pallas_src>
import functools
import math

import jax
import jax.numpy as jnp
import numpy as np
from jax import lax
from jax.experimental import pallas as pl
from jax.experimental.pallas import tpu as pltpu
from jax.experimental.pallas import tpu_sc as plsc

P = 1
NBUF = 8


def _pe_table(seq_len: int, d_model: int) -> np.ndarray:
    pe = np.zeros((seq_len, d_model), dtype=np.float32)
    position = np.arange(0, seq_len, dtype=np.float32)[:, None]
    div_term = np.exp(
        np.arange(0, d_model, 2, dtype=np.float32) * -(math.log(10000.0) / d_model)
    )
    pe[:, 0::2] = np.sin(position * div_term)
    pe[:, 1::2] = np.cos(position * div_term)
    return pe


@functools.cache
def _build(B: int, T: int, V: int, D: int):
    info = plsc.get_sparse_core_info()
    NC, NS = info.num_cores, info.num_subcores
    NW = NC * NS
    assert B % NW == 0 and T % P == 0 and D % 16 == 0
    spw = B // NW
    cr = P * spw
    n_chunks = T // P
    assert n_chunks % NBUF == 0
    n_outer = n_chunks // NBUF
    scale = math.sqrt(float(D))
    mesh = plsc.VectorSubcoreMesh(core_axis_name="c", subcore_axis_name="s")

    scratch = (
        [pltpu.VMEM((n_chunks, cr), jnp.int32)]
        + [pltpu.VMEM((T, D), jnp.float32)]
        + [pltpu.VMEM((cr, D), jnp.float32) for _ in range(NBUF)]
        + [pltpu.VMEM((spw, P, D), jnp.float32) for _ in range(NBUF)]
        + [pltpu.SemaphoreType.DMA for _ in range(2 * NBUF)]
    )

    @functools.partial(
        pl.kernel,
        mesh=mesh,
        out_type=jax.ShapeDtypeStruct((B, T, D), jnp.float32),
        scratch_types=scratch,
    )
    def emb_kernel(lut_hbm, gidx_hbm, pe_hbm, out_hbm, *scr):
        gidx_v, pe_v = scr[0], scr[1]
        bufs = scr[2:2 + NBUF]
        obufs = scr[2 + NBUF:2 + 2 * NBUF]
        gsems = scr[2 + 2 * NBUF:2 + 3 * NBUF]
        ssems = scr[2 + 3 * NBUF:]

        wid = lax.axis_index("s") * NC + lax.axis_index("c")
        seq0 = wid * spw
        pltpu.sync_copy(gidx_hbm.at[wid], gidx_v)

        def gather_h(c, b, h):
            return pltpu.make_async_copy(
                lut_hbm.at[gidx_v.at[c, pl.ds(h * (cr // 2), cr // 2)]],
                bufs[b].at[pl.ds(h * (cr // 2), cr // 2)], gsems[b])

        class _G:
            def __init__(self, c, b):
                self.c, self.b = c, b
            def start(self):
                gather_h(self.c, self.b, 0).start()
                gather_h(self.c, self.b, 1).start()
            def wait(self):
                gather_h(self.c, self.b, 0).wait()
                gather_h(self.c, self.b, 1).wait()

        def gather(c, b):
            return _G(c, b)

        def scatter(c, b):
            return pltpu.make_async_copy(
                obufs[b],
                out_hbm.at[pl.ds(seq0, spw), pl.ds(c * P, P)],
                ssems[b])

        for b in range(NBUF):
            gather(b, b).start()
        pltpu.sync_copy(pe_hbm, pe_v)

        def outer(go, _):
            for b in range(NBUF):
                g = go * NBUF + b
                gather(g, b).wait()

                @pl.when(go > 0)
                def _():
                    scatter(g - NBUF, b).wait()

                buf, obuf = bufs[b], obufs[b]
                po = g * P
                pe_regs = [[pe_v[po + p, pl.ds(k * 16, 16)]
                            for k in range(D // 16)] for p in range(P)]

                def row_body(s, _, pe_regs=pe_regs, buf=buf, obuf=obuf):
                    for p in range(P):
                        j = s * P + p
                        for k in range(D // 16):
                            sl = pl.ds(k * 16, 16)
                            obuf[s, p, sl] = buf[j, sl] * scale + pe_regs[p][k]
                    return 0

                lax.fori_loop(0, spw, row_body, 0)

                scatter(g, b).start()

                @pl.when(go < n_outer - 1)
                def _():
                    gather(g + NBUF, b).start()
            return 0

        lax.fori_loop(0, n_outer, outer, 0)

        for b in range(NBUF):
            scatter(n_chunks - NBUF + b, b).wait()

    return emb_kernel


def kernel(x, lut):
    B, T = x.shape
    V, D = lut.shape
    info = plsc.get_sparse_core_info()
    NW = info.num_cores * info.num_subcores
    spw = B // NW
    pe = jnp.asarray(_pe_table(T, D))
    gidx = (
        x.astype(jnp.int32)
        .reshape(NW, spw, T // P, P)
        .transpose(0, 2, 1, 3)
        .reshape(NW, T // P, P * spw)
    )
    return _build(B, T, V, D)(lut, gidx, pe)

# --- scband reference (transcript-rebuilt; emitter-appended) ---
"""Pipeline reference for scband-transformer-embedding-11579231830567 (READ-ONLY COPY).

The authoritative reference and input builder live on the scoring server;
editing this copy changes nothing except your own understanding.
"""

import math
import jax, jax.numpy as jnp
import numpy as np

D_MODEL = 128
VOCAB = 100000
MAX_LEN = 512


def _make_pe(max_len, d_model):
    pe = np.zeros((max_len, d_model), dtype=np.float32)
    position = np.arange(0, max_len, dtype=np.float32)[:, None]
    div_term = np.exp(np.arange(0, d_model, 2, dtype=np.float32) * -(math.log(10000.0) / d_model))
    pe[:, 0::2] = np.sin(position * div_term)
    pe[:, 1::2] = np.cos(position * div_term)
    return jnp.asarray(pe[None, :, :])  # [1, max_len, d_model]


def setup_inputs(seed: int = 0) -> dict:
    key = jax.random.key(seed)
    k_idx, k_lut = jax.random.split(key)
    x = jax.random.randint(k_idx, (1024, 200), 0, VOCAB, dtype=jnp.int64)
    lut = jax.random.normal(k_lut, (VOCAB, D_MODEL), dtype=jnp.float32)
    return {"x": x, "lut": lut}


def reference(x, lut):
    # Embeddings: lut[x] * sqrt(d_model)
    emb = jnp.take(lut, x, axis=0) * math.sqrt(D_MODEL)
    # PositionalEncoding: add fixed sinusoidal pe (buffer, no grad); dropout in eval mode = identity
    pe = _make_pe(MAX_LEN, D_MODEL)
    out = emb + pe[:, : emb.shape[1]]
    return out

if __name__ == "__main__":
    import jax
    _d = setup_inputs()
    print(jax.jit(kernel)(*tuple(_d.values())))

</pallas_src>

<mosaic_0001>
#map = affine_map<(d0, d1) -> (0, 0)>
#map1 = affine_map<(d0, d1) -> (0, 0, 0)>
module attributes {stable_mosaic.version = 14 : i64} {
  func.func @emb_kernel(%arg0: i32, %arg1: i32, %arg2: memref<100000x128xf32, #tpu.memory_space<hbm>>, %arg3: memref<32x200x32xi32, #tpu.memory_space<hbm>>, %arg4: memref<200x128xf32, #tpu.memory_space<hbm>>, %arg5: memref<1024x200x128xf32, #tpu.memory_space<hbm>>, %arg6: memref<200x32xi32, #tpu.memory_space<vmem>>, %arg7: memref<200x128xf32, #tpu.memory_space<vmem>>, %arg8: memref<32x128xf32, #tpu.memory_space<vmem>>, %arg9: memref<32x128xf32, #tpu.memory_space<vmem>>, %arg10: memref<32x128xf32, #tpu.memory_space<vmem>>, %arg11: memref<32x128xf32, #tpu.memory_space<vmem>>, %arg12: memref<32x128xf32, #tpu.memory_space<vmem>>, %arg13: memref<32x128xf32, #tpu.memory_space<vmem>>, %arg14: memref<32x128xf32, #tpu.memory_space<vmem>>, %arg15: memref<32x128xf32, #tpu.memory_space<vmem>>, %arg16: memref<32x1x128xf32, #tpu.memory_space<vmem>>, %arg17: memref<32x1x128xf32, #tpu.memory_space<vmem>>, %arg18: memref<32x1x128xf32, #tpu.memory_space<vmem>>, %arg19: memref<32x1x128xf32, #tpu.memory_space<vmem>>, %arg20: memref<32x1x128xf32, #tpu.memory_space<vmem>>, %arg21: memref<32x1x128xf32, #tpu.memory_space<vmem>>, %arg22: memref<32x1x128xf32, #tpu.memory_space<vmem>>, %arg23: memref<32x1x128xf32, #tpu.memory_space<vmem>>, %arg24: memref<!tpu.dma_semaphore, #tpu.memory_space<semaphore_mem>>, %arg25: memref<!tpu.dma_semaphore, #tpu.memory_space<semaphore_mem>>, %arg26: memref<!tpu.dma_semaphore, #tpu.memory_space<semaphore_mem>>, %arg27: memref<!tpu.dma_semaphore, #tpu.memory_space<semaphore_mem>>, %arg28: memref<!tpu.dma_semaphore, #tpu.memory_space<semaphore_mem>>, %arg29: memref<!tpu.dma_semaphore, #tpu.memory_space<semaphore_mem>>, %arg30: memref<!tpu.dma_semaphore, #tpu.memory_space<semaphore_mem>>, %arg31: memref<!tpu.dma_semaphore, #tpu.memory_space<semaphore_mem>>, %arg32: memref<!tpu.dma_semaphore, #tpu.memory_space<semaphore_mem>>, %arg33: memref<!tpu.dma_semaphore, #tpu.memory_space<semaphore_mem>>, %arg34: memref<!tpu.dma_semaphore, #tpu.memory_space<semaphore_mem>>, %arg35: memref<!tpu.dma_semaphore, #tpu.memory_space<semaphore_mem>>, %arg36: memref<!tpu.dma_semaphore, #tpu.memory_space<semaphore_mem>>, %arg37: memref<!tpu.dma_semaphore, #tpu.memory_space<semaphore_mem>>, %arg38: memref<!tpu.dma_semaphore, #tpu.memory_space<semaphore_mem>>, %arg39: memref<!tpu.dma_semaphore, #tpu.memory_space<semaphore_mem>>) attributes {dimension_semantics = [#tpu.dimension_semantics<core_parallel>, #tpu.dimension_semantics<subcore_parallel>], iteration_bounds = array<i64: 2, 16>, scalar_prefetch = 0 : i64, scratch_operands = 34 : i64, tpu.core_type = #tpu.core_type<sc_vector_subcore>, window_params = [{transform_indices = #map}, {transform_indices = #map1}, {transform_indices = #map}, {transform_indices = #map1}]} {
    %mul3A = arith.constant 2 : i32
    %mul3A_0 = arith.muli %arg1, %mul3A : i32
    %add3A = arith.addi %mul3A_0, %arg0 : i32
    %mul3A_1 = arith.constant 32 : i32
    %mul3A_2 = arith.muli %add3A, %mul3A_1 : i32
    "tpu.region"() ({
      %run_scoped3A = tpu.sem_alloc : memref<!tpu.dma_semaphore, #tpu.memory_space<semaphore_mem>>
      %dma_start3A_215 = arith.constant 0 : i32
      %dma_start3A_216 = arith.constant 0 : i32
      %dma_start3A_217 = tpu.memref_slice %arg3[%add3A, %dma_start3A_215, %dma_start3A_216] : memref<32x200x32xi32, #tpu.memory_space<hbm>> -> memref<1x200x32xi32, #tpu.memory_space<hbm>>
      %dma_start3A_218 = tpu.memref_squeeze %dma_start3A_217 : memref<1x200x32xi32, #tpu.memory_space<hbm>> -> memref<200x32xi32, #tpu.memory_space<hbm>>
      %dma_start3A_219 = arith.constant 0 : i32
      %dma_start3A_220 = arith.constant 0 : i32
      %dma_start3A_221 = tpu.memref_slice %arg3[%add3A, %dma_start3A_219, %dma_start3A_220] : memref<32x200x32xi32, #tpu.memory_space<hbm>> -> memref<1x200x32xi32, #tpu.memory_space<hbm>>
      %dma_start3A_222 = tpu.memref_squeeze %dma_start3A_221 : memref<1x200x32xi32, #tpu.memory_space<hbm>> -> memref<200x32xi32, #tpu.memory_space<hbm>>
      tpu.enqueue_dma source(%dma_start3A_222 : memref<200x32xi32, #tpu.memory_space<hbm>>) target(%arg6 : memref<200x32xi32, #tpu.memory_space<vmem>>) target_semaphore(%run_scoped3A : memref<!tpu.dma_semaphore, #tpu.memory_space<semaphore_mem>>)
      %dma_wait3A_223 = arith.constant 0 : i32
      %dma_wait3A_224 = arith.constant 0 : i32
      %dma_wait3A_225 = tpu.memref_slice %arg3[%add3A, %dma_wait3A_223, %dma_wait3A_224] : memref<32x200x32xi32, #tpu.memory_space<hbm>> -> memref<1x200x32xi32, #tpu.memory_space<hbm>>
      %dma_wait3A_226 = tpu.memref_squeeze %dma_wait3A_225 : memref<1x200x32xi32, #tpu.memory_space<hbm>> -> memref<200x32xi32, #tpu.memory_space<hbm>>
      %dma_wait3A_227 = arith.constant 0 : i32
      %dma_wait3A_228 = arith.constant 0 : i32
      %dma_wait3A_229 = tpu.memref_slice %arg3[%add3A, %dma_wait3A_227, %dma_wait3A_228] : memref<32x200x32xi32, #tpu.memory_space<hbm>> -> memref<1x200x32xi32, #tpu.memory_space<hbm>>
      %dma_wait3A_230 = tpu.memref_squeeze %dma_wait3A_229 : memref<1x200x32xi32, #tpu.memory_space<hbm>> -> memref<200x32xi32, #tpu.memory_space<hbm>>
      tpu.wait_dma2 semaphore(%run_scoped3A : memref<!tpu.dma_semaphore, #tpu.memory_space<semaphore_mem>>) src(%dma_wait3A_230 : memref<200x32xi32, #tpu.memory_space<hbm>>) dst(%arg6 : memref<200x32xi32, #tpu.memory_space<vmem>>)
      tpu.yield
    }) : () -> ()
    %dma_start3A = arith.constant 0 : i32
    %dma_start3A_3 = arith.constant 0 : i32
    %dma_start3A_4 = arith.constant 0 : i32
    %dma_start3A_5 = tpu.memref_slice %arg8[%dma_start3A_3, %dma_start3A_4] : memref<32x128xf32, #tpu.memory_space<vmem>> -> memref<16x128xf32, #tpu.memory_space<vmem>>
    %dma_start3A_6 = arith.constant 0 : i32
    %dma_start3A_7 = tpu.memref_slice %arg6[%dma_start3A, %dma_start3A_6] : memref<200x32xi32, #tpu.memory_space<vmem>> -> memref<1x16xi32, #tpu.memory_space<vmem>>
    %dma_start3A_8 = tpu.memref_squeeze %dma_start3A_7 : memref<1x16xi32, #tpu.memory_space<vmem>> -> memref<16xi32, #tpu.memory_space<vmem>>
    %dma_start3A_9 = arith.constant 0 : i32
    %dma_start3A_10 = arith.constant 0 : i32
    %dma_start3A_11 = tpu.memref_slice %arg2[%dma_start3A_9, %dma_start3A_10] : memref<100000x128xf32, #tpu.memory_space<hbm>> -> memref<100000x128xf32, #tpu.memory_space<hbm>>
    tpu.enqueue_indirect_dma source(%dma_start3A_11 : memref<100000x128xf32, #tpu.memory_space<hbm>>) target(%dma_start3A_5 : memref<16x128xf32, #tpu.memory_space<vmem>>) offsets(%dma_start3A_8 : memref<16xi32, #tpu.memory_space<vmem>>) semaphore(%arg24 : memref<!tpu.dma_semaphore, #tpu.memory_space<semaphore_mem>>)
    %dma_start3A_12 = arith.constant 0 : i32
    %dma_start3A_13 = arith.constant 16 : i32
    %dma_start3A_14 = arith.constant 0 : i32
    %dma_start3A_15 = tpu.memref_slice %arg8[%dma_start3A_13, %dma_start3A_14] : memref<32x128xf32, #tpu.memory_space<vmem>> -> memref<16x128xf32, #tpu.memory_space<vmem>>
    %dma_start3A_16 = arith.constant 16 : i32
    %dma_start3A_17 = tpu.memref_slice %arg6[%dma_start3A_12, %dma_start3A_16] : memref<200x32xi32, #tpu.memory_space<vmem>> -> memref<1x16xi32, #tpu.memory_space<vmem>>
    %dma_start3A_18 = tpu.memref_squeeze %dma_start3A_17 : memref<1x16xi32, #tpu.memory_space<vmem>> -> memref<16xi32, #tpu.memory_space<vmem>>
    %dma_start3A_19 = arith.constant 0 : i32
    %dma_start3A_20 = arith.constant 0 : i32
    %dma_start3A_21 = tpu.memref_slice %arg2[%dma_start3A_19, %dma_start3A_20] : memref<100000x128xf32, #tpu.memory_space<hbm>> -> memref<100000x128xf32, #tpu.memory_space<hbm>>
    tpu.enqueue_indirect_dma source(%dma_start3A_21 : memref<100000x128xf32, #tpu.memory_space<hbm>>) target(%dma_start3A_15 : memref<16x128xf32, #tpu.memory_space<vmem>>) offsets(%dma_start3A_18 : memref<16xi32, #tpu.memory_space<vmem>>) semaphore(%arg24 : memref<!tpu.dma_semaphore, #tpu.memory_space<semaphore_mem>>)
    %dma_start3A_22 = arith.constant 1 : i32
    %dma_start3A_23 = arith.constant 0 : i32
    %dma_start3A_24 = arith.constant 0 : i32
    %dma_start3A_25 = tpu.memref_slice %arg9[%dma_start3A_23, %dma_start3A_24] : memref<32x128xf32, #tpu.memory_space<vmem>> -> memref<16x128xf32, #tpu.memory_space<vmem>>
    %dma_start3A_26 = arith.constant 0 : i32
    %dma_start3A_27 = tpu.memref_slice %arg6[%dma_start3A_22, %dma_start3A_26] : memref<200x32xi32, #tpu.memory_space<vmem>> -> memref<1x16xi32, #tpu.memory_space<vmem>>
    %dma_start3A_28 = tpu.memref_squeeze %dma_start3A_27 : memref<1x16xi32, #tpu.memory_space<vmem>> -> memref<16xi32, #tpu.memory_space<vmem>>
    %dma_start3A_29 = arith.constant 0 : i32
    %dma_start3A_30 = arith.constant 0 : i32
    %dma_start3A_31 = tpu.memref_slice %arg2[%dma_start3A_29, %dma_start3A_30] : memref<100000x128xf32, #tpu.memory_space<hbm>> -> memref<100000x128xf32, #tpu.memory_space<hbm>>
    tpu.enqueue_indirect_dma source(%dma_start3A_31 : memref<100000x128xf32, #tpu.memory_space<hbm>>) target(%dma_start3A_25 : memref<16x128xf32, #tpu.memory_space<vmem>>) offsets(%dma_start3A_28 : memref<16xi32, #tpu.memory_space<vmem>>) semaphore(%arg25 : memref<!tpu.dma_semaphore, #tpu.memory_space<semaphore_mem>>)
    %dma_start3A_32 = arith.constant 1 : i32
    %dma_start3A_33 = arith.constant 16 : i32
    %dma_start3A_34 = arith.constant 0 : i32
    %dma_start3A_35 = tpu.memref_slice %arg9[%dma_start3A_33, %dma_start3A_34] : memref<32x128xf32, #tpu.memory_space<vmem>> -> memref<16x128xf32, #tpu.memory_space<vmem>>
    %dma_start3A_36 = arith.constant 16 : i32
    %dma_start3A_37 = tpu.memref_slice %arg6[%dma_start3A_32, %dma_start3A_36] : memref<200x32xi32, #tpu.memory_space<vmem>> -> memref<1x16xi32, #tpu.memory_space<vmem>>
    %dma_start3A_38 = tpu.memref_squeeze %dma_start3A_37 : memref<1x16xi32, #tpu.memory_space<vmem>> -> memref<16xi32, #tpu.memory_space<vmem>>
    %dma_start3A_39 = arith.constant 0 : i32
    %dma_start3A_40 = arith.constant 0 : i32
    %dma_start3A_41 = tpu.memref_slice %arg2[%dma_start3A_39, %dma_start3A_40] : memref<100000x128xf32, #tpu.memory_space<hbm>> -> memref<100000x128xf32, #tpu.memory_space<hbm>>
    tpu.enqueue_indirect_dma source(%dma_start3A_41 : memref<100000x128xf32, #tpu.memory_space<hbm>>) target(%dma_start3A_35 : memref<16x128xf32, #tpu.memory_space<vmem>>) offsets(%dma_start3A_38 : memref<16xi32, #tpu.memory_space<vmem>>) semaphore(%arg25 : memref<!tpu.dma_semaphore, #tpu.memory_space<semaphore_mem>>)
    %dma_start3A_42 = arith.constant 2 : i32
    %dma_start3A_43 = arith.constant 0 : i32
    %dma_start3A_44 = arith.constant 0 : i32
    %dma_start3A_45 = tpu.memref_slice %arg10[%dma_start3A_43, %dma_start3A_44] : memref<32x128xf32, #tpu.memory_space<vmem>> -> memref<16x128xf32, #tpu.memory_space<vmem>>
    %dma_start3A_46 = arith.constant 0 : i32
    %dma_start3A_47 = tpu.memref_slice %arg6[%dma_start3A_42, %dma_start3A_46] : memref<200x32xi32, #tpu.memory_space<vmem>> -> memref<1x16xi32, #tpu.memory_space<vmem>>
    %dma_start3A_48 = tpu.memref_squeeze %dma_start3A_47 : memref<1x16xi32, #tpu.memory_space<vmem>> -> memref<16xi32, #tpu.memory_space<vmem>>
    %dma_start3A_49 = arith.constant 0 : i32
    %dma_start3A_50 = arith.constant 0 : i32
    %dma_start3A_51 = tpu.memref_slice %arg2[%dma_start3A_49, %dma_start3A_50] : memref<100000x128xf32, #tpu.memory_space<hbm>> -> memref<100000x128xf32, #tpu.memory_space<hbm>>
    tpu.enqueue_indirect_dma source(%dma_start3A_51 : memref<100000x128xf32, #tpu.memory_space<hbm>>) target(%dma_start3A_45 : memref<16x128xf32, #tpu.memory_space<vmem>>) offsets(%dma_start3A_48 : memref<16xi32, #tpu.memory_space<vmem>>) semaphore(%arg26 : memref<!tpu.dma_semaphore, #tpu.memory_space<semaphore_mem>>)
    %dma_start3A_52 = arith.constant 2 : i32
    %dma_start3A_53 = arith.constant 16 : i32
    %dma_start3A_54 = arith.constant 0 : i32
    %dma_start3A_55 = tpu.memref_slice %arg10[%dma_start3A_53, %dma_start3A_54] : memref<32x128xf32, #tpu.memory_space<vmem>> -> memref<16x128xf32, #tpu.memory_space<vmem>>
    %dma_start3A_56 = arith.constant 16 : i32
    %dma_start3A_57 = tpu.memref_slice %arg6[%dma_start3A_52, %dma_start3A_56] : memref<200x32xi32, #tpu.memory_space<vmem>> -> memref<1x16xi32, #tpu.memory_space<vmem>>
    %dma_start3A_58 = tpu.memref_squeeze %dma_start3A_57 : memref<1x16xi32, #tpu.memory_space<vmem>> -> memref<16xi32, #tpu.memory_space<vmem>>
    %dma_start3A_59 = arith.constant 0 : i32
    %dma_start3A_60 = arith.constant 0 : i32
    %dma_start3A_61 = tpu.memref_slice %arg2[%dma_start3A_59, %dma_start3A_60] : memref<100000x128xf32, #tpu.memory_space<hbm>> -> memref<100000x128xf32, #tpu.memory_space<hbm>>
    tpu.enqueue_indirect_dma source(%dma_start3A_61 : memref<100000x128xf32, #tpu.memory_space<hbm>>) target(%dma_start3A_55 : memref<16x128xf32, #tpu.memory_space<vmem>>) offsets(%dma_start3A_58 : memref<16xi32, #tpu.memory_space<vmem>>) semaphore(%arg26 : memref<!tpu.dma_semaphore, #tpu.memory_space<semaphore_mem>>)
    %dma_start3A_62 = arith.constant 3 : i32
    %dma_start3A_63 = arith.constant 0 : i32
    %dma_start3A_64 = arith.constant 0 : i32
    %dma_start3A_65 = tpu.memref_slice %arg11[%dma_start3A_63, %dma_start3A_64] : memref<32x128xf32, #tpu.memory_space<vmem>> -> memref<16x128xf32, #tpu.memory_space<vmem>>
    %dma_start3A_66 = arith.constant 0 : i32
    %dma_start3A_67 = tpu.memref_slice %arg6[%dma_start3A_62, %dma_start3A_66] : memref<200x32xi32, #tpu.memory_space<vmem>> -> memref<1x16xi32, #tpu.memory_space<vmem>>
    %dma_start3A_68 = tpu.memref_squeeze %dma_start3A_67 : memref<1x16xi32, #tpu.memory_space<vmem>> -> memref<16xi32, #tpu.memory_space<vmem>>
    %dma_start3A_69 = arith.constant 0 : i32
    %dma_start3A_70 = arith.constant 0 : i32
    %dma_start3A_71 = tpu.memref_slice %arg2[%dma_start3A_69, %dma_start3A_70] : memref<100000x128xf32, #tpu.memory_space<hbm>> -> memref<100000x128xf32, #tpu.memory_space<hbm>>
    tpu.enqueue_indirect_dma source(%dma_start3A_71 : memref<100000x128xf32, #tpu.memory_space<hbm>>) target(%dma_start3A_65 : memref<16x128xf32, #tpu.memory_space<vmem>>) offsets(%dma_start3A_68 : memref<16xi32, #tpu.memory_space<vmem>>) semaphore(%arg27 : memref<!tpu.dma_semaphore, #tpu.memory_space<semaphore_mem>>)
    %dma_start3A_72 = arith.constant 3 : i32
    %dma_start3A_73 = arith.constant 16 : i32
    %dma_start3A_74 = arith.constant 0 : i32
    %dma_start3A_75 = tpu.memref_slice %arg11[%dma_start3A_73, %dma_start3A_74] : memref<32x128xf32, #tpu.memory_space<vmem>> -> memref<16x128xf32, #tpu.memory_space<vmem>>
    %dma_start3A_76 = arith.constant 16 : i32
    %dma_start3A_77 = tpu.memref_slice %arg6[%dma_start3A_72, %dma_start3A_76] : memref<200x32xi32, #tpu.memory_space<vmem>> -> memref<1x16xi32, #tpu.memory_space<vmem>>
    %dma_start3A_78 = tpu.memref_squeeze %dma_start3A_77 : memref<1x16xi32, #tpu.memory_space<vmem>> -> memref<16xi32, #tpu.memory_space<vmem>>
    %dma_start3A_79 = arith.constant 0 : i32
    %dma_start3A_80 = arith.constant 0 : i32
    %dma_start3A_81 = tpu.memref_slice %arg2[%dma_start3A_79, %dma_start3A_80] : memref<100000x128xf32, #tpu.memory_space<hbm>> -> memref<100000x128xf32, #tpu.memory_space<hbm>>
    tpu.enqueue_indirect_dma source(%dma_start3A_81 : memref<100000x128xf32, #tpu.memory_space<hbm>>) target(%dma_start3A_75 : memref<16x128xf32, #tpu.memory_space<vmem>>) offsets(%dma_start3A_78 : memref<16xi32, #tpu.memory_space<vmem>>) semaphore(%arg27 : memref<!tpu.dma_semaphore, #tpu.memory_space<semaphore_mem>>)
    %dma_start3A_82 = arith.constant 4 : i32
    %dma_start3A_83 = arith.constant 0 : i32
    %dma_start3A_84 = arith.constant 0 : i32
    %dma_start3A_85 = tpu.memref_slice %arg12[%dma_start3A_83, %dma_start3A_84] : memref<32x128xf32, #tpu.memory_space<vmem>> -> memref<16x128xf32, #tpu.memory_space<vmem>>
    %dma_start3A_86 = arith.constant 0 : i32
    %dma_start3A_87 = tpu.memref_slice %arg6[%dma_start3A_82, %dma_start3A_86] : memref<200x32xi32, #tpu.memory_space<vmem>> -> memref<1x16xi32, #tpu.memory_space<vmem>>
    %dma_start3A_88 = tpu.memref_squeeze %dma_start3A_87 : memref<1x16xi32, #tpu.memory_space<vmem>> -> memref<16xi32, #tpu.memory_space<vmem>>
    %dma_start3A_89 = arith.constant 0 : i32
    %dma_start3A_90 = arith.constant 0 : i32
    %dma_start3A_91 = tpu.memref_slice %arg2[%dma_start3A_89, %dma_start3A_90] : memref<100000x128xf32, #tpu.memory_space<hbm>> -> memref<100000x128xf32, #tpu.memory_space<hbm>>
    tpu.enqueue_indirect_dma source(%dma_start3A_91 : memref<100000x128xf32, #tpu.memory_space<hbm>>) target(%dma_start3A_85 : memref<16x128xf32, #tpu.memory_space<vmem>>) offsets(%dma_start3A_88 : memref<16xi32, #tpu.memory_space<vmem>>) semaphore(%arg28 : memref<!tpu.dma_semaphore, #tpu.memory_space<semaphore_mem>>)
    %dma_start3A_92 = arith.constant 4 : i32
    %dma_start3A_93 = arith.constant 16 : i32
    %dma_start3A_94 = arith.constant 0 : i32
    %dma_start3A_95 = tpu.memref_slice %arg12[%dma_start3A_93, %dma_start3A_94] : memref<32x128xf32, #tpu.memory_space<vmem>> -> memref<16x128xf32, #tpu.memory_space<vmem>>
    %dma_start3A_96 = arith.constant 16 : i32
    %dma_start3A_97 = tpu.memref_slice %arg6[%dma_start3A_92, %dma_start3A_96] : memref<200x32xi32, #tpu.memory_space<vmem>> -> memref<1x16xi32, #tpu.memory_space<vmem>>
    %dma_start3A_98 = tpu.memref_squeeze %dma_start3A_97 : memref<1x16xi32, #tpu.memory_space<vmem>> -> memref<16xi32, #tpu.memory_space<vmem>>
    %dma_start3A_99 = arith.constant 0 : i32
    %dma_start3A_100 = arith.constant 0 : i32
    %dma_start3A_101 = tpu.memref_slice %arg2[%dma_start3A_99, %dma_start3A_100] : memref<100000x128xf32, #tpu.memory_space<hbm>> -> memref<100000x128xf32, #tpu.memory_space<hbm>>
    tpu.enqueue_indirect_dma source(%dma_start3A_101 : memref<100000x128xf32, #tpu.memory_space<hbm>>) target(%dma_start3A_95 : memref<16x128xf32, #tpu.memory_space<vmem>>) offsets(%dma_start3A_98 : memref<16xi32, #tpu.memory_space<vmem>>) semaphore(%arg28 : memref<!tpu.dma_semaphore, #tpu.memory_space<semaphore_mem>>)
    %dma_start3A_102 = arith.constant 5 : i32
    %dma_start3A_103 = arith.constant 0 : i32
    %dma_start3A_104 = arith.constant 0 : i32
    %dma_start3A_105 = tpu.memref_slice %arg13[%dma_start3A_103, %dma_start3A_104] : memref<32x128xf32, #tpu.memory_space<vmem>> -> memref<16x128xf32, #tpu.memory_space<vmem>>
    %dma_start3A_106 = arith.constant 0 : i32
    %dma_start3A_107 = tpu.memref_slice %arg6[%dma_start3A_102, %dma_start3A_106] : memref<200x32xi32, #tpu.memory_space<vmem>> -> memref<1x16xi32, #tpu.memory_space<vmem>>
    %dma_start3A_108 = tpu.memref_squeeze %dma_start3A_107 : memref<1x16xi32, #tpu.memory_space<vmem>> -> memref<16xi32, #tpu.memory_space<vmem>>
    %dma_start3A_109 = arith.constant 0 : i32
    %dma_start3A_110 = arith.constant 0 : i32
    %dma_start3A_111 = tpu.memref_slice %arg2[%dma_start3A_109, %dma_start3A_110] : memref<100000x128xf32, #tpu.memory_space<hbm>> -> memref<100000x128xf32, #tpu.memory_space<hbm>>
    tpu.enqueue_indirect_dma source(%dma_start3A_111 : memref<100000x128xf32, #tpu.memory_space<hbm>>) target(%dma_start3A_105 : memref<16x128xf32, #tpu.memory_space<vmem>>) offsets(%dma_start3A_108 : memref<16xi32, #tpu.memory_space<vmem>>) semaphore(%arg29 : memref<!tpu.dma_semaphore, #tpu.memory_space<semaphore_mem>>)
    %dma_start3A_112 = arith.constant 5 : i32
    %dma_start3A_113 = arith.constant 16 : i32
    %dma_start3A_114 = arith.constant 0 : i32
    %dma_start3A_115 = tpu.memref_slice %arg13[%dma_start3A_113, %dma_start3A_114] : memref<32x128xf32, #tpu.memory_space<vmem>> -> memref<16x128xf32, #tpu.memory_space<vmem>>
    %dma_start3A_116 = arith.constant 16 : i32
    %dma_start3A_117 = tpu.memref_slice %arg6[%dma_start3A_112, %dma_start3A_116] : memref<200x32xi32, #tpu.memory_space<vmem>> -> memref<1x16xi32, #tpu.memory_space<vmem>>
    %dma_start3A_118 = tpu.memref_squeeze %dma_start3A_117 : memref<1x16xi32, #tpu.memory_space<vmem>> -> memref<16xi32, #tpu.memory_space<vmem>>
    %dma_start3A_119 = arith.constant 0 : i32
    %dma_start3A_120 = arith.constant 0 : i32
    %dma_start3A_121 = tpu.memref_slice %arg2[%dma_start3A_119, %dma_start3A_120] : memref<100000x128xf32, #tpu.memory_space<hbm>> -> memref<100000x128xf32, #tpu.memory_space<hbm>>
    tpu.enqueue_indirect_dma source(%dma_start3A_121 : memref<100000x128xf32, #tpu.memory_space<hbm>>) target(%dma_start3A_115 : memref<16x128xf32, #tpu.memory_space<vmem>>) offsets(%dma_start3A_118 : memref<16xi32, #tpu.memory_space<vmem>>) semaphore(%arg29 : memref<!tpu.dma_semaphore, #tpu.memory_space<semaphore_mem>>)
    %dma_start3A_122 = arith.constant 6 : i32
    %dma_start3A_123 = arith.constant 0 : i32
    %dma_start3A_124 = arith.constant 0 : i32
    %dma_start3A_125 = tpu.memref_slice %arg14[%dma_start3A_123, %dma_start3A_124] : memref<32x128xf32, #tpu.memory_space<vmem>> -> memref<16x128xf32, #tpu.memory_space<vmem>>
    %dma_start3A_126 = arith.constant 0 : i32
    %dma_start3A_127 = tpu.memref_slice %arg6[%dma_start3A_122, %dma_start3A_126] : memref<200x32xi32, #tpu.memory_space<vmem>> -> memref<1x16xi32, #tpu.memory_space<vmem>>
    %dma_start3A_128 = tpu.memref_squeeze %dma_start3A_127 : memref<1x16xi32, #tpu.memory_space<vmem>> -> memref<16xi32, #tpu.memory_space<vmem>>
    %dma_start3A_129 = arith.constant 0 : i32
    %dma_start3A_130 = arith.constant 0 : i32
    %dma_start3A_131 = tpu.memref_slice %arg2[%dma_start3A_129, %dma_start3A_130] : memref<100000x128xf32, #tpu.memory_space<hbm>> -> memref<100000x128xf32, #tpu.memory_space<hbm>>
    tpu.enqueue_indirect_dma source(%dma_start3A_131 : memref<100000x128xf32, #tpu.memory_space<hbm>>) target(%dma_start3A_125 : memref<16x128xf32, #tpu.memory_space<vmem>>) offsets(%dma_start3A_128 : memref<16xi32, #tpu.memory_space<vmem>>) semaphore(%arg30 : memref<!tpu.dma_semaphore, #tpu.memory_space<semaphore_mem>>)
    %dma_start3A_132 = arith.constant 6 : i32
    %dma_start3A_133 = arith.constant 16 : i32
    %dma_start3A_134 = arith.constant 0 : i32
    %dma_start3A_135 = tpu.memref_slice %arg14[%dma_start3A_133, %dma_start3A_134] : memref<32x128xf32, #tpu.memory_space<vmem>> -> memref<16x128xf32, #tpu.memory_space<vmem>>
    %dma_start3A_136 = arith.constant 16 : i32
    %dma_start3A_137 = tpu.memref_slice %arg6[%dma_start3A_132, %dma_start3A_136] : memref<200x32xi32, #tpu.memory_space<vmem>> -> memref<1x16xi32, #tpu.memory_space<vmem>>
    %dma_start3A_138 = tpu.memref_squeeze %dma_start3A_137 : memref<1x16xi32, #tpu.memory_space<vmem>> -> memref<16xi32, #tpu.memory_space<vmem>>
    %dma_start3A_139 = arith.constant 0 : i32
    %dma_start3A_140 = arith.constant 0 : i32
    %dma_start3A_141 = tpu.memref_slice %arg2[%dma_start3A_139, %dma_start3A_140] : memref<100000x128xf32, #tpu.memory_space<hbm>> -> memref<100000x128xf32, #tpu.memory_space<hbm>>
    tpu.enqueue_indirect_dma source(%dma_start3A_141 : memref<100000x128xf32, #tpu.memory_space<hbm>>) target(%dma_start3A_135 : memref<16x128xf32, #tpu.memory_space<vmem>>) offsets(%dma_start3A_138 : memref<16xi32, #tpu.memory_space<vmem>>) semaphore(%arg30 : memref<!tpu.dma_semaphore, #tpu.memory_space<semaphore_mem>>)
    %dma_start3A_142 = arith.constant 7 : i32
    %dma_start3A_143 = arith.constant 0 : i32
    %dma_start3A_144 = arith.constant 0 : i32
    %dma_start3A_145 = tpu.memref_slice %arg15[%dma_start3A_143, %dma_start3A_144] : memref<32x128xf32, #tpu.memory_space<vmem>> -> memref<16x128xf32, #tpu.memory_space<vmem>>
    %dma_start3A_146 = arith.constant 0 : i32
    %dma_start3A_147 = tpu.memref_slice %arg6[%dma_start3A_142, %dma_start3A_146] : memref<200x32xi32, #tpu.memory_space<vmem>> -> memref<1x16xi32, #tpu.memory_space<vmem>>
    %dma_start3A_148 = tpu.memref_squeeze %dma_start3A_147 : memref<1x16xi32, #tpu.memory_space<vmem>> -> memref<16xi32, #tpu.memory_space<vmem>>
    %dma_start3A_149 = arith.constant 0 : i32
    %dma_start3A_150 = arith.constant 0 : i32
    %dma_start3A_151 = tpu.memref_slice %arg2[%dma_start3A_149, %dma_start3A_150] : memref<100000x128xf32, #tpu.memory_space<hbm>> -> memref<100000x128xf32, #tpu.memory_space<hbm>>
    tpu.enqueue_indirect_dma source(%dma_start3A_151 : memref<100000x128xf32, #tpu.memory_space<hbm>>) target(%dma_start3A_145 : memref<16x128xf32, #tpu.memory_space<vmem>>) offsets(%dma_start3A_148 : memref<16xi32, #tpu.memory_space<vmem>>) semaphore(%arg31 : memref<!tpu.dma_semaphore, #tpu.memory_space<semaphore_mem>>)
    %dma_start3A_152 = arith.constant 7 : i32
    %dma_start3A_153 = arith.constant 16 : i32
    %dma_start3A_154 = arith.constant 0 : i32
    %dma_start3A_155 = tpu.memref_slice %arg15[%dma_start3A_153, %dma_start3A_154] : memref<32x128xf32, #tpu.memory_space<vmem>> -> memref<16x128xf32, #tpu.memory_space<vmem>>
    %dma_start3A_156 = arith.constant 16 : i32
    %dma_start3A_157 = tpu.memref_slice %arg6[%dma_start3A_152, %dma_start3A_156] : memref<200x32xi32, #tpu.memory_space<vmem>> -> memref<1x16xi32, #tpu.memory_space<vmem>>
    %dma_start3A_158 = tpu.memref_squeeze %dma_start3A_157 : memref<1x16xi32, #tpu.memory_space<vmem>> -> memref<16xi32, #tpu.memory_space<vmem>>
    %dma_start3A_159 = arith.constant 0 : i32
    %dma_start3A_160 = arith.constant 0 : i32
    %dma_start3A_161 = tpu.memref_slice %arg2[%dma_start3A_159, %dma_start3A_160] : memref<100000x128xf32, #tpu.memory_space<hbm>> -> memref<100000x128xf32, #tpu.memory_space<hbm>>
    tpu.enqueue_indirect_dma source(%dma_start3A_161 : memref<100000x128xf32, #tpu.memory_space<hbm>>) target(%dma_start3A_155 : memref<16x128xf32, #tpu.memory_space<vmem>>) offsets(%dma_start3A_158 : memref<16xi32, #tpu.memory_space<vmem>>) semaphore(%arg31 : memref<!tpu.dma_semaphore, #tpu.memory_space<semaphore_mem>>)
    "tpu.region"() ({
      %run_scoped3A = tpu.sem_alloc : memref<!tpu.dma_semaphore, #tpu.memory_space<semaphore_mem>>
      tpu.enqueue_dma source(%arg4 : memref<200x128xf32, #tpu.memory_space<hbm>>) target(%arg7 : memref<200x128xf32, #tpu.memory_space<vmem>>) target_semaphore(%run_scoped3A : memref<!tpu.dma_semaphore, #tpu.memory_space<semaphore_mem>>)
      tpu.wait_dma2 semaphore(%run_scoped3A : memref<!tpu.dma_semaphore, #tpu.memory_space<semaphore_mem>>) src(%arg4 : memref<200x128xf32, #tpu.memory_space<hbm>>) dst(%arg7 : memref<200x128xf32, #tpu.memory_space<vmem>>)
      tpu.yield
    }) : () -> ()
    %scan3A = arith.constant 0 : i32
    %scan3A_162 = arith.constant 0 : i32
    %scan3A_163 = arith.constant 25 : i32
    %scan3A_164 = arith.addi %scan3A_162, %scan3A_163 : i32
    %scan3A_165 = arith.constant 1 : i32
    %scan3A_166 = scf.for %scan3A_215 = %scan3A_162 to %scan3A_164 step %scan3A_165 iter_args(%scan3A_216 = %scan3A) -> (i32)  : i32 {
      %mul3A_217 = arith.constant 8 : i32
      %mul3A_218 = arith.muli %scan3A_215, %mul3A_217 : i32
      %add3A_219 = arith.constant 0 : i32
      %add3A_220 = arith.addi %mul3A_218, %add3A_219 : i32
      %dma_wait3A_221 = arith.constant 0 : i32
      %dma_wait3A_222 = arith.constant 0 : i32
      %dma_wait3A_223 = tpu.memref_slice %arg8[%dma_wait3A_221, %dma_wait3A_222] : memref<32x128xf32, #tpu.memory_space<vmem>> -> memref<16x128xf32, #tpu.memory_space<vmem>>
      %dma_wait3A_224 = arith.constant 0 : i32
      %dma_wait3A_225 = tpu.memref_slice %arg6[%add3A_220, %dma_wait3A_224] : memref<200x32xi32, #tpu.memory_space<vmem>> -> memref<1x16xi32, #tpu.memory_space<vmem>>
      %dma_wait3A_226 = tpu.memref_squeeze %dma_wait3A_225 : memref<1x16xi32, #tpu.memory_space<vmem>> -> memref<16xi32, #tpu.memory_space<vmem>>
      %dma_wait3A_227 = arith.constant 0 : i32
      %dma_wait3A_228 = arith.constant 0 : i32
      %dma_wait3A_229 = tpu.memref_slice %arg2[%dma_wait3A_227, %dma_wait3A_228] : memref<100000x128xf32, #tpu.memory_space<hbm>> -> memref<100000x128xf32, #tpu.memory_space<hbm>>
      tpu.wait_indirect_dma semaphore(%arg24 : memref<!tpu.dma_semaphore, #tpu.memory_space<semaphore_mem>>) src(%dma_wait3A_229 : memref<100000x128xf32, #tpu.memory_space<hbm>>) dst(%dma_wait3A_223 : memref<16x128xf32, #tpu.memory_space<vmem>>)
      %dma_wait3A_230 = arith.constant 16 : i32
      %dma_wait3A_231 = arith.constant 0 : i32
      %dma_wait3A_232 = tpu.memref_slice %arg8[%dma_wait3A_230, %dma_wait3A_231] : memref<32x128xf32, #tpu.memory_space<vmem>> -> memref<16x128xf32, #tpu.memory_space<vmem>>
      %dma_wait3A_233 = arith.constant 16 : i32
      %dma_wait3A_234 = tpu.memref_slice %arg6[%add3A_220, %dma_wait3A_233] : memref<200x32xi32, #tpu.memory_space<vmem>> -> memref<1x16xi32, #tpu.memory_space<vmem>>
      %dma_wait3A_235 = tpu.memref_squeeze %dma_wait3A_234 : memref<1x16xi32, #tpu.memory_space<vmem>> -> memref<16xi32, #tpu.memory_space<vmem>>
      %dma_wait3A_236 = arith.constant 0 : i32
      %dma_wait3A_237 = arith.constant 0 : i32
      %dma_wait3A_238 = tpu.memref_slice %arg2[%dma_wait3A_236, %dma_wait3A_237] : memref<100000x128xf32, #tpu.memory_space<hbm>> -> memref<100000x128xf32, #tpu.memory_space<hbm>>
      tpu.wait_indirect_dma semaphore(%arg24 : memref<!tpu.dma_semaphore, #tpu.memory_space<semaphore_mem>>) src(%dma_wait3A_238 : memref<100000x128xf32, #tpu.memory_space<hbm>>) dst(%dma_wait3A_232 : memref<16x128xf32, #tpu.memory_space<vmem>>)
      %gt3A = arith.constant 0 : i32
      %gt3A_239 = arith.cmpi sgt, %scan3A_215, %gt3A : i32
      %convert_element_type3A = arith.extui %gt3A_239 : i1 to i32
      %cond3A = arith.constant 0 : i32
      %cond3A_240 = arith.cmpi ne, %convert_element_type3A, %cond3A : i32
      scf.if %cond3A_240 {
        %sub3A = arith.constant 8 : i32
        %sub3A_973 = arith.subi %add3A_220, %sub3A : i32
        %mul3A_974 = arith.constant 1 : i32
        %mul3A_975 = arith.muli %sub3A_973, %mul3A_974 : i32
        %dma_wait3A_976 = arith.constant 0 : i32
        %dma_wait3A_977 = tpu.memref_slice %arg5[%mul3A_2, %mul3A_975, %dma_wait3A_976] : memref<1024x200x128xf32, #tpu.memory_space<hbm>> -> memref<32x1x128xf32, #tpu.memory_space<hbm>>
        %dma_wait3A_978 = arith.constant 0 : i32
        %dma_wait3A_979 = tpu.memref_slice %arg5[%mul3A_2, %mul3A_975, %dma_wait3A_978] : memref<1024x200x128xf32, #tpu.memory_space<hbm>> -> memref<32x1x128xf32, #tpu.memory_space<hbm>>
        tpu.wait_dma2 semaphore(%arg32 : memref<!tpu.dma_semaphore, #tpu.memory_space<semaphore_mem>>) src(%arg16 : memref<32x1x128xf32, #tpu.memory_space<vmem>>) dst(%dma_wait3A_979 : memref<32x1x128xf32, #tpu.memory_space<hbm>>)
      } else {
      }
      %mul3A_241 = arith.constant 1 : i32
      %mul3A_242 = arith.muli %add3A_220, %mul3A_241 : i32
      %add3A_243 = arith.constant 0 : i32
      %add3A_244 = arith.addi %mul3A_242, %add3A_243 : i32
      %get3A = arith.index_cast %add3A_244 : i32 to index
      %get3A_245 = arith.constant 0 : index
      %get3A_246 = tpu.vector_load %arg7[%get3A, %get3A_245] {strides = array<i32>} : memref<200x128xf32, #tpu.memory_space<vmem>>, vector<1x16xf32>,
      %get3A_247 = vector.shape_cast %get3A_246 : vector<1x16xf32> to vector<16xf32>
      %add3A_248 = arith.constant 0 : i32
      %add3A_249 = arith.addi %mul3A_242, %add3A_248 : i32
      %get3A_250 = arith.index_cast %add3A_249 : i32 to index
      %get3A_251 = arith.constant 16 : index
      %get3A_252 = tpu.vector_load %arg7[%get3A_250, %get3A_251] {strides = array<i32>} : memref<200x128xf32, #tpu.memory_space<vmem>>, vector<1x16xf32>,
      %get3A_253 = vector.shape_cast %get3A_252 : vector<1x16xf32> to vector<16xf32>
      %add3A_254 = arith.constant 0 : i32
      %add3A_255 = arith.addi %mul3A_242, %add3A_254 : i32
      %get3A_256 = arith.index_cast %add3A_255 : i32 to index
      %get3A_257 = arith.constant 32 : index
      %get3A_258 = tpu.vector_load %arg7[%get3A_256, %get3A_257] {strides = array<i32>} : memref<200x128xf32, #tpu.memory_space<vmem>>, vector<1x16xf32>,
      %get3A_259 = vector.shape_cast %get3A_258 : vector<1x16xf32> to vector<16xf32>
      %add3A_260 = arith.constant 0 : i32
      %add3A_261 = arith.addi %mul3A_242, %add3A_260 : i32
      %get3A_262 = arith.index_cast %add3A_261 : i32 to index
      %get3A_263 = arith.constant 48 : index
      %get3A_264 = tpu.vector_load %arg7[%get3A_262, %get3A_263] {strides = array<i32>} : memref<200x128xf32, #tpu.memory_space<vmem>>, vector<1x16xf32>,
      %get3A_265 = vector.shape_cast %get3A_264 : vector<1x16xf32> to vector<16xf32>
      %add3A_266 = arith.constant 0 : i32
      %add3A_267 = arith.addi %mul3A_242, %add3A_266 : i32
      %get3A_268 = arith.index_cast %add3A_267 : i32 to index
      %get3A_269 = arith.constant 64 : index
      %get3A_270 = tpu.vector_load %arg7[%get3A_268, %get3A_269] {strides = array<i32>} : memref<200x128xf32, #tpu.memory_space<vmem>>, vector<1x16xf32>,
      %get3A_271 = vector.shape_cast %get3A_270 : vector<1x16xf32> to vector<16xf32>
      %add3A_272 = arith.constant 0 : i32
      %add3A_273 = arith.addi %mul3A_242, %add3A_272 : i32
      %get3A_274 = arith.index_cast %add3A_273 : i32 to index
      %get3A_275 = arith.constant 80 : index
      %get3A_276 = tpu.vector_load %arg7[%get3A_274, %get3A_275] {strides = array<i32>} : memref<200x128xf32, #tpu.memory_space<vmem>>, vector<1x16xf32>,
      %get3A_277 = vector.shape_cast %get3A_276 : vector<1x16xf32> to vector<16xf32>
      %add3A_278 = arith.constant 0 : i32
      %add3A_279 = arith.addi %mul3A_242, %add3A_278 : i32
      %get3A_280 = arith.index_cast %add3A_279 : i32 to index
      %get3A_281 = arith.constant 96 : index
      %get3A_282 = tpu.vector_load %arg7[%get3A_280, %get3A_281] {strides = array<i32>} : memref<200x128xf32, #tpu.memory_space<vmem>>, vector<1x16xf32>,
      %get3A_283 = vector.shape_cast %get3A_282 : vector<1x16xf32> to vector<16xf32>
      %add3A_284 = arith.constant 0 : i32
      %add3A_285 = arith.addi %mul3A_242, %add3A_284 : i32
      %get3A_286 = arith.index_cast %add3A_285 : i32 to index
      %get3A_287 = arith.constant 112 : index
      %get3A_288 = tpu.vector_load %arg7[%get3A_286, %get3A_287] {strides = array<i32>} : memref<200x128xf32, #tpu.memory_space<vmem>>, vector<1x16xf32>,
      %get3A_289 = vector.shape_cast %get3A_288 : vector<1x16xf32> to vector<16xf32>
      %scan3A_290 = arith.constant 0 : i32
      %scan3A_291 = arith.constant 0 : i32
      %scan3A_292 = arith.constant 32 : i32
      %scan3A_293 = arith.addi %scan3A_291, %scan3A_292 : i32
      %scan3A_294 = arith.constant 1 : i32
      %scan3A_295 = scf.for %scan3A_973 = %scan3A_291 to %scan3A_293 step %scan3A_294 iter_args(%scan3A_974 = %scan3A_290) -> (i32)  : i32 {
        %mul3A_975 = arith.constant 1 : i32
        %mul3A_976 = arith.muli %scan3A_973, %mul3A_975 : i32
        %add3A_977 = arith.constant 0 : i32
        %add3A_978 = arith.addi %mul3A_976, %add3A_977 : i32
        %get3A_979 = arith.index_cast %add3A_978 : i32 to index
        %get3A_980 = arith.constant 0 : index
        %get3A_981 = tpu.vector_load %arg8[%get3A_979, %get3A_980] {strides = array<i32>} : memref<32x128xf32, #tpu.memory_space<vmem>>, vector<1x16xf32>,
        %get3A_982 = vector.shape_cast %get3A_981 : vector<1x16xf32> to vector<16xf32>
        %mul3A_983 = arith.constant 11.3137083 : f32
        %mul3A_984 = vector.broadcast %mul3A_983 : f32 to vector<16xf32>
        %mul3A_985 = arith.mulf %get3A_982, %mul3A_984 : vector<16xf32>
        %add3A_986 = arith.addf %mul3A_985, %get3A_247 : vector<16xf32>
        %swap3A = arith.constant 0 : i32
        %swap3A_987 = arith.index_cast %scan3A_973 : i32 to index
        %swap3A_988 = arith.index_cast %swap3A : i32 to index
        %swap3A_989 = arith.constant 0 : index
        %swap3A_990 = tpu.vector_load %arg16[%swap3A_987, %swap3A_988, %swap3A_989] {strides = array<i32>} : memref<32x1x128xf32, #tpu.memory_space<vmem>>, vector<1x1x16xf32>,
        %swap3A_991 = vector.shape_cast %swap3A_990 : vector<1x1x16xf32> to vector<16xf32>
        %swap3A_992 = vector.shape_cast %add3A_986 : vector<16xf32> to vector<1x1x16xf32>
        tpu.vector_store %arg16[%swap3A_987, %swap3A_988, %swap3A_989], %swap3A_992 {strides = array<i32>} : memref<32x1x128xf32, #tpu.memory_space<vmem>>, vector<1x1x16xf32>,
        %get3A_993 = arith.index_cast %add3A_978 : i32 to index
        %get3A_994 = arith.constant 16 : index
        %get3A_995 = tpu.vector_load %arg8[%get3A_993, %get3A_994] {strides = array<i32>} : memref<32x128xf32, #tpu.memory_space<vmem>>, vector<1x16xf32>,
        %get3A_996 = vector.shape_cast %get3A_995 : vector<1x16xf32> to vector<16xf32>
        %mul3A_997 = arith.constant 11.3137083 : f32
        %mul3A_998 = vector.broadcast %mul3A_997 : f32 to vector<16xf32>
        %mul3A_999 = arith.mulf %get3A_996, %mul3A_998 : vector<16xf32>
        %add3A_1000 = arith.addf %mul3A_999, %get3A_253 : vector<16xf32>
        %swap3A_1001 = arith.constant 0 : i32
        %swap3A_1002 = arith.index_cast %scan3A_973 : i32 to index
        %swap3A_1003 = arith.index_cast %swap3A_1001 : i32 to index
        %swap3A_1004 = arith.constant 16 : index
        %swap3A_1005 = tpu.vector_load %arg16[%swap3A_1002, %swap3A_1003, %swap3A_1004] {strides = array<i32>} : memref<32x1x128xf32, #tpu.memory_space<vmem>>, vector<1x1x16xf32>,
        %swap3A_1006 = vector.shape_cast %swap3A_1005 : vector<1x1x16xf32> to vector<16xf32>
        %swap3A_1007 = vector.shape_cast %add3A_1000 : vector<16xf32> to vector<1x1x16xf32>
        tpu.vector_store %arg16[%swap3A_1002, %swap3A_1003, %swap3A_1004], %swap3A_1007 {strides = array<i32>} : memref<32x1x128xf32, #tpu.memory_space<vmem>>, vector<1x1x16xf32>,
        %get3A_1008 = arith.index_cast %add3A_978 : i32 to index
        %get3A_1009 = arith.constant 32 : index
        %get3A_1010 = tpu.vector_load %arg8[%get3A_1008, %get3A_1009] {strides = array<i32>} : memref<32x128xf32, #tpu.memory_space<vmem>>, vector<1x16xf32>,
        %get3A_1011 = vector.shape_cast %get3A_1010 : vector<1x16xf32> to vector<16xf32>
        %mul3A_1012 = arith.constant 11.3137083 : f32
        %mul3A_1013 = vector.broadcast %mul3A_1012 : f32 to vector<16xf32>
        %mul3A_1014 = arith.mulf %get3A_1011, %mul3A_1013 : vector<16xf32>
        %add3A_1015 = arith.addf %mul3A_1014, %get3A_259 : vector<16xf32>
        %swap3A_1016 = arith.constant 0 : i32
        %swap3A_1017 = arith.index_cast %scan3A_973 : i32 to index
        %swap3A_1018 = arith.index_cast %swap3A_1016 : i32 to index
        %swap3A_1019 = arith.constant 32 : index
        %swap3A_1020 = tpu.vector_load %arg16[%swap3A_1017, %swap3A_1018, %swap3A_1019] {strides = array<i32>} : memref<32x1x128xf32, #tpu.memory_space<vmem>>, vector<1x1x16xf32>,
        %swap3A_1021 = vector.shape_cast %swap3A_1020 : vector<1x1x16xf32> to vector<16xf32>
        %swap3A_1022 = vector.shape_cast %add3A_1015 : vector<16xf32> to vector<1x1x16xf32>
        tpu.vector_store %arg16[%swap3A_1017, %swap3A_1018, %swap3A_1019], %swap3A_1022 {strides = array<i32>} : memref<32x1x128xf32, #tpu.memory_space<vmem>>, vector<1x1x16xf32>,
        %get3A_1023 = arith.index_cast %add3A_978 : i32 to index
        %get3A_1024 = arith.constant 48 : index
        %get3A_1025 = tpu.vector_load %arg8[%get3A_1023, %get3A_1024] {strides = array<i32>} : memref<32x128xf32, #tpu.memory_space<vmem>>, vector<1x16xf32>,
        %get3A_1026 = vector.shape_cast %get3A_1025 : vector<1x16xf32> to vector<16xf32>
        %mul3A_1027 = arith.constant 11.3137083 : f32
        %mul3A_1028 = vector.broadcast %mul3A_1027 : f32 to vector<16xf32>
        %mul3A_1029 = arith.mulf %get3A_1026, %mul3A_1028 : vector<16xf32>
        %add3A_1030 = arith.addf %mul3A_1029, %get3A_265 : vector<16xf32>
        %swap3A_1031 = arith.constant 0 : i32
        %swap3A_1032 = arith.index_cast %scan3A_973 : i32 to index
        %swap3A_1033 = arith.index_cast %swap3A_1031 : i32 to index
        %swap3A_1034 = arith.constant 48 : index
        %swap3A_1035 = tpu.vector_load %arg16[%swap3A_1032, %swap3A_1033, %swap3A_1034] {strides = array<i32>} : memref<32x1x128xf32, #tpu.memory_space<vmem>>, vector<1x1x16xf32>,
        %swap3A_1036 = vector.shape_cast %swap3A_1035 : vector<1x1x16xf32> to vector<16xf32>
        %swap3A_1037 = vector.shape_cast %add3A_1030 : vector<16xf32> to vector<1x1x16xf32>
        tpu.vector_store %arg16[%swap3A_1032, %swap3A_1033, %swap3A_1034], %swap3A_1037 {strides = array<i32>} : memref<32x1x128xf32, #tpu.memory_space<vmem>>, vector<1x1x16xf32>,
        %get3A_1038 = arith.index_cast %add3A_978 : i32 to index
        %get3A_1039 = arith.constant 64 : index
        %get3A_1040 = tpu.vector_load %arg8[%get3A_1038, %get3A_1039] {strides = array<i32>} : memref<32x128xf32, #tpu.memory_space<vmem>>, vector<1x16xf32>,
        %get3A_1041 = vector.shape_cast %get3A_1040 : vector<1x16xf32> to vector<16xf32>
        %mul3A_1042 = arith.constant 11.3137083 : f32
        %mul3A_1043 = vector.broadcast %mul3A_1042 : f32 to vector<16xf32>
        %mul3A_1044 = arith.mulf %get3A_1041, %mul3A_1043 : vector<16xf32>
        %add3A_1045 = arith.addf %mul3A_1044, %get3A_271 : vector<16xf32>
        %swap3A_1046 = arith.constant 0 : i32
        %swap3A_1047 = arith.index_cast %scan3A_973 : i32 to index
        %swap3A_1048 = arith.index_cast %swap3A_1046 : i32 to index
        %swap3A_1049 = arith.constant 64 : index
        %swap3A_1050 = tpu.vector_load %arg16[%swap3A_1047, %swap3A_1048, %swap3A_1049] {strides = array<i32>} : memref<32x1x128xf32, #tpu.memory_space<vmem>>, vector<1x1x16xf32>,
        %swap3A_1051 = vector.shape_cast %swap3A_1050 : vector<1x1x16xf32> to vector<16xf32>
        %swap3A_1052 = vector.shape_cast %add3A_1045 : vector<16xf32> to vector<1x1x16xf32>
        tpu.vector_store %arg16[%swap3A_1047, %swap3A_1048, %swap3A_1049], %swap3A_1052 {strides = array<i32>} : memref<32x1x128xf32, #tpu.memory_space<vmem>>, vector<1x1x16xf32>,
        %get3A_1053 = arith.index_cast %add3A_978 : i32 to index
        %get3A_1054 = arith.constant 80 : index
        %get3A_1055 = tpu.vector_load %arg8[%get3A_1053, %get3A_1054] {strides = array<i32>} : memref<32x128xf32, #tpu.memory_space<vmem>>, vector<1x16xf32>,
        %get3A_1056 = vector.shape_cast %get3A_1055 : vector<1x16xf32> to vector<16xf32>
        %mul3A_1057 = arith.constant 11.3137083 : f32
        %mul3A_1058 = vector.broadcast %mul3A_1057 : f32 to vector<16xf32>
        %mul3A_1059 = arith.mulf %get3A_1056, %mul3A_1058 : vector<16xf32>
        %add3A_1060 = arith.addf %mul3A_1059, %get3A_277 : vector<16xf32>
        %swap3A_1061 = arith.constant 0 : i32
        %swap3A_1062 = arith.index_cast %scan3A_973 : i32 to index
        %swap3A_1063 = arith.index_cast %swap3A_1061 : i32 to index
        %swap3A_1064 = arith.constant 80 : index
        %swap3A_1065 = tpu.vector_load %arg16[%swap3A_1062, %swap3A_1063, %swap3A_1064] {strides = array<i32>} : memref<32x1x128xf32, #tpu.memory_space<vmem>>, vector<1x1x16xf32>,
        %swap3A_1066 = vector.shape_cast %swap3A_1065 : vector<1x1x16xf32> to vector<16xf32>
        %swap3A_1067 = vector.shape_cast %add3A_1060 : vector<16xf32> to vector<1x1x16xf32>
        tpu.vector_store %arg16[%swap3A_1062, %swap3A_1063, %swap3A_1064], %swap3A_1067 {strides = array<i32>} : memref<32x1x128xf32, #tpu.memory_space<vmem>>, vector<1x1x16xf32>,
        %get3A_1068 = arith.index_cast %add3A_978 : i32 to index
        %get3A_1069 = arith.constant 96 : index
        %get3A_1070 = tpu.vector_load %arg8[%get3A_1068, %get3A_1069] {strides = array<i32>} : memref<32x128xf32, #tpu.memory_space<vmem>>, vector<1x16xf32>,
        %get3A_1071 = vector.shape_cast %get3A_1070 : vector<1x16xf32> to vector<16xf32>
        %mul3A_1072 = arith.constant 11.3137083 : f32
        %mul3A_1073 = vector.broadcast %mul3A_1072 : f32 to vector<16xf32>
        %mul3A_1074 = arith.mulf %get3A_1071, %mul3A_1073 : vector<16xf32>
        %add3A_1075 = arith.addf %mul3A_1074, %get3A_283 : vector<16xf32>
        %swap3A_1076 = arith.constant 0 : i32
        %swap3A_1077 = arith.index_cast %scan3A_973 : i32 to index
        %swap3A_1078 = arith.index_cast %swap3A_1076 : i32 to index
        %swap3A_1079 = arith.constant 96 : index
        %swap3A_1080 = tpu.vector_load %arg16[%swap3A_1077, %swap3A_1078, %swap3A_1079] {strides = array<i32>} : memref<32x1x128xf32, #tpu.memory_space<vmem>>, vector<1x1x16xf32>,
        %swap3A_1081 = vector.shape_cast %swap3A_1080 : vector<1x1x16xf32> to vector<16xf32>
        %swap3A_1082 = vector.shape_cast %add3A_1075 : vector<16xf32> to vector<1x1x16xf32>
        tpu.vector_store %arg16[%swap3A_1077, %swap3A_1078, %swap3A_1079], %swap3A_1082 {strides = array<i32>} : memref<32x1x128xf32, #tpu.memory_space<vmem>>, vector<1x1x16xf32>,
        %get3A_1083 = arith.index_cast %add3A_978 : i32 to index
        %get3A_1084 = arith.constant 112 : index
        %get3A_1085 = tpu.vector_load %arg8[%get3A_1083, %get3A_1084] {strides = array<i32>} : memref<32x128xf32, #tpu.memory_space<vmem>>, vector<1x16xf32>,
        %get3A_1086 = vector.shape_cast %get3A_1085 : vector<1x16xf32> to vector<16xf32>
        %mul3A_1087 = arith.constant 11.3137083 : f32
        %mul3A_1088 = vector.broadcast %mul3A_1087 : f32 to vector<16xf32>
        %mul3A_1089 = arith.mulf %get3A_1086, %mul3A_1088 : vector<16xf32>
        %add3A_1090 = arith.addf %mul3A_1089, %get3A_289 : vector<16xf32>
        %swap3A_1091 = arith.constant 0 : i32
        %swap3A_1092 = arith.index_cast %scan3A_973 : i32 to index
        %swap3A_1093 = arith.index_cast %swap3A_1091 : i32 to index
        %swap3A_1094 = arith.constant 112 : index
        %swap3A_1095 = tpu.vector_load %arg16[%swap3A_1092, %swap3A_1093, %swap3A_1094] {strides = array<i32>} : memref<32x1x128xf32, #tpu.memory_space<vmem>>, vector<1x1x16xf32>,
        %swap3A_1096 = vector.shape_cast %swap3A_1095 : vector<1x1x16xf32> to vector<16xf32>
        %swap3A_1097 = vector.shape_cast %add3A_1090 : vector<16xf32> to vector<1x1x16xf32>
        tpu.vector_store %arg16[%swap3A_1092, %swap3A_1093, %swap3A_1094], %swap3A_1097 {strides = array<i32>} : memref<32x1x128xf32, #tpu.memory_space<vmem>>, vector<1x1x16xf32>,
        %scan3A_1098 = arith.constant 0 : i32
        scf.yield %scan3A_1098 : i32
      }
      %scan3A_296 = arith.constant 32 : i32
      %mul3A_297 = arith.constant 1 : i32
      %mul3A_298 = arith.muli %add3A_220, %mul3A_297 : i32
      %dma_start3A_299 = arith.constant 0 : i32
      %dma_start3A_300 = tpu.memref_slice %arg5[%mul3A_2, %mul3A_298, %dma_start3A_299] : memref<1024x200x128xf32, #tpu.memory_space<hbm>> -> memref<32x1x128xf32, #tpu.memory_space<hbm>>
      %dma_start3A_301 = arith.constant 0 : i32
      %dma_start3A_302 = tpu.memref_slice %arg5[%mul3A_2, %mul3A_298, %dma_start3A_301] : memref<1024x200x128xf32, #tpu.memory_space<hbm>> -> memref<32x1x128xf32, #tpu.memory_space<hbm>>
      tpu.enqueue_dma source(%arg16 : memref<32x1x128xf32, #tpu.memory_space<vmem>>) target(%dma_start3A_302 : memref<32x1x128xf32, #tpu.memory_space<hbm>>) target_semaphore(%arg32 : memref<!tpu.dma_semaphore, #tpu.memory_space<semaphore_mem>>)
      %lt3A = arith.constant 24 : i32
      %lt3A_303 = arith.cmpi slt, %scan3A_215, %lt3A : i32
      %convert_element_type3A_304 = arith.extui %lt3A_303 : i1 to i32
      %cond3A_305 = arith.constant 0 : i32
      %cond3A_306 = arith.cmpi ne, %convert_element_type3A_304, %cond3A_305 : i32
      scf.if %cond3A_306 {
        %add3A_973 = arith.constant 8 : i32
        %add3A_974 = arith.addi %add3A_220, %add3A_973 : i32
        %dma_start3A_975 = arith.constant 0 : i32
        %dma_start3A_976 = arith.constant 0 : i32
        %dma_start3A_977 = tpu.memref_slice %arg8[%dma_start3A_975, %dma_start3A_976] : memref<32x128xf32, #tpu.memory_space<vmem>> -> memref<16x128xf32, #tpu.memory_space<vmem>>
        %dma_start3A_978 = arith.constant 0 : i32
        %dma_start3A_979 = tpu.memref_slice %arg6[%add3A_974, %dma_start3A_978] : memref<200x32xi32, #tpu.memory_space<vmem>> -> memref<1x16xi32, #tpu.memory_space<vmem>>
        %dma_start3A_980 = tpu.memref_squeeze %dma_start3A_979 : memref<1x16xi32, #tpu.memory_space<vmem>> -> memref<16xi32, #tpu.memory_space<vmem>>
        %dma_start3A_981 = arith.constant 0 : i32
        %dma_start3A_982 = arith.constant 0 : i32
        %dma_start3A_983 = tpu.memref_slice %arg2[%dma_start3A_981, %dma_start3A_982] : memref<100000x128xf32, #tpu.memory_space<hbm>> -> memref<100000x128xf32, #tpu.memory_space<hbm>>
        tpu.enqueue_indirect_dma source(%dma_start3A_983 : memref<100000x128xf32, #tpu.memory_space<hbm>>) target(%dma_start3A_977 : memref<16x128xf32, #tpu.memory_space<vmem>>) offsets(%dma_start3A_980 : memref<16xi32, #tpu.memory_space<vmem>>) semaphore(%arg24 : memref<!tpu.dma_semaphore, #tpu.memory_space<semaphore_mem>>)
        %dma_start3A_984 = arith.constant 16 : i32
        %dma_start3A_985 = arith.constant 0 : i32
        %dma_start3A_986 = tpu.memref_slice %arg8[%dma_start3A_984, %dma_start3A_985] : memref<32x128xf32, #tpu.memory_space<vmem>> -> memref<16x128xf32, #tpu.memory_space<vmem>>
        %dma_start3A_987 = arith.constant 16 : i32
        %dma_start3A_988 = tpu.memref_slice %arg6[%add3A_974, %dma_start3A_987] : memref<200x32xi32, #tpu.memory_space<vmem>> -> memref<1x16xi32, #tpu.memory_space<vmem>>
        %dma_start3A_989 = tpu.memref_squeeze %dma_start3A_988 : memref<1x16xi32, #tpu.memory_space<vmem>> -> memref<16xi32, #tpu.memory_space<vmem>>
        %dma_start3A_990 = arith.constant 0 : i32
        %dma_start3A_991 = arith.constant 0 : i32
        %dma_start3A_992 = tpu.memref_slice %arg2[%dma_start3A_990, %dma_start3A_991] : memref<100000x128xf32, #tpu.memory_space<hbm>> -> memref<100000x128xf32, #tpu.memory_space<hbm>>
        tpu.enqueue_indirect_dma source(%dma_start3A_992 : memref<100000x128xf32, #tpu.memory_space<hbm>>) target(%dma_start3A_986 : memref<16x128xf32, #tpu.memory_space<vmem>>) offsets(%dma_start3A_989 : memref<16xi32, #tpu.memory_space<vmem>>) semaphore(%arg24 : memref<!tpu.dma_semaphore, #tpu.memory_space<semaphore_mem>>)
      } else {
      }
      %mul3A_307 = arith.constant 8 : i32
      %mul3A_308 = arith.muli %scan3A_215, %mul3A_307 : i32
      %add3A_309 = arith.constant 1 : i32
      %add3A_310 = arith.addi %mul3A_308, %add3A_309 : i32
      %dma_wait3A_311 = arith.constant 0 : i32
      %dma_wait3A_312 = arith.constant 0 : i32
      %dma_wait3A_313 = tpu.memref_slice %arg9[%dma_wait3A_311, %dma_wait3A_312] : memref<32x128xf32, #tpu.memory_space<vmem>> -> memref<16x128xf32, #tpu.memory_space<vmem>>
      %dma_wait3A_314 = arith.constant 0 : i32
      %dma_wait3A_315 = tpu.memref_slice %arg6[%add3A_310, %dma_wait3A_314] : memref<200x32xi32, #tpu.memory_space<vmem>> -> memref<1x16xi32, #tpu.memory_space<vmem>>
      %dma_wait3A_316 = tpu.memref_squeeze %dma_wait3A_315 : memref<1x16xi32, #tpu.memory_space<vmem>> -> memref<16xi32, #tpu.memory_space<vmem>>
      %dma_wait3A_317 = arith.constant 0 : i32
      %dma_wait3A_318 = arith.constant 0 : i32
      %dma_wait3A_319 = tpu.memref_slice %arg2[%dma_wait3A_317, %dma_wait3A_318] : memref<100000x128xf32, #tpu.memory_space<hbm>> -> memref<100000x128xf32, #tpu.memory_space<hbm>>
      tpu.wait_indirect_dma semaphore(%arg25 : memref<!tpu.dma_semaphore, #tpu.memory_space<semaphore_mem>>) src(%dma_wait3A_319 : memref<100000x128xf32, #tpu.memory_space<hbm>>) dst(%dma_wait3A_313 : memref<16x128xf32, #tpu.memory_space<vmem>>)
      %dma_wait3A_320 = arith.constant 16 : i32
      %dma_wait3A_321 = arith.constant 0 : i32
      %dma_wait3A_322 = tpu.memref_slice %arg9[%dma_wait3A_320, %dma_wait3A_321] : memref<32x128xf32, #tpu.memory_space<vmem>> -> memref<16x128xf32, #tpu.memory_space<vmem>>
      %dma_wait3A_323 = arith.constant 16 : i32
      %dma_wait3A_324 = tpu.memref_slice %arg6[%add3A_310, %dma_wait3A_323] : memref<200x32xi32, #tpu.memory_space<vmem>> -> memref<1x16xi32, #tpu.memory_space<vmem>>
      %dma_wait3A_325 = tpu.memref_squeeze %dma_wait3A_324 : memref<1x16xi32, #tpu.memory_space<vmem>> -> memref<16xi32, #tpu.memory_space<vmem>>
      %dma_wait3A_326 = arith.constant 0 : i32
      %dma_wait3A_327 = arith.constant 0 : i32
      %dma_wait3A_328 = tpu.memref_slice %arg2[%dma_wait3A_326, %dma_wait3A_327] : memref<100000x128xf32, #tpu.memory_space<hbm>> -> memref<100000x128xf32, #tpu.memory_space<hbm>>
      tpu.wait_indirect_dma semaphore(%arg25 : memref<!tpu.dma_semaphore, #tpu.memory_space<semaphore_mem>>) src(%dma_wait3A_328 : memref<100000x128xf32, #tpu.memory_space<hbm>>) dst(%dma_wait3A_322 : memref<16x128xf32, #tpu.memory_space<vmem>>)
      %gt3A_329 = arith.constant 0 : i32
      %gt3A_330 = arith.cmpi sgt, %scan3A_215, %gt3A_329 : i32
      %convert_element_type3A_331 = arith.extui %gt3A_330 : i1 to i32
      %cond3A_332 = arith.constant 0 : i32
      %cond3A_333 = arith.cmpi ne, %convert_element_type3A_331, %cond3A_332 : i32
      scf.if %cond3A_333 {
        %sub3A = arith.constant 8 : i32
        %sub3A_973 = arith.subi %add3A_310, %sub3A : i32
        %mul3A_974 = arith.constant 1 : i32
        %mul3A_975 = arith.muli %sub3A_973, %mul3A_974 : i32
        %dma_wait3A_976 = arith.constant 0 : i32
        %dma_wait3A_977 = tpu.memref_slice %arg5[%mul3A_2, %mul3A_975, %dma_wait3A_976] : memref<1024x200x128xf32, #tpu.memory_space<hbm>> -> memref<32x1x128xf32, #tpu.memory_space<hbm>>
        %dma_wait3A_978 = arith.constant 0 : i32
        %dma_wait3A_979 = tpu.memref_slice %arg5[%mul3A_2, %mul3A_975, %dma_wait3A_978] : memref<1024x200x128xf32, #tpu.memory_space<hbm>> -> memref<32x1x128xf32, #tpu.memory_space<hbm>>
        tpu.wait_dma2 semaphore(%arg33 : memref<!tpu.dma_semaphore, #tpu.memory_space<semaphore_mem>>) src(%arg17 : memref<32x1x128xf32, #tpu.memory_space<vmem>>) dst(%dma_wait3A_979 : memref<32x1x128xf32, #tpu.memory_space<hbm>>)
      } else {
      }
      %mul3A_334 = arith.constant 1 : i32
      %mul3A_335 = arith.muli %add3A_310, %mul3A_334 : i32
      %add3A_336 = arith.constant 0 : i32
      %add3A_337 = arith.addi %mul3A_335, %add3A_336 : i32
      %get3A_338 = arith.index_cast %add3A_337 : i32 to index
      %get3A_339 = arith.constant 0 : index
      %get3A_340 = tpu.vector_load %arg7[%get3A_338, %get3A_339] {strides = array<i32>} : memref<200x128xf32, #tpu.memory_space<vmem>>, vector<1x16xf32>,
      %get3A_341 = vector.shape_cast %get3A_340 : vector<1x16xf32> to vector<16xf32>
      %add3A_342 = arith.constant 0 : i32
      %add3A_343 = arith.addi %mul3A_335, %add3A_342 : i32
      %get3A_344 = arith.index_cast %add3A_343 : i32 to index
      %get3A_345 = arith.constant 16 : index
      %get3A_346 = tpu.vector_load %arg7[%get3A_344, %get3A_345] {strides = array<i32>} : memref<200x128xf32, #tpu.memory_space<vmem>>, vector<1x16xf32>,
      %get3A_347 = vector.shape_cast %get3A_346 : vector<1x16xf32> to vector<16xf32>
      %add3A_348 = arith.constant 0 : i32
      %add3A_349 = arith.addi %mul3A_335, %add3A_348 : i32
      %get3A_350 = arith.index_cast %add3A_349 : i32 to index
      %get3A_351 = arith.constant 32 : index
      %get3A_352 = tpu.vector_load %arg7[%get3A_350, %get3A_351] {strides = array<i32>} : memref<200x128xf32, #tpu.memory_space<vmem>>, vector<1x16xf32>,
      %get3A_353 = vector.shape_cast %get3A_352 : vector<1x16xf32> to vector<16xf32>
      %add3A_354 = arith.constant 0 : i32
      %add3A_355 = arith.addi %mul3A_335, %add3A_354 : i32
      %get3A_356 = arith.index_cast %add3A_355 : i32 to index
      %get3A_357 = arith.constant 48 : index
      %get3A_358 = tpu.vector_load %arg7[%get3A_356, %get3A_357] {strides = array<i32>} : memref<200x128xf32, #tpu.memory_space<vmem>>, vector<1x16xf32>,
      %get3A_359 = vector.shape_cast %get3A_358 : vector<1x16xf32> to vector<16xf32>
      %add3A_360 = arith.constant 0 : i32
      %add3A_361 = arith.addi %mul3A_335, %add3A_360 : i32
      %get3A_362 = arith.index_cast %add3A_361 : i32 to index
      %get3A_363 = arith.constant 64 : index
      %get3A_364 = tpu.vector_load %arg7[%get3A_362, %get3A_363] {strides = array<i32>} : memref<200x128xf32, #tpu.memory_space<vmem>>, vector<1x16xf32>,
      %get3A_365 = vector.shape_cast %get3A_364 : vector<1x16xf32> to vector<16xf32>
      %add3A_366 = arith.constant 0 : i32
      %add3A_367 = arith.addi %mul3A_335, %add3A_366 : i32
      %get3A_368 = arith.index_cast %add3A_367 : i32 to index
      %get3A_369 = arith.constant 80 : index
      %get3A_370 = tpu.vector_load %arg7[%get3A_368, %get3A_369] {strides = array<i32>} : memref<200x128xf32, #tpu.memory_space<vmem>>, vector<1x16xf32>,
      %get3A_371 = vector.shape_cast %get3A_370 : vector<1x16xf32> to vector<16xf32>
      %add3A_372 = arith.constant 0 : i32
      %add3A_373 = arith.addi %mul3A_335, %add3A_372 : i32
      %get3A_374 = arith.index_cast %add3A_373 : i32 to index
      %get3A_375 = arith.constant 96 : index
      %get3A_376 = tpu.vector_load %arg7[%get3A_374, %get3A_375] {strides = array<i32>} : memref<200x128xf32, #tpu.memory_space<vmem>>, vector<1x16xf32>,
      %get3A_377 = vector.shape_cast %get3A_376 : vector<1x16xf32> to vector<16xf32>
      %add3A_378 = arith.constant 0 : i32
      %add3A_379 = arith.addi %mul3A_335, %add3A_378 : i32
      %get3A_380 = arith.index_cast %add3A_379 : i32 to index
      %get3A_381 = arith.constant 112 : index
      %get3A_382 = tpu.vector_load %arg7[%get3A_380, %get3A_381] {strides = array<i32>} : memref<200x128xf32, #tpu.memory_space<vmem>>, vector<1x16xf32>,
      %get3A_383 = vector.shape_cast %get3A_382 : vector<1x16xf32> to vector<16xf32>
      %scan3A_384 = arith.constant 0 : i32
      %scan3A_385 = arith.constant 0 : i32
      %scan3A_386 = arith.constant 32 : i32
      %scan3A_387 = arith.addi %scan3A_385, %scan3A_386 : i32
      %scan3A_388 = arith.constant 1 : i32
      %scan3A_389 = scf.for %scan3A_973 = %scan3A_385 to %scan3A_387 step %scan3A_388 iter_args(%scan3A_974 = %scan3A_384) -> (i32)  : i32 {
        %mul3A_975 = arith.constant 1 : i32
        %mul3A_976 = arith.muli %scan3A_973, %mul3A_975 : i32
        %add3A_977 = arith.constant 0 : i32
        %add3A_978 = arith.addi %mul3A_976, %add3A_977 : i32
        %get3A_979 = arith.index_cast %add3A_978 : i32 to index
        %get3A_980 = arith.constant 0 : index
        %get3A_981 = tpu.vector_load %arg9[%get3A_979, %get3A_980] {strides = array<i32>} : memref<32x128xf32, #tpu.memory_space<vmem>>, vector<1x16xf32>,
        %get3A_982 = vector.shape_cast %get3A_981 : vector<1x16xf32> to vector<16xf32>
        %mul3A_983 = arith.constant 11.3137083 : f32
        %mul3A_984 = vector.broadcast %mul3A_983 : f32 to vector<16xf32>
        %mul3A_985 = arith.mulf %get3A_982, %mul3A_984 : vector<16xf32>
        %add3A_986 = arith.addf %mul3A_985, %get3A_341 : vector<16xf32>
        %swap3A = arith.constant 0 : i32
        %swap3A_987 = arith.index_cast %scan3A_973 : i32 to index
        %swap3A_988 = arith.index_cast %swap3A : i32 to index
        %swap3A_989 = arith.constant 0 : index
        %swap3A_990 = tpu.vector_load %arg17[%swap3A_987, %swap3A_988, %swap3A_989] {strides = array<i32>} : memref<32x1x128xf32, #tpu.memory_space<vmem>>, vector<1x1x16xf32>,
        %swap3A_991 = vector.shape_cast %swap3A_990 : vector<1x1x16xf32> to vector<16xf32>
        %swap3A_992 = vector.shape_cast %add3A_986 : vector<16xf32> to vector<1x1x16xf32>
        tpu.vector_store %arg17[%swap3A_987, %swap3A_988, %swap3A_989], %swap3A_992 {strides = array<i32>} : memref<32x1x128xf32, #tpu.memory_space<vmem>>, vector<1x1x16xf32>,
        %get3A_993 = arith.index_cast %add3A_978 : i32 to index
        %get3A_994 = arith.constant 16 : index
        %get3A_995 = tpu.vector_load %arg9[%get3A_993, %get3A_994] {strides = array<i32>} : memref<32x128xf32, #tpu.memory_space<vmem>>, vector<1x16xf32>,
        %get3A_996 = vector.shape_cast %get3A_995 : vector<1x16xf32> to vector<16xf32>
        %mul3A_997 = arith.constant 11.3137083 : f32
        %mul3A_998 = vector.broadcast %mul3A_997 : f32 to vector<16xf32>
        %mul3A_999 = arith.mulf %get3A_996, %mul3A_998 : vector<16xf32>
        %add3A_1000 = arith.addf %mul3A_999, %get3A_347 : vector<16xf32>
        %swap3A_1001 = arith.constant 0 : i32
        %swap3A_1002 = arith.index_cast %scan3A_973 : i32 to index
        %swap3A_1003 = arith.index_cast %swap3A_1001 : i32 to index
        %swap3A_1004 = arith.constant 16 : index
        %swap3A_1005 = tpu.vector_load %arg17[%swap3A_1002, %swap3A_1003, %swap3A_1004] {strides = array<i32>} : memref<32x1x128xf32, #tpu.memory_space<vmem>>, vector<1x1x16xf32>,
        %swap3A_1006 = vector.shape_cast %swap3A_1005 : vector<1x1x16xf32> to vector<16xf32>
        %swap3A_1007 = vector.shape_cast %add3A_1000 : vector<16xf32> to vector<1x1x16xf32>
        tpu.vector_store %arg17[%swap3A_1002, %swap3A_1003, %swap3A_1004], %swap3A_1007 {strides = array<i32>} : memref<32x1x128xf32, #tpu.memory_space<vmem>>, vector<1x1x16xf32>,
        %get3A_1008 = arith.index_cast %add3A_978 : i32 to index
        %get3A_1009 = arith.constant 32 : index
        %get3A_1010 = tpu.vector_load %arg9[%get3A_1008, %get3A_1009] {strides = array<i32>} : memref<32x128xf32, #tpu.memory_space<vmem>>, vector<1x16xf32>,
        %get3A_1011 = vector.shape_cast %get3A_1010 : vector<1x16xf32> to vector<16xf32>
        %mul3A_1012 = arith.constant 11.3137083 : f32
        %mul3A_1013 = vector.broadcast %mul3A_1012 : f32 to vector<16xf32>
        %mul3A_1014 = arith.mulf %get3A_1011, %mul3A_1013 : vector<16xf32>
        %add3A_1015 = arith.addf %mul3A_1014, %get3A_353 : vector<16xf32>
        %swap3A_1016 = arith.constant 0 : i32
        %swap3A_1017 = arith.index_cast %scan3A_973 : i32 to index
        %swap3A_1018 = arith.index_cast %swap3A_1016 : i32 to index
        %swap3A_1019 = arith.constant 32 : index
        %swap3A_1020 = tpu.vector_load %arg17[%swap3A_1017, %swap3A_1018, %swap3A_1019] {strides = array<i32>} : memref<32x1x128xf32, #tpu.memory_space<vmem>>, vector<1x1x16xf32>,
        %swap3A_1021 = vector.shape_cast %swap3A_1020 : vector<1x1x16xf32> to vector<16xf32>
        %swap3A_1022 = vector.shape_cast %add3A_1015 : vector<16xf32> to vector<1x1x16xf32>
        tpu.vector_store %arg17[%swap3A_1017, %swap3A_1018, %swap3A_1019], %swap3A_1022 {strides = array<i32>} : memref<32x1x128xf32, #tpu.memory_space<vmem>>, vector<1x1x16xf32>,
        %get3A_1023 = arith.index_cast %add3A_978 : i32 to index
        %get3A_1024 = arith.constant 48 : index
        %get3A_1025 = tpu.vector_load %arg9[%get3A_1023, %get3A_1024] {strides = array<i32>} : memref<32x128xf32, #tpu.memory_space<vmem>>, vector<1x16xf32>,
        %get3A_1026 = vector.shape_cast %get3A_1025 : vector<1x16xf32> to vector<16xf32>
        %mul3A_1027 = arith.constant 11.3137083 : f32
        %mul3A_1028 = vector.broadcast %mul3A_1027 : f32 to vector<16xf32>
        %mul3A_1029 = arith.mulf %get3A_1026, %mul3A_1028 : vector<16xf32>
        %add3A_1030 = arith.addf %mul3A_1029, %get3A_359 : vector<16xf32>
        %swap3A_1031 = arith.constant 0 : i32
        %swap3A_1032 = arith.index_cast %scan3A_973 : i32 to index
        %swap3A_1033 = arith.index_cast %swap3A_1031 : i32 to index
        %swap3A_1034 = arith.constant 48 : index
        %swap3A_1035 = tpu.vector_load %arg17[%swap3A_1032, %swap3A_1033, %swap3A_1034] {strides = array<i32>} : memref<32x1x128xf32, #tpu.memory_space<vmem>>, vector<1x1x16xf32>,
        %swap3A_1036 = vector.shape_cast %swap3A_1035 : vector<1x1x16xf32> to vector<16xf32>
        %swap3A_1037 = vector.shape_cast %add3A_1030 : vector<16xf32> to vector<1x1x16xf32>
        tpu.vector_store %arg17[%swap3A_1032, %swap3A_1033, %swap3A_1034], %swap3A_1037 {strides = array<i32>} : memref<32x1x128xf32, #tpu.memory_space<vmem>>, vector<1x1x16xf32>,
        %get3A_1038 = arith.index_cast %add3A_978 : i32 to index
        %get3A_1039 = arith.constant 64 : index
        %get3A_1040 = tpu.vector_load %arg9[%get3A_1038, %get3A_1039] {strides = array<i32>} : memref<32x128xf32, #tpu.memory_space<vmem>>, vector<1x16xf32>,
        %get3A_1041 = vector.shape_cast %get3A_1040 : vector<1x16xf32> to vector<16xf32>
        %mul3A_1042 = arith.constant 11.3137083 : f32
        %mul3A_1043 = vector.broadcast %mul3A_1042 : f32 to vector<16xf32>
        %mul3A_1044 = arith.mulf %get3A_1041, %mul3A_1043 : vector<16xf32>
        %add3A_1045 = arith.addf %mul3A_1044, %get3A_365 : vector<16xf32>
        %swap3A_1046 = arith.constant 0 : i32
        %swap3A_1047 = arith.index_cast %scan3A_973 : i32 to index
        %swap3A_1048 = arith.index_cast %swap3A_1046 : i32 to index
        %swap3A_1049 = arith.constant 64 : index
        %swap3A_1050 = tpu.vector_load %arg17[%swap3A_1047, %swap3A_1048, %swap3A_1049] {strides = array<i32>} : memref<32x1x128xf32, #tpu.memory_space<vmem>>, vector<1x1x16xf32>,
        %swap3A_1051 = vector.shape_cast %swap3A_1050 : vector<1x1x16xf32> to vector<16xf32>
        %swap3A_1052 = vector.shape_cast %add3A_1045 : vector<16xf32> to vector<1x1x16xf32>
        tpu.vector_store %arg17[%swap3A_1047, %swap3A_1048, %swap3A_1049], %swap3A_1052 {strides = array<i32>} : memref<32x1x128xf32, #tpu.memory_space<vmem>>, vector<1x1x16xf32>,
        %get3A_1053 = arith.index_cast %add3A_978 : i32 to index
        %get3A_1054 = arith.constant 80 : index
        %get3A_1055 = tpu.vector_load %arg9[%get3A_1053, %get3A_1054] {strides = array<i32>} : memref<32x128xf32, #tpu.memory_space<vmem>>, vector<1x16xf32>,
        %get3A_1056 = vector.shape_cast %get3A_1055 : vector<1x16xf32> to vector<16xf32>
        %mul3A_1057 = arith.constant 11.3137083 : f32
        %mul3A_1058 = vector.broadcast %mul3A_1057 : f32 to vector<16xf32>
        %mul3A_1059 = arith.mulf %get3A_1056, %mul3A_1058 : vector<16xf32>
        %add3A_1060 = arith.addf %mul3A_1059, %get3A_371 : vector<16xf32>
        %swap3A_1061 = arith.constant 0 : i32
        %swap3A_1062 = arith.index_cast %scan3A_973 : i32 to index
        %swap3A_1063 = arith.index_cast %swap3A_1061 : i32 to index
        %swap3A_1064 = arith.constant 80 : index
        %swap3A_1065 = tpu.vector_load %arg17[%swap3A_1062, %swap3A_1063, %swap3A_1064] {strides = array<i32>} : memref<32x1x128xf32, #tpu.memory_space<vmem>>, vector<1x1x16xf32>,
        %swap3A_1066 = vector.shape_cast %swap3A_1065 : vector<1x1x16xf32> to vector<16xf32>
        %swap3A_1067 = vector.shape_cast %add3A_1060 : vector<16xf32> to vector<1x1x16xf32>
        tpu.vector_store %arg17[%swap3A_1062, %swap3A_1063, %swap3A_1064], %swap3A_1067 {strides = array<i32>} : memref<32x1x128xf32, #tpu.memory_space<vmem>>, vector<1x1x16xf32>,
        %get3A_1068 = arith.index_cast %add3A_978 : i32 to index
        %get3A_1069 = arith.constant 96 : index
        %get3A_1070 = tpu.vector_load %arg9[%get3A_1068, %get3A_1069] {strides = array<i32>} : memref<32x128xf32, #tpu.memory_space<vmem>>, vector<1x16xf32>,
        %get3A_1071 = vector.shape_cast %get3A_1070 : vector<1x16xf32> to vector<16xf32>
        %mul3A_1072 = arith.constant 11.3137083 : f32
        %mul3A_1073 = vector.broadcast %mul3A_1072 : f32 to vector<16xf32>
        %mul3A_1074 = arith.mulf %get3A_1071, %mul3A_1073 : vector<16xf32>
        %add3A_1075 = arith.addf %mul3A_1074, %get3A_377 : vector<16xf32>
        %swap3A_1076 = arith.constant 0 : i32
        %swap3A_1077 = arith.index_cast %scan3A_973 : i32 to index
        %swap3A_1078 = arith.index_cast %swap3A_1076 : i32 to index
        %swap3A_1079 = arith.constant 96 : index
        %swap3A_1080 = tpu.vector_load %arg17[%swap3A_1077, %swap3A_1078, %swap3A_1079] {strides = array<i32>} : memref<32x1x128xf32, #tpu.memory_space<vmem>>, vector<1x1x16xf32>,
        %swap3A_1081 = vector.shape_cast %swap3A_1080 : vector<1x1x16xf32> to vector<16xf32>
        %swap3A_1082 = vector.shape_cast %add3A_1075 : vector<16xf32> to vector<1x1x16xf32>
        tpu.vector_store %arg17[%swap3A_1077, %swap3A_1078, %swap3A_1079], %swap3A_1082 {strides = array<i32>} : memref<32x1x128xf32, #tpu.memory_space<vmem>>, vector<1x1x16xf32>,
        %get3A_1083 = arith.index_cast %add3A_978 : i32 to index
        %get3A_1084 = arith.constant 112 : index
        %get3A_1085 = tpu.vector_load %arg9[%get3A_1083, %get3A_1084] {strides = array<i32>} : memref<32x128xf32, #tpu.memory_space<vmem>>, vector<1x16xf32>,
        %get3A_1086 = vector.shape_cast %get3A_1085 : vector<1x16xf32> to vector<16xf32>
        %mul3A_1087 = arith.constant 11.3137083 : f32
        %mul3A_1088 = vector.broadcast %mul3A_1087 : f32 to vector<16xf32>
        %mul3A_1089 = arith.mulf %get3A_1086, %mul3A_1088 : vector<16xf32>
        %add3A_1090 = arith.addf %mul3A_1089, %get3A_383 : vector<16xf32>
        %swap3A_1091 = arith.constant 0 : i32
        %swap3A_1092 = arith.index_cast %scan3A_973 : i32 to index
        %swap3A_1093 = arith.index_cast %swap3A_1091 : i32 to index
        %swap3A_1094 = arith.constant 112 : index
        %swap3A_1095 = tpu.vector_load %arg17[%swap3A_1092, %swap3A_1093, %swap3A_1094] {strides = array<i32>} : memref<32x1x128xf32, #tpu.memory_space<vmem>>, vector<1x1x16xf32>,
        %swap3A_1096 = vector.shape_cast %swap3A_1095 : vector<1x1x16xf32> to vector<16xf32>
        %swap3A_1097 = vector.shape_cast %add3A_1090 : vector<16xf32> to vector<1x1x16xf32>
        tpu.vector_store %arg17[%swap3A_1092, %swap3A_1093, %swap3A_1094], %swap3A_1097 {strides = array<i32>} : memref<32x1x128xf32, #tpu.memory_space<vmem>>, vector<1x1x16xf32>,
        %scan3A_1098 = arith.constant 0 : i32
        scf.yield %scan3A_1098 : i32
      }
      %scan3A_390 = arith.constant 32 : i32
      %mul3A_391 = arith.constant 1 : i32
      %mul3A_392 = arith.muli %add3A_310, %mul3A_391 : i32
      %dma_start3A_393 = arith.constant 0 : i32
      %dma_start3A_394 = tpu.memref_slice %arg5[%mul3A_2, %mul3A_392, %dma_start3A_393] : memref<1024x200x128xf32, #tpu.memory_space<hbm>> -> memref<32x1x128xf32, #tpu.memory_space<hbm>>
      %dma_start3A_395 = arith.constant 0 : i32
      %dma_start3A_396 = tpu.memref_slice %arg5[%mul3A_2, %mul3A_392, %dma_start3A_395] : memref<1024x200x128xf32, #tpu.memory_space<hbm>> -> memref<32x1x128xf32, #tpu.memory_space<hbm>>
      tpu.enqueue_dma source(%arg17 : memref<32x1x128xf32, #tpu.memory_space<vmem>>) target(%dma_start3A_396 : memref<32x1x128xf32, #tpu.memory_space<hbm>>) target_semaphore(%arg33 : memref<!tpu.dma_semaphore, #tpu.memory_space<semaphore_mem>>)
      %lt3A_397 = arith.constant 24 : i32
      %lt3A_398 = arith.cmpi slt, %scan3A_215, %lt3A_397 : i32
      %convert_element_type3A_399 = arith.extui %lt3A_398 : i1 to i32
      %cond3A_400 = arith.constant 0 : i32
      %cond3A_401 = arith.cmpi ne, %convert_element_type3A_399, %cond3A_400 : i32
      scf.if %cond3A_401 {
        %add3A_973 = arith.constant 8 : i32
        %add3A_974 = arith.addi %add3A_310, %add3A_973 : i32
        %dma_start3A_975 = arith.constant 0 : i32
        %dma_start3A_976 = arith.constant 0 : i32
        %dma_start3A_977 = tpu.memref_slice %arg9[%dma_start3A_975, %dma_start3A_976] : memref<32x128xf32, #tpu.memory_space<vmem>> -> memref<16x128xf32, #tpu.memory_space<vmem>>
        %dma_start3A_978 = arith.constant 0 : i32
        %dma_start3A_979 = tpu.memref_slice %arg6[%add3A_974, %dma_start3A_978] : memref<200x32xi32, #tpu.memory_space<vmem>> -> memref<1x16xi32, #tpu.memory_space<vmem>>
        %dma_start3A_980 = tpu.memref_squeeze %dma_start3A_979 : memref<1x16xi32, #tpu.memory_space<vmem>> -> memref<16xi32, #tpu.memory_space<vmem>>
        %dma_start3A_981 = arith.constant 0 : i32
        %dma_start3A_982 = arith.constant 0 : i32
        %dma_start3A_983 = tpu.memref_slice %arg2[%dma_start3A_981, %dma_start3A_982] : memref<100000x128xf32, #tpu.memory_space<hbm>> -> memref<100000x128xf32, #tpu.memory_space<hbm>>
        tpu.enqueue_indirect_dma source(%dma_start3A_983 : memref<100000x128xf32, #tpu.memory_space<hbm>>) target(%dma_start3A_977 : memref<16x128xf32, #tpu.memory_space<vmem>>) offsets(%dma_start3A_980 : memref<16xi32, #tpu.memory_space<vmem>>) semaphore(%arg25 : memref<!tpu.dma_semaphore, #tpu.memory_space<semaphore_mem>>)
        %dma_start3A_984 = arith.constant 16 : i32
        %dma_start3A_985 = arith.constant 0 : i32
        %dma_start3A_986 = tpu.memref_slice %arg9[%dma_start3A_984, %dma_start3A_985] : memref<32x128xf32, #tpu.memory_space<vmem>> -> memref<16x128xf32, #tpu.memory_space<vmem>>
        %dma_start3A_987 = arith.constant 16 : i32
        %dma_start3A_988 = tpu.memref_slice %arg6[%add3A_974, %dma_start3A_987] : memref<200x32xi32, #tpu.memory_space<vmem>> -> memref<1x16xi32, #tpu.memory_space<vmem>>
        %dma_start3A_989 = tpu.memref_squeeze %dma_start3A_988 : memref<1x16xi32, #tpu.memory_space<vmem>> -> memref<16xi32, #tpu.memory_space<vmem>>
        %dma_start3A_990 = arith.constant 0 : i32
        %dma_start3A_991 = arith.constant 0 : i32
        %dma_start3A_992 = tpu.memref_slice %arg2[%dma_start3A_990, %dma_start3A_991] : memref<100000x128xf32, #tpu.memory_space<hbm>> -> memref<100000x128xf32, #tpu.memory_space<hbm>>
        tpu.enqueue_indirect_dma source(%dma_start3A_992 : memref<100000x128xf32, #tpu.memory_space<hbm>>) target(%dma_start3A_986 : memref<16x128xf32, #tpu.memory_space<vmem>>) offsets(%dma_start3A_989 : memref<16xi32, #tpu.memory_space<vmem>>) semaphore(%arg25 : memref<!tpu.dma_semaphore, #tpu.memory_space<semaphore_mem>>)
      } else {
      }
      %mul3A_402 = arith.constant 8 : i32
      %mul3A_403 = arith.muli %scan3A_215, %mul3A_402 : i32
      %add3A_404 = arith.constant 2 : i32
      %add3A_405 = arith.addi %mul3A_403, %add3A_404 : i32
      %dma_wait3A_406 = arith.constant 0 : i32
      %dma_wait3A_407 = arith.constant 0 : i32
      %dma_wait3A_408 = tpu.memref_slice %arg10[%dma_wait3A_406, %dma_wait3A_407] : memref<32x128xf32, #tpu.memory_space<vmem>> -> memref<16x128xf32, #tpu.memory_space<vmem>>
      %dma_wait3A_409 = arith.constant 0 : i32
      %dma_wait3A_410 = tpu.memref_slice %arg6[%add3A_405, %dma_wait3A_409] : memref<200x32xi32, #tpu.memory_space<vmem>> -> memref<1x16xi32, #tpu.memory_space<vmem>>
      %dma_wait3A_411 = tpu.memref_squeeze %dma_wait3A_410 : memref<1x16xi32, #tpu.memory_space<vmem>> -> memref<16xi32, #tpu.memory_space<vmem>>
      %dma_wait3A_412 = arith.constant 0 : i32
      %dma_wait3A_413 = arith.constant 0 : i32
      %dma_wait3A_414 = tpu.memref_slice %arg2[%dma_wait3A_412, %dma_wait3A_413] : memref<100000x128xf32, #tpu.memory_space<hbm>> -> memref<100000x128xf32, #tpu.memory_space<hbm>>
      tpu.wait_indirect_dma semaphore(%arg26 : memref<!tpu.dma_semaphore, #tpu.memory_space<semaphore_mem>>) src(%dma_wait3A_414 : memref<100000x128xf32, #tpu.memory_space<hbm>>) dst(%dma_wait3A_408 : memref<16x128xf32, #tpu.memory_space<vmem>>)
      %dma_wait3A_415 = arith.constant 16 : i32
      %dma_wait3A_416 = arith.constant 0 : i32
      %dma_wait3A_417 = tpu.memref_slice %arg10[%dma_wait3A_415, %dma_wait3A_416] : memref<32x128xf32, #tpu.memory_space<vmem>> -> memref<16x128xf32, #tpu.memory_space<vmem>>
      %dma_wait3A_418 = arith.constant 16 : i32
      %dma_wait3A_419 = tpu.memref_slice %arg6[%add3A_405, %dma_wait3A_418] : memref<200x32xi32, #tpu.memory_space<vmem>> -> memref<1x16xi32, #tpu.memory_space<vmem>>
      %dma_wait3A_420 = tpu.memref_squeeze %dma_wait3A_419 : memref<1x16xi32, #tpu.memory_space<vmem>> -> memref<16xi32, #tpu.memory_space<vmem>>
      %dma_wait3A_421 = arith.constant 0 : i32
      %dma_wait3A_422 = arith.constant 0 : i32
      %dma_wait3A_423 = tpu.memref_slice %arg2[%dma_wait3A_421, %dma_wait3A_422] : memref<100000x128xf32, #tpu.memory_space<hbm>> -> memref<100000x128xf32, #tpu.memory_space<hbm>>
      tpu.wait_indirect_dma semaphore(%arg26 : memref<!tpu.dma_semaphore, #tpu.memory_space<semaphore_mem>>) src(%dma_wait3A_423 : memref<100000x128xf32, #tpu.memory_space<hbm>>) dst(%dma_wait3A_417 : memref<16x128xf32, #tpu.memory_space<vmem>>)
      %gt3A_424 = arith.constant 0 : i32
      %gt3A_425 = arith.cmpi sgt, %scan3A_215, %gt3A_424 : i32
      %convert_element_type3A_426 = arith.extui %gt3A_425 : i1 to i32
      %cond3A_427 = arith.constant 0 : i32
      %cond3A_428 = arith.cmpi ne, %convert_element_type3A_426, %cond3A_427 : i32
      scf.if %cond3A_428 {
        %sub3A = arith.constant 8 : i32
        %sub3A_973 = arith.subi %add3A_405, %sub3A : i32
        %mul3A_974 = arith.constant 1 : i32
        %mul3A_975 = arith.muli %sub3A_973, %mul3A_974 : i32
        %dma_wait3A_976 = arith.constant 0 : i32
        %dma_wait3A_977 = tpu.memref_slice %arg5[%mul3A_2, %mul3A_975, %dma_wait3A_976] : memref<1024x200x128xf32, #tpu.memory_space<hbm>> -> memref<32x1x128xf32, #tpu.memory_space<hbm>>
        %dma_wait3A_978 = arith.constant 0 : i32
        %dma_wait3A_979 = tpu.memref_slice %arg5[%mul3A_2, %mul3A_975, %dma_wait3A_978] : memref<1024x200x128xf32, #tpu.memory_space<hbm>> -> memref<32x1x128xf32, #tpu.memory_space<hbm>>
        tpu.wait_dma2 semaphore(%arg34 : memref<!tpu.dma_semaphore, #tpu.memory_space<semaphore_mem>>) src(%arg18 : memref<32x1x128xf32, #tpu.memory_space<vmem>>) dst(%dma_wait3A_979 : memref<32x1x128xf32, #tpu.memory_space<hbm>>)
      } else {
      }
      %mul3A_429 = arith.constant 1 : i32
      %mul3A_430 = arith.muli %add3A_405, %mul3A_429 : i32
      %add3A_431 = arith.constant 0 : i32
      %add3A_432 = arith.addi %mul3A_430, %add3A_431 : i32
      %get3A_433 = arith.index_cast %add3A_432 : i32 to index
      %get3A_434 = arith.constant 0 : index
      %get3A_435 = tpu.vector_load %arg7[%get3A_433, %get3A_434] {strides = array<i32>} : memref<200x128xf32, #tpu.memory_space<vmem>>, vector<1x16xf32>,
      %get3A_436 = vector.shape_cast %get3A_435 : vector<1x16xf32> to vector<16xf32>
      %add3A_437 = arith.constant 0 : i32
      %add3A_438 = arith.addi %mul3A_430, %add3A_437 : i32
      %get3A_439 = arith.index_cast %add3A_438 : i32 to index
      %get3A_440 = arith.constant 16 : index
      %get3A_441 = tpu.vector_load %arg7[%get3A_439, %get3A_440] {strides = array<i32>} : memref<200x128xf32, #tpu.memory_space<vmem>>, vector<1x16xf32>,
      %get3A_442 = vector.shape_cast %get3A_441 : vector<1x16xf32> to vector<16xf32>
      %add3A_443 = arith.constant 0 : i32
      %add3A_444 = arith.addi %mul3A_430, %add3A_443 : i32
      %get3A_445 = arith.index_cast %add3A_444 : i32 to index
      %get3A_446 = arith.constant 32 : index
      %get3A_447 = tpu.vector_load %arg7[%get3A_445, %get3A_446] {strides = array<i32>} : memref<200x128xf32, #tpu.memory_space<vmem>>, vector<1x16xf32>,
      %get3A_448 = vector.shape_cast %get3A_447 : vector<1x16xf32> to vector<16xf32>
      %add3A_449 = arith.constant 0 : i32
      %add3A_450 = arith.addi %mul3A_430, %add3A_449 : i32
      %get3A_451 = arith.index_cast %add3A_450 : i32 to index
      %get3A_452 = arith.constant 48 : index
      %get3A_453 = tpu.vector_load %arg7[%get3A_451, %get3A_452] {strides = array<i32>} : memref<200x128xf32, #tpu.memory_space<vmem>>, vector<1x16xf32>,
      %get3A_454 = vector.shape_cast %get3A_453 : vector<1x16xf32> to vector<16xf32>
      %add3A_455 = arith.constant 0 : i32
      %add3A_456 = arith.addi %mul3A_430, %add3A_455 : i32
      %get3A_457 = arith.index_cast %add3A_456 : i32 to index
      %get3A_458 = arith.constant 64 : index
      %get3A_459 = tpu.vector_load %arg7[%get3A_457, %get3A_458] {strides = array<i32>} : memref<200x128xf32, #tpu.memory_space<vmem>>, vector<1x16xf32>,
      %get3A_460 = vector.shape_cast %get3A_459 : vector<1x16xf32> to vector<16xf32>
      %add3A_461 = arith.constant 0 : i32
      %add3A_462 = arith.addi %mul3A_430, %add3A_461 : i32
      %get3A_463 = arith.index_cast %add3A_462 : i32 to index
      %get3A_464 = arith.constant 80 : index
      %get3A_465 = tpu.vector_load %arg7[%get3A_463, %get3A_464] {strides = array<i32>} : memref<200x128xf32, #tpu.memory_space<vmem>>, vector<1x16xf32>,
      %get3A_466 = vector.shape_cast %get3A_465 : vector<1x16xf32> to vector<16xf32>
      %add3A_467 = arith.constant 0 : i32
      %add3A_468 = arith.addi %mul3A_430, %add3A_467 : i32
      %get3A_469 = arith.index_cast %add3A_468 : i32 to index
      %get3A_470 = arith.constant 96 : index
      %get3A_471 = tpu.vector_load %arg7[%get3A_469, %get3A_470] {strides = array<i32>} : memref<200x128xf32, #tpu.memory_space<vmem>>, vector<1x16xf32>,
      %get3A_472 = vector.shape_cast %get3A_471 : vector<1x16xf32> to vector<16xf32>
      %add3A_473 = arith.constant 0 : i32
      %add3A_474 = arith.addi %mul3A_430, %add3A_473 : i32
      %get3A_475 = arith.index_cast %add3A_474 : i32 to index
      %get3A_476 = arith.constant 112 : index
      %get3A_477 = tpu.vector_load %arg7[%get3A_475, %get3A_476] {strides = array<i32>} : memref<200x128xf32, #tpu.memory_space<vmem>>, vector<1x16xf32>,
      %get3A_478 = vector.shape_cast %get3A_477 : vector<1x16xf32> to vector<16xf32>
      %scan3A_479 = arith.constant 0 : i32
      %scan3A_480 = arith.constant 0 : i32
      %scan3A_481 = arith.constant 32 : i32
      %scan3A_482 = arith.addi %scan3A_480, %scan3A_481 : i32
      %scan3A_483 = arith.constant 1 : i32
      %scan3A_484 = scf.for %scan3A_973 = %scan3A_480 to %scan3A_482 step %scan3A_483 iter_args(%scan3A_974 = %scan3A_479) -> (i32)  : i32 {
        %mul3A_975 = arith.constant 1 : i32
        %mul3A_976 = arith.muli %scan3A_973, %mul3A_975 : i32
        %add3A_977 = arith.constant 0 : i32
        %add3A_978 = arith.addi %mul3A_976, %add3A_977 : i32
        %get3A_979 = arith.index_cast %add3A_978 : i32 to index
        %get3A_980 = arith.constant 0 : index
        %get3A_981 = tpu.vector_load %arg10[%get3A_979, %get3A_980] {strides = array<i32>} : memref<32x128xf32, #tpu.memory_space<vmem>>, vector<1x16xf32>,
        %get3A_982 = vector.shape_cast %get3A_981 : vector<1x16xf32> to vector<16xf32>
        %mul3A_983 = arith.constant 11.3137083 : f32
        %mul3A_984 = vector.broadcast %mul3A_983 : f32 to vector<16xf32>
        %mul3A_985 = arith.mulf %get3A_982, %mul3A_984 : vector<16xf32>
        %add3A_986 = arith.addf %mul3A_985, %get3A_436 : vector<16xf32>
        %swap3A = arith.constant 0 : i32
        %swap3A_987 = arith.index_cast %scan3A_973 : i32 to index
        %swap3A_988 = arith.index_cast %swap3A : i32 to index
        %swap3A_989 = arith.constant 0 : index
        %swap3A_990 = tpu.vector_load %arg18[%swap3A_987, %swap3A_988, %swap3A_989] {strides = array<i32>} : memref<32x1x128xf32, #tpu.memory_space<vmem>>, vector<1x1x16xf32>,
        %swap3A_991 = vector.shape_cast %swap3A_990 : vector<1x1x16xf32> to vector<16xf32>
        %swap3A_992 = vector.shape_cast %add3A_986 : vector<16xf32> to vector<1x1x16xf32>
        tpu.vector_store %arg18[%swap3A_987, %swap3A_988, %swap3A_989], %swap3A_992 {strides = array<i32>} : memref<32x1x128xf32, #tpu.memory_space<vmem>>, vector<1x1x16xf32>,
        %get3A_993 = arith.index_cast %add3A_978 : i32 to index
        %get3A_994 = arith.constant 16 : index
        %get3A_995 = tpu.vector_load %arg10[%get3A_993, %get3A_994] {strides = array<i32>} : memref<32x128xf32, #tpu.memory_space<vmem>>, vector<1x16xf32>,
        %get3A_996 = vector.shape_cast %get3A_995 : vector<1x16xf32> to vector<16xf32>
        %mul3A_997 = arith.constant 11.3137083 : f32
        %mul3A_998 = vector.broadcast %mul3A_997 : f32 to vector<16xf32>
        %mul3A_999 = arith.mulf %get3A_996, %mul3A_998 : vector<16xf32>
        %add3A_1000 = arith.addf %mul3A_999, %get3A_442 : vector<16xf32>
        %swap3A_1001 = arith.constant 0 : i32
        %swap3A_1002 = arith.index_cast %scan3A_973 : i32 to index
        %swap3A_1003 = arith.index_cast %swap3A_1001 : i32 to index
        %swap3A_1004 = arith.constant 16 : index
        %swap3A_1005 = tpu.vector_load %arg18[%swap3A_1002, %swap3A_1003, %swap3A_1004] {strides = array<i32>} : memref<32x1x128xf32, #tpu.memory_space<vmem>>, vector<1x1x16xf32>,
        %swap3A_1006 = vector.shape_cast %swap3A_1005 : vector<1x1x16xf32> to vector<16xf32>
        %swap3A_1007 = vector.shape_cast %add3A_1000 : vector<16xf32> to vector<1x1x16xf32>
        tpu.vector_store %arg18[%swap3A_1002, %swap3A_1003, %swap3A_1004], %swap3A_1007 {strides = array<i32>} : memref<32x1x128xf32, #tpu.memory_space<vmem>>, vector<1x1x16xf32>,
        %get3A_1008 = arith.index_cast %add3A_978 : i32 to index
        %get3A_1009 = arith.constant 32 : index
        %get3A_1010 = tpu.vector_load %arg10[%get3A_1008, %get3A_1009] {strides = array<i32>} : memref<32x128xf32, #tpu.memory_space<vmem>>, vector<1x16xf32>,
        %get3A_1011 = vector.shape_cast %get3A_1010 : vector<1x16xf32> to vector<16xf32>
        %mul3A_1012 = arith.constant 11.3137083 : f32
        %mul3A_1013 = vector.broadcast %mul3A_1012 : f32 to vector<16xf32>
        %mul3A_1014 = arith.mulf %get3A_1011, %mul3A_1013 : vector<16xf32>
        %add3A_1015 = arith.addf %mul3A_1014, %get3A_448 : vector<16xf32>
        %swap3A_1016 = arith.constant 0 : i32
        %swap3A_1017 = arith.index_cast %scan3A_973 : i32 to index
        %swap3A_1018 = arith.index_cast %swap3A_1016 : i32 to index
        %swap3A_1019 = arith.constant 32 : index
        %swap3A_1020 = tpu.vector_load %arg18[%swap3A_1017, %swap3A_1018, %swap3A_1019] {strides = array<i32>} : memref<32x1x128xf32, #tpu.memory_space<vmem>>, vector<1x1x16xf32>,
        %swap3A_1021 = vector.shape_cast %swap3A_1020 : vector<1x1x16xf32> to vector<16xf32>
        %swap3A_1022 = vector.shape_cast %add3A_1015 : vector<16xf32> to vector<1x1x16xf32>
        tpu.vector_store %arg18[%swap3A_1017, %swap3A_1018, %swap3A_1019], %swap3A_1022 {strides = array<i32>} : memref<32x1x128xf32, #tpu.memory_space<vmem>>, vector<1x1x16xf32>,
        %get3A_1023 = arith.index_cast %add3A_978 : i32 to index
        %get3A_1024 = arith.constant 48 : index
        %get3A_1025 = tpu.vector_load %arg10[%get3A_1023, %get3A_1024] {strides = array<i32>} : memref<32x128xf32, #tpu.memory_space<vmem>>, vector<1x16xf32>,
        %get3A_1026 = vector.shape_cast %get3A_1025 : vector<1x16xf32> to vector<16xf32>
        %mul3A_1027 = arith.constant 11.3137083 : f32
        %mul3A_1028 = vector.broadcast %mul3A_1027 : f32 to vector<16xf32>
        %mul3A_1029 = arith.mulf %get3A_1026, %mul3A_1028 : vector<16xf32>
        %add3A_1030 = arith.addf %mul3A_1029, %get3A_454 : vector<16xf32>
        %swap3A_1031 = arith.constant 0 : i32
        %swap3A_1032 = arith.index_cast %scan3A_973 : i32 to index
        %swap3A_1033 = arith.index_cast %swap3A_1031 : i32 to index
        %swap3A_1034 = arith.constant 48 : index
        %swap3A_1035 = tpu.vector_load %arg18[%swap3A_1032, %swap3A_1033, %swap3A_1034] {strides = array<i32>} : memref<32x1x128xf32, #tpu.memory_space<vmem>>, vector<1x1x16xf32>,
        %swap3A_1036 = vector.shape_cast %swap3A_1035 : vector<1x1x16xf32> to vector<16xf32>
        %swap3A_1037 = vector.shape_cast %add3A_1030 : vector<16xf32> to vector<1x1x16xf32>
        tpu.vector_store %arg18[%swap3A_1032, %swap3A_1033, %swap3A_1034], %swap3A_1037 {strides = array<i32>} : memref<32x1x128xf32, #tpu.memory_space<vmem>>, vector<1x1x16xf32>,
        %get3A_1038 = arith.index_cast %add3A_978 : i32 to index
        %get3A_1039 = arith.constant 64 : index
        %get3A_1040 = tpu.vector_load %arg10[%get3A_1038, %get3A_1039] {strides = array<i32>} : memref<32x128xf32, #tpu.memory_space<vmem>>, vector<1x16xf32>,
        %get3A_1041 = vector.shape_cast %get3A_1040 : vector<1x16xf32> to vector<16xf32>
        %mul3A_1042 = arith.constant 11.3137083 : f32
        %mul3A_1043 = vector.broadcast %mul3A_1042 : f32 to vector<16xf32>
        %mul3A_1044 = arith.mulf %get3A_1041, %mul3A_1043 : vector<16xf32>
        %add3A_1045 = arith.addf %mul3A_1044, %get3A_460 : vector<16xf32>
        %swap3A_1046 = arith.constant 0 : i32
        %swap3A_1047 = arith.index_cast %scan3A_973 : i32 to index
        %swap3A_1048 = arith.index_cast %swap3A_1046 : i32 to index
        %swap3A_1049 = arith.constant 64 : index
        %swap3A_1050 = tpu.vector_load %arg18[%swap3A_1047, %swap3A_1048, %swap3A_1049] {strides = array<i32>} : memref<32x1x128xf32, #tpu.memory_space<vmem>>, vector<1x1x16xf32>,
        %swap3A_1051 = vector.shape_cast %swap3A_1050 : vector<1x1x16xf32> to vector<16xf32>
        %swap3A_1052 = vector.shape_cast %add3A_1045 : vector<16xf32> to vector<1x1x16xf32>
        tpu.vector_store %arg18[%swap3A_1047, %swap3A_1048, %swap3A_1049], %swap3A_1052 {strides = array<i32>} : memref<32x1x128xf32, #tpu.memory_space<vmem>>, vector<1x1x16xf32>,
        %get3A_1053 = arith.index_cast %add3A_978 : i32 to index
        %get3A_1054 = arith.constant 80 : index
        %get3A_1055 = tpu.vector_load %arg10[%get3A_1053, %get3A_1054] {strides = array<i32>} : memref<32x128xf32, #tpu.memory_space<vmem>>, vector<1x16xf32>,
        %get3A_1056 = vector.shape_cast %get3A_1055 : vector<1x16xf32> to vector<16xf32>
        %mul3A_1057 = arith.constant 11.3137083 : f32
        %mul3A_1058 = vector.broadcast %mul3A_1057 : f32 to vector<16xf32>
        %mul3A_1059 = arith.mulf %get3A_1056, %mul3A_1058 : vector<16xf32>
        %add3A_1060 = arith.addf %mul3A_1059, %get3A_466 : vector<16xf32>
        %swap3A_1061 = arith.constant 0 : i32
        %swap3A_1062 = arith.index_cast %scan3A_973 : i32 to index
        %swap3A_1063 = arith.index_cast %swap3A_1061 : i32 to index
        %swap3A_1064 = arith.constant 80 : index
        %swap3A_1065 = tpu.vector_load %arg18[%swap3A_1062, %swap3A_1063, %swap3A_1064] {strides = array<i32>} : memref<32x1x128xf32, #tpu.memory_space<vmem>>, vector<1x1x16xf32>,
        %swap3A_1066 = vector.shape_cast %swap3A_1065 : vector<1x1x16xf32> to vector<16xf32>
        %swap3A_1067 = vector.shape_cast %add3A_1060 : vector<16xf32> to vector<1x1x16xf32>
        tpu.vector_store %arg18[%swap3A_1062, %swap3A_1063, %swap3A_1064], %swap3A_1067 {strides = array<i32>} : memref<32x1x128xf32, #tpu.memory_space<vmem>>, vector<1x1x16xf32>,
        %get3A_1068 = arith.index_cast %add3A_978 : i32 to index
        %get3A_1069 = arith.constant 96 : index
        %get3A_1070 = tpu.vector_load %arg10[%get3A_1068, %get3A_1069] {strides = array<i32>} : memref<32x128xf32, #tpu.memory_space<vmem>>, vector<1x16xf32>,
        %get3A_1071 = vector.shape_cast %get3A_1070 : vector<1x16xf32> to vector<16xf32>
        %mul3A_1072 = arith.constant 11.3137083 : f32
        %mul3A_1073 = vector.broadcast %mul3A_1072 : f32 to vector<16xf32>
        %mul3A_1074 = arith.mulf %get3A_1071, %mul3A_1073 : vector<16xf32>
        %add3A_1075 = arith.addf %mul3A_1074, %get3A_472 : vector<16xf32>
        %swap3A_1076 = arith.constant 0 : i32
        %swap3A_1077 = arith.index_cast %scan3A_973 : i32 to index
        %swap3A_1078 = arith.index_cast %swap3A_1076 : i32 to index
        %swap3A_1079 = arith.constant 96 : index
        %swap3A_1080 = tpu.vector_load %arg18[%swap3A_1077, %swap3A_1078, %swap3A_1079] {strides = array<i32>} : memref<32x1x128xf32, #tpu.memory_space<vmem>>, vector<1x1x16xf32>,
        %swap3A_1081 = vector.shape_cast %swap3A_1080 : vector<1x1x16xf32> to vector<16xf32>
        %swap3A_1082 = vector.shape_cast %add3A_1075 : vector<16xf32> to vector<1x1x16xf32>
        tpu.vector_store %arg18[%swap3A_1077, %swap3A_1078, %swap3A_1079], %swap3A_1082 {strides = array<i32>} : memref<32x1x128xf32, #tpu.memory_space<vmem>>, vector<1x1x16xf32>,
        %get3A_1083 = arith.index_cast %add3A_978 : i32 to index
        %get3A_1084 = arith.constant 112 : index
        %get3A_1085 = tpu.vector_load %arg10[%get3A_1083, %get3A_1084] {strides = array<i32>} : memref<32x128xf32, #tpu.memory_space<vmem>>, vector<1x16xf32>,
        %get3A_1086 = vector.shape_cast %get3A_1085 : vector<1x16xf32> to vector<16xf32>
        %mul3A_1087 = arith.constant 11.3137083 : f32
        %mul3A_1088 = vector.broadcast %mul3A_1087 : f32 to vector<16xf32>
        %mul3A_1089 = arith.mulf %get3A_1086, %mul3A_1088 : vector<16xf32>
        %add3A_1090 = arith.addf %mul3A_1089, %get3A_478 : vector<16xf32>
        %swap3A_1091 = arith.constant 0 : i32
        %swap3A_1092 = arith.index_cast %scan3A_973 : i32 to index
        %swap3A_1093 = arith.index_cast %swap3A_1091 : i32 to index
        %swap3A_1094 = arith.constant 112 : index
        %swap3A_1095 = tpu.vector_load %arg18[%swap3A_1092, %swap3A_1093, %swap3A_1094] {strides = array<i32>} : memref<32x1x128xf32, #tpu.memory_space<vmem>>, vector<1x1x16xf32>,
        %swap3A_1096 = vector.shape_cast %swap3A_1095 : vector<1x1x16xf32> to vector<16xf32>
        %swap3A_1097 = vector.shape_cast %add3A_1090 : vector<16xf32> to vector<1x1x16xf32>
        tpu.vector_store %arg18[%swap3A_1092, %swap3A_1093, %swap3A_1094], %swap3A_1097 {strides = array<i32>} : memref<32x1x128xf32, #tpu.memory_space<vmem>>, vector<1x1x16xf32>,
        %scan3A_1098 = arith.constant 0 : i32
        scf.yield %scan3A_1098 : i32
      }
      %scan3A_485 = arith.constant 32 : i32
      %mul3A_486 = arith.constant 1 : i32
      %mul3A_487 = arith.muli %add3A_405, %mul3A_486 : i32
      %dma_start3A_488 = arith.constant 0 : i32
      %dma_start3A_489 = tpu.memref_slice %arg5[%mul3A_2, %mul3A_487, %dma_start3A_488] : memref<1024x200x128xf32, #tpu.memory_space<hbm>> -> memref<32x1x128xf32, #tpu.memory_space<hbm>>
      %dma_start3A_490 = arith.constant 0 : i32
      %dma_start3A_491 = tpu.memref_slice %arg5[%mul3A_2, %mul3A_487, %dma_start3A_490] : memref<1024x200x128xf32, #tpu.memory_space<hbm>> -> memref<32x1x128xf32, #tpu.memory_space<hbm>>
      tpu.enqueue_dma source(%arg18 : memref<32x1x128xf32, #tpu.memory_space<vmem>>) target(%dma_start3A_491 : memref<32x1x128xf32, #tpu.memory_space<hbm>>) target_semaphore(%arg34 : memref<!tpu.dma_semaphore, #tpu.memory_space<semaphore_mem>>)
      %lt3A_492 = arith.constant 24 : i32
      %lt3A_493 = arith.cmpi slt, %scan3A_215, %lt3A_492 : i32
      %convert_element_type3A_494 = arith.extui %lt3A_493 : i1 to i32
      %cond3A_495 = arith.constant 0 : i32
      %cond3A_496 = arith.cmpi ne, %convert_element_type3A_494, %cond3A_495 : i32
      scf.if %cond3A_496 {
        %add3A_973 = arith.constant 8 : i32
        %add3A_974 = arith.addi %add3A_405, %add3A_973 : i32
        %dma_start3A_975 = arith.constant 0 : i32
        %dma_start3A_976 = arith.constant 0 : i32
        %dma_start3A_977 = tpu.memref_slice %arg10[%dma_start3A_975, %dma_start3A_976] : memref<32x128xf32, #tpu.memory_space<vmem>> -> memref<16x128xf32, #tpu.memory_space<vmem>>
        %dma_start3A_978 = arith.constant 0 : i32
        %dma_start3A_979 = tpu.memref_slice %arg6[%add3A_974, %dma_start3A_978] : memref<200x32xi32, #tpu.memory_space<vmem>> -> memref<1x16xi32, #tpu.memory_space<vmem>>
        %dma_start3A_980 = tpu.memref_squeeze %dma_start3A_979 : memref<1x16xi32, #tpu.memory_space<vmem>> -> memref<16xi32, #tpu.memory_space<vmem>>
        %dma_start3A_981 = arith.constant 0 : i32
        %dma_start3A_982 = arith.constant 0 : i32
        %dma_start3A_983 = tpu.memref_slice %arg2[%dma_start3A_981, %dma_start3A_982] : memref<100000x128xf32, #tpu.memory_space<hbm>> -> memref<100000x128xf32, #tpu.memory_space<hbm>>
        tpu.enqueue_indirect_dma source(%dma_start3A_983 : memref<100000x128xf32, #tpu.memory_space<hbm>>) target(%dma_start3A_977 : memref<16x128xf32, #tpu.memory_space<vmem>>) offsets(%dma_start3A_980 : memref<16xi32, #tpu.memory_space<vmem>>) semaphore(%arg26 : memref<!tpu.dma_semaphore, #tpu.memory_space<semaphore_mem>>)
        %dma_start3A_984 = arith.constant 16 : i32
        %dma_start3A_985 = arith.constant 0 : i32
        %dma_start3A_986 = tpu.memref_slice %arg10[%dma_start3A_984, %dma_start3A_985] : memref<32x128xf32, #tpu.memory_space<vmem>> -> memref<16x128xf32, #tpu.memory_space<vmem>>
        %dma_start3A_987 = arith.constant 16 : i32
        %dma_start3A_988 = tpu.memref_slice %arg6[%add3A_974, %dma_start3A_987] : memref<200x32xi32, #tpu.memory_space<vmem>> -> memref<1x16xi32, #tpu.memory_space<vmem>>
        %dma_start3A_989 = tpu.memref_squeeze %dma_start3A_988 : memref<1x16xi32, #tpu.memory_space<vmem>> -> memref<16xi32, #tpu.memory_space<vmem>>
        %dma_start3A_990 = arith.constant 0 : i32
        %dma_start3A_991 = arith.constant 0 : i32
        %dma_start3A_992 = tpu.memref_slice %arg2[%dma_start3A_990, %dma_start3A_991] : memref<100000x128xf32, #tpu.memory_space<hbm>> -> memref<100000x128xf32, #tpu.memory_space<hbm>>
        tpu.enqueue_indirect_dma source(%dma_start3A_992 : memref<100000x128xf32, #tpu.memory_space<hbm>>) target(%dma_start3A_986 : memref<16x128xf32, #tpu.memory_space<vmem>>) offsets(%dma_start3A_989 : memref<16xi32, #tpu.memory_space<vmem>>) semaphore(%arg26 : memref<!tpu.dma_semaphore, #tpu.memory_space<semaphore_mem>>)
      } else {
      }
      %mul3A_497 = arith.constant 8 : i32
      %mul3A_498 = arith.muli %scan3A_215, %mul3A_497 : i32
      %add3A_499 = arith.constant 3 : i32
      %add3A_500 = arith.addi %mul3A_498, %add3A_499 : i32
      %dma_wait3A_501 = arith.constant 0 : i32
      %dma_wait3A_502 = arith.constant 0 : i32
      %dma_wait3A_503 = tpu.memref_slice %arg11[%dma_wait3A_501, %dma_wait3A_502] : memref<32x128xf32, #tpu.memory_space<vmem>> -> memref<16x128xf32, #tpu.memory_space<vmem>>
      %dma_wait3A_504 = arith.constant 0 : i32
      %dma_wait3A_505 = tpu.memref_slice %arg6[%add3A_500, %dma_wait3A_504] : memref<200x32xi32, #tpu.memory_space<vmem>> -> memref<1x16xi32, #tpu.memory_space<vmem>>
      %dma_wait3A_506 = tpu.memref_squeeze %dma_wait3A_505 : memref<1x16xi32, #tpu.memory_space<vmem>> -> memref<16xi32, #tpu.memory_space<vmem>>
      %dma_wait3A_507 = arith.constant 0 : i32
      %dma_wait3A_508 = arith.constant 0 : i32
      %dma_wait3A_509 = tpu.memref_slice %arg2[%dma_wait3A_507, %dma_wait3A_508] : memref<100000x128xf32, #tpu.memory_space<hbm>> -> memref<100000x128xf32, #tpu.memory_space<hbm>>
      tpu.wait_indirect_dma semaphore(%arg27 : memref<!tpu.dma_semaphore, #tpu.memory_space<semaphore_mem>>) src(%dma_wait3A_509 : memref<100000x128xf32, #tpu.memory_space<hbm>>) dst(%dma_wait3A_503 : memref<16x128xf32, #tpu.memory_space<vmem>>)
      %dma_wait3A_510 = arith.constant 16 : i32
      %dma_wait3A_511 = arith.constant 0 : i32
      %dma_wait3A_512 = tpu.memref_slice %arg11[%dma_wait3A_510, %dma_wait3A_511] : memref<32x128xf32, #tpu.memory_space<vmem>> -> memref<16x128xf32, #tpu.memory_space<vmem>>
      %dma_wait3A_513 = arith.constant 16 : i32
      %dma_wait3A_514 = tpu.memref_slice %arg6[%add3A_500, %dma_wait3A_513] : memref<200x32xi32, #tpu.memory_space<vmem>> -> memref<1x16xi32, #tpu.memory_space<vmem>>
      %dma_wait3A_515 = tpu.memref_squeeze %dma_wait3A_514 : memref<1x16xi32, #tpu.memory_space<vmem>> -> memref<16xi32, #tpu.memory_space<vmem>>
      %dma_wait3A_516 = arith.constant 0 : i32
      %dma_wait3A_517 = arith.constant 0 : i32
      %dma_wait3A_518 = tpu.memref_slice %arg2[%dma_wait3A_516, %dma_wait3A_517] : memref<100000x128xf32, #tpu.memory_space<hbm>> -> memref<100000x128xf32, #tpu.memory_space<hbm>>
      tpu.wait_indirect_dma semaphore(%arg27 : memref<!tpu.dma_semaphore, #tpu.memory_space<semaphore_mem>>) src(%dma_wait3A_518 : memref<100000x128xf32, #tpu.memory_space<hbm>>) dst(%dma_wait3A_512 : memref<16x128xf32, #tpu.memory_space<vmem>>)
      %gt3A_519 = arith.constant 0 : i32
      %gt3A_520 = arith.cmpi sgt, %scan3A_215, %gt3A_519 : i32
      %convert_element_type3A_521 = arith.extui %gt3A_520 : i1 to i32
      %cond3A_522 = arith.constant 0 : i32
      %cond3A_523 = arith.cmpi ne, %convert_element_type3A_521, %cond3A_522 : i32
      scf.if %cond3A_523 {
        %sub3A = arith.constant 8 : i32
        %sub3A_973 = arith.subi %add3A_500, %sub3A : i32
        %mul3A_974 = arith.constant 1 : i32
        %mul3A_975 = arith.muli %sub3A_973, %mul3A_974 : i32
        %dma_wait3A_976 = arith.constant 0 : i32
        %dma_wait3A_977 = tpu.memref_slice %arg5[%mul3A_2, %mul3A_975, %dma_wait3A_976] : memref<1024x200x128xf32, #tpu.memory_space<hbm>> -> memref<32x1x128xf32, #tpu.memory_space<hbm>>
        %dma_wait3A_978 = arith.constant 0 : i32
        %dma_wait3A_979 = tpu.memref_slice %arg5[%mul3A_2, %mul3A_975, %dma_wait3A_978] : memref<1024x200x128xf32, #tpu.memory_space<hbm>> -> memref<32x1x128xf32, #tpu.memory_space<hbm>>
        tpu.wait_dma2 semaphore(%arg35 : memref<!tpu.dma_semaphore, #tpu.memory_space<semaphore_mem>>) src(%arg19 : memref<32x1x128xf32, #tpu.memory_space<vmem>>) dst(%dma_wait3A_979 : memref<32x1x128xf32, #tpu.memory_space<hbm>>)
      } else {
      }
      %mul3A_524 = arith.constant 1 : i32
      %mul3A_525 = arith.muli %add3A_500, %mul3A_524 : i32
      %add3A_526 = arith.constant 0 : i32
      %add3A_527 = arith.addi %mul3A_525, %add3A_526 : i32
      %get3A_528 = arith.index_cast %add3A_527 : i32 to index
      %get3A_529 = arith.constant 0 : index
      %get3A_530 = tpu.vector_load %arg7[%get3A_528, %get3A_529] {strides = array<i32>} : memref<200x128xf32, #tpu.memory_space<vmem>>, vector<1x16xf32>,
      %get3A_531 = vector.shape_cast %get3A_530 : vector<1x16xf32> to vector<16xf32>
      %add3A_532 = arith.constant 0 : i32
      %add3A_533 = arith.addi %mul3A_525, %add3A_532 : i32
      %get3A_534 = arith.index_cast %add3A_533 : i32 to index
      %get3A_535 = arith.constant 16 : index
      %get3A_536 = tpu.vector_load %arg7[%get3A_534, %get3A_535] {strides = array<i32>} : memref<200x128xf32, #tpu.memory_space<vmem>>, vector<1x16xf32>,
      %get3A_537 = vector.shape_cast %get3A_536 : vector<1x16xf32> to vector<16xf32>
      %add3A_538 = arith.constant 0 : i32
      %add3A_539 = arith.addi %mul3A_525, %add3A_538 : i32
      %get3A_540 = arith.index_cast %add3A_539 : i32 to index
      %get3A_541 = arith.constant 32 : index
      %get3A_542 = tpu.vector_load %arg7[%get3A_540, %get3A_541] {strides = array<i32>} : memref<200x128xf32, #tpu.memory_space<vmem>>, vector<1x16xf32>,
      %get3A_543 = vector.shape_cast %get3A_542 : vector<1x16xf32> to vector<16xf32>
      %add3A_544 = arith.constant 0 : i32
      %add3A_545 = arith.addi %mul3A_525, %add3A_544 : i32
      %get3A_546 = arith.index_cast %add3A_545 : i32 to index
      %get3A_547 = arith.constant 48 : index
      %get3A_548 = tpu.vector_load %arg7[%get3A_546, %get3A_547] {strides = array<i32>} : memref<200x128xf32, #tpu.memory_space<vmem>>, vector<1x16xf32>,
      %get3A_549 = vector.shape_cast %get3A_548 : vector<1x16xf32> to vector<16xf32>
      %add3A_550 = arith.constant 0 : i32
      %add3A_551 = arith.addi %mul3A_525, %add3A_550 : i32
      %get3A_552 = arith.index_cast %add3A_551 : i32 to index
      %get3A_553 = arith.constant 64 : index
      %get3A_554 = tpu.vector_load %arg7[%get3A_552, %get3A_553] {strides = array<i32>} : memref<200x128xf32, #tpu.memory_space<vmem>>, vector<1x16xf32>,
      %get3A_555 = vector.shape_cast %get3A_554 : vector<1x16xf32> to vector<16xf32>
      %add3A_556 = arith.constant 0 : i32
      %add3A_557 = arith.addi %mul3A_525, %add3A_556 : i32
      %get3A_558 = arith.index_cast %add3A_557 : i32 to index
      %get3A_559 = arith.constant 80 : index
      %get3A_560 = tpu.vector_load %arg7[%get3A_558, %get3A_559] {strides = array<i32>} : memref<200x128xf32, #tpu.memory_space<vmem>>, vector<1x16xf32>,
      %get3A_561 = vector.shape_cast %get3A_560 : vector<1x16xf32> to vector<16xf32>
      %add3A_562 = arith.constant 0 : i32
      %add3A_563 = arith.addi %mul3A_525, %add3A_562 : i32
      %get3A_564 = arith.index_cast %add3A_563 : i32 to index
      %get3A_565 = arith.constant 96 : index
      %get3A_566 = tpu.vector_load %arg7[%get3A_564, %get3A_565] {strides = array<i32>} : memref<200x128xf32, #tpu.memory_space<vmem>>, vector<1x16xf32>,
      %get3A_567 = vector.shape_cast %get3A_566 : vector<1x16xf32> to vector<16xf32>
      %add3A_568 = arith.constant 0 : i32
      %add3A_569 = arith.addi %mul3A_525, %add3A_568 : i32
      %get3A_570 = arith.index_cast %add3A_569 : i32 to index
      %get3A_571 = arith.constant 112 : index
      %get3A_572 = tpu.vector_load %arg7[%get3A_570, %get3A_571] {strides = array<i32>} : memref<200x128xf32, #tpu.memory_space<vmem>>, vector<1x16xf32>,
      %get3A_573 = vector.shape_cast %get3A_572 : vector<1x16xf32> to vector<16xf32>
      %scan3A_574 = arith.constant 0 : i32
      %scan3A_575 = arith.constant 0 : i32
      %scan3A_576 = arith.constant 32 : i32
      %scan3A_577 = arith.addi %scan3A_575, %scan3A_576 : i32
      %scan3A_578 = arith.constant 1 : i32
      %scan3A_579 = scf.for %scan3A_973 = %scan3A_575 to %scan3A_577 step %scan3A_578 iter_args(%scan3A_974 = %scan3A_574) -> (i32)  : i32 {
        %mul3A_975 = arith.constant 1 : i32
        %mul3A_976 = arith.muli %scan3A_973, %mul3A_975 : i32
        %add3A_977 = arith.constant 0 : i32
        %add3A_978 = arith.addi %mul3A_976, %add3A_977 : i32
        %get3A_979 = arith.index_cast %add3A_978 : i32 to index
        %get3A_980 = arith.constant 0 : index
        %get3A_981 = tpu.vector_load %arg11[%get3A_979, %get3A_980] {strides = array<i32>} : memref<32x128xf32, #tpu.memory_space<vmem>>, vector<1x16xf32>,
        %get3A_982 = vector.shape_cast %get3A_981 : vector<1x16xf32> to vector<16xf32>
        %mul3A_983 = arith.constant 11.3137083 : f32
        %mul3A_984 = vector.broadcast %mul3A_983 : f32 to vector<16xf32>
        %mul3A_985 = arith.mulf %get3A_982, %mul3A_984 : vector<16xf32>
        %add3A_986 = arith.addf %mul3A_985, %get3A_531 : vector<16xf32>
        %swap3A = arith.constant 0 : i32
        %swap3A_987 = arith.index_cast %scan3A_973 : i32 to index
        %swap3A_988 = arith.index_cast %swap3A : i32 to index
        %swap3A_989 = arith.constant 0 : index
        %swap3A_990 = tpu.vector_load %arg19[%swap3A_987, %swap3A_988, %swap3A_989] {strides = array<i32>} : memref<32x1x128xf32, #tpu.memory_space<vmem>>, vector<1x1x16xf32>,
        %swap3A_991 = vector.shape_cast %swap3A_990 : vector<1x1x16xf32> to vector<16xf32>
        %swap3A_992 = vector.shape_cast %add3A_986 : vector<16xf32> to vector<1x1x16xf32>
        tpu.vector_store %arg19[%swap3A_987, %swap3A_988, %swap3A_989], %swap3A_992 {strides = array<i32>} : memref<32x1x128xf32, #tpu.memory_space<vmem>>, vector<1x1x16xf32>,
        %get3A_993 = arith.index_cast %add3A_978 : i32 to index
        %get3A_994 = arith.constant 16 : index
        %get3A_995 = tpu.vector_load %arg11[%get3A_993, %get3A_994] {strides = array<i32>} : memref<32x128xf32, #tpu.memory_space<vmem>>, vector<1x16xf32>,
        %get3A_996 = vector.shape_cast %get3A_995 : vector<1x16xf32> to vector<16xf32>
        %mul3A_997 = arith.constant 11.3137083 : f32
        %mul3A_998 = vector.broadcast %mul3A_997 : f32 to vector<16xf32>
        %mul3A_999 = arith.mulf %get3A_996, %mul3A_998 : vector<16xf32>
        %add3A_1000 = arith.addf %mul3A_999, %get3A_537 : vector<16xf32>
        %swap3A_1001 = arith.constant 0 : i32
        %swap3A_1002 = arith.index_cast %scan3A_973 : i32 to index
        %swap3A_1003 = arith.index_cast %swap3A_1001 : i32 to index
        %swap3A_1004 = arith.constant 16 : index
        %swap3A_1005 = tpu.vector_load %arg19[%swap3A_1002, %swap3A_1003, %swap3A_1004] {strides = array<i32>} : memref<32x1x128xf32, #tpu.memory_space<vmem>>, vector<1x1x16xf32>,
        %swap3A_1006 = vector.shape_cast %swap3A_1005 : vector<1x1x16xf32> to vector<16xf32>
        %swap3A_1007 = vector.shape_cast %add3A_1000 : vector<16xf32> to vector<1x1x16xf32>
        tpu.vector_store %arg19[%swap3A_1002, %swap3A_1003, %swap3A_1004], %swap3A_1007 {strides = array<i32>} : memref<32x1x128xf32, #tpu.memory_space<vmem>>, vector<1x1x16xf32>,
        %get3A_1008 = arith.index_cast %add3A_978 : i32 to index
        %get3A_1009 = arith.constant 32 : index
        %get3A_1010 = tpu.vector_load %arg11[%get3A_1008, %get3A_1009] {strides = array<i32>} : memref<32x128xf32, #tpu.memory_space<vmem>>, vector<1x16xf32>,
        %get3A_1011 = vector.shape_cast %get3A_1010 : vector<1x16xf32> to vector<16xf32>
        %mul3A_1012 = arith.constant 11.3137083 : f32
        %mul3A_1013 = vector.broadcast %mul3A_1012 : f32 to vector<16xf32>
        %mul3A_1014 = arith.mulf %get3A_1011, %mul3A_1013 : vector<16xf32>
        %add3A_1015 = arith.addf %mul3A_1014, %get3A_543 : vector<16xf32>
        %swap3A_1016 = arith.constant 0 : i32
        %swap3A_1017 = arith.index_cast %scan3A_973 : i32 to index
        %swap3A_1018 = arith.index_cast %swap3A_1016 : i32 to index
        %swap3A_1019 = arith.constant 32 : index
        %swap3A_1020 = tpu.vector_load %arg19[%swap3A_1017, %swap3A_1018, %swap3A_1019] {strides = array<i32>} : memref<32x1x128xf32, #tpu.memory_space<vmem>>, vector<1x1x16xf32>,
        %swap3A_1021 = vector.shape_cast %swap3A_1020 : vector<1x1x16xf32> to vector<16xf32>
        %swap3A_1022 = vector.shape_cast %add3A_1015 : vector<16xf32> to vector<1x1x16xf32>
        tpu.vector_store %arg19[%swap3A_1017, %swap3A_1018, %swap3A_1019], %swap3A_1022 {strides = array<i32>} : memref<32x1x128xf32, #tpu.memory_space<vmem>>, vector<1x1x16xf32>,
        %get3A_1023 = arith.index_cast %add3A_978 : i32 to index
        %get3A_1024 = arith.constant 48 : index
        %get3A_1025 = tpu.vector_load %arg11[%get3A_1023, %get3A_1024] {strides = array<i32>} : memref<32x128xf32, #tpu.memory_space<vmem>>, vector<1x16xf32>,
        %get3A_1026 = vector.shape_cast %get3A_1025 : vector<1x16xf32> to vector<16xf32>
        %mul3A_1027 = arith.constant 11.3137083 : f32
        %mul3A_1028 = vector.broadcast %mul3A_1027 : f32 to vector<16xf32>
        %mul3A_1029 = arith.mulf %get3A_1026, %mul3A_1028 : vector<16xf32>
        %add3A_1030 = arith.addf %mul3A_1029, %get3A_549 : vector<16xf32>
        %swap3A_1031 = arith.constant 0 : i32
        %swap3A_1032 = arith.index_cast %scan3A_973 : i32 to index
        %swap3A_1033 = arith.index_cast %swap3A_1031 : i32 to index
        %swap3A_1034 = arith.constant 48 : index
        %swap3A_1035 = tpu.vector_load %arg19[%swap3A_1032, %swap3A_1033, %swap3A_1034] {strides = array<i32>} : memref<32x1x128xf32, #tpu.memory_space<vmem>>, vector<1x1x16xf32>,
        %swap3A_1036 = vector.shape_cast %swap3A_1035 : vector<1x1x16xf32> to vector<16xf32>
        %swap3A_1037 = vector.shape_cast %add3A_1030 : vector<16xf32> to vector<1x1x16xf32>
        tpu.vector_store %arg19[%swap3A_1032, %swap3A_1033, %swap3A_1034], %swap3A_1037 {strides = array<i32>} : memref<32x1x128xf32, #tpu.memory_space<vmem>>, vector<1x1x16xf32>,
        %get3A_1038 = arith.index_cast %add3A_978 : i32 to index
        %get3A_1039 = arith.constant 64 : index
        %get3A_1040 = tpu.vector_load %arg11[%get3A_1038, %get3A_1039] {strides = array<i32>} : memref<32x128xf32, #tpu.memory_space<vmem>>, vector<1x16xf32>,
        %get3A_1041 = vector.shape_cast %get3A_1040 : vector<1x16xf32> to vector<16xf32>
        %mul3A_1042 = arith.constant 11.3137083 : f32
        %mul3A_1043 = vector.broadcast %mul3A_1042 : f32 to vector<16xf32>
        %mul3A_1044 = arith.mulf %get3A_1041, %mul3A_1043 : vector<16xf32>
        %add3A_1045 = arith.addf %mul3A_1044, %get3A_555 : vector<16xf32>
        %swap3A_1046 = arith.constant 0 : i32
        %swap3A_1047 = arith.index_cast %scan3A_973 : i32 to index
        %swap3A_1048 = arith.index_cast %swap3A_1046 : i32 to index
        %swap3A_1049 = arith.constant 64 : index
        %swap3A_1050 = tpu.vector_load %arg19[%swap3A_1047, %swap3A_1048, %swap3A_1049] {strides = array<i32>} : memref<32x1x128xf32, #tpu.memory_space<vmem>>, vector<1x1x16xf32>,
        %swap3A_1051 = vector.shape_cast %swap3A_1050 : vector<1x1x16xf32> to vector<16xf32>
        %swap3A_1052 = vector.shape_cast %add3A_1045 : vector<16xf32> to vector<1x1x16xf32>
        tpu.vector_store %arg19[%swap3A_1047, %swap3A_1048, %swap3A_1049], %swap3A_1052 {strides = array<i32>} : memref<32x1x128xf32, #tpu.memory_space<vmem>>, vector<1x1x16xf32>,
        %get3A_1053 = arith.index_cast %add3A_978 : i32 to index
        %get3A_1054 = arith.constant 80 : index
        %get3A_1055 = tpu.vector_load %arg11[%get3A_1053, %get3A_1054] {strides = array<i32>} : memref<32x128xf32, #tpu.memory_space<vmem>>, vector<1x16xf32>,
        %get3A_1056 = vector.shape_cast %get3A_1055 : vector<1x16xf32> to vector<16xf32>
        %mul3A_1057 = arith.constant 11.3137083 : f32
        %mul3A_1058 = vector.broadcast %mul3A_1057 : f32 to vector<16xf32>
        %mul3A_1059 = arith.mulf %get3A_1056, %mul3A_1058 : vector<16xf32>
        %add3A_1060 = arith.addf %mul3A_1059, %get3A_561 : vector<16xf32>
        %swap3A_1061 = arith.constant 0 : i32
        %swap3A_1062 = arith.index_cast %scan3A_973 : i32 to index
        %swap3A_1063 = arith.index_cast %swap3A_1061 : i32 to index
        %swap3A_1064 = arith.constant 80 : index
        %swap3A_1065 = tpu.vector_load %arg19[%swap3A_1062, %swap3A_1063, %swap3A_1064] {strides = array<i32>} : memref<32x1x128xf32, #tpu.memory_space<vmem>>, vector<1x1x16xf32>,
        %swap3A_1066 = vector.shape_cast %swap3A_1065 : vector<1x1x16xf32> to vector<16xf32>
        %swap3A_1067 = vector.shape_cast %add3A_1060 : vector<16xf32> to vector<1x1x16xf32>
        tpu.vector_store %arg19[%swap3A_1062, %swap3A_1063, %swap3A_1064], %swap3A_1067 {strides = array<i32>} : memref<32x1x128xf32, #tpu.memory_space<vmem>>, vector<1x1x16xf32>,
        %get3A_1068 = arith.index_cast %add3A_978 : i32 to index
        %get3A_1069 = arith.constant 96 : index
        %get3A_1070 = tpu.vector_load %arg11[%get3A_1068, %get3A_1069] {strides = array<i32>} : memref<32x128xf32, #tpu.memory_space<vmem>>, vector<1x16xf32>,
        %get3A_1071 = vector.shape_cast %get3A_1070 : vector<1x16xf32> to vector<16xf32>
        %mul3A_1072 = arith.constant 11.3137083 : f32
        %mul3A_1073 = vector.broadcast %mul3A_1072 : f32 to vector<16xf32>
        %mul3A_1074 = arith.mulf %get3A_1071, %mul3A_1073 : vector<16xf32>
        %add3A_1075 = arith.addf %mul3A_1074, %get3A_567 : vector<16xf32>
        %swap3A_1076 = arith.constant 0 : i32
        %swap3A_1077 = arith.index_cast %scan3A_973 : i32 to index
        %swap3A_1078 = arith.index_cast %swap3A_1076 : i32 to index
        %swap3A_1079 = arith.constant 96 : index
        %swap3A_1080 = tpu.vector_load %arg19[%swap3A_1077, %swap3A_1078, %swap3A_1079] {strides = array<i32>} : memref<32x1x128xf32, #tpu.memory_space<vmem>>, vector<1x1x16xf32>,
        %swap3A_1081 = vector.shape_cast %swap3A_1080 : vector<1x1x16xf32> to vector<16xf32>
        %swap3A_1082 = vector.shape_cast %add3A_1075 : vector<16xf32> to vector<1x1x16xf32>
        tpu.vector_store %arg19[%swap3A_1077, %swap3A_1078, %swap3A_1079], %swap3A_1082 {strides = array<i32>} : memref<32x1x128xf32, #tpu.memory_space<vmem>>, vector<1x1x16xf32>,
        %get3A_1083 = arith.index_cast %add3A_978 : i32 to index
        %get3A_1084 = arith.constant 112 : index
        %get3A_1085 = tpu.vector_load %arg11[%get3A_1083, %get3A_1084] {strides = array<i32>} : memref<32x128xf32, #tpu.memory_space<vmem>>, vector<1x16xf32>,
        %get3A_1086 = vector.shape_cast %get3A_1085 : vector<1x16xf32> to vector<16xf32>
        %mul3A_1087 = arith.constant 11.3137083 : f32
        %mul3A_1088 = vector.broadcast %mul3A_1087 : f32 to vector<16xf32>
        %mul3A_1089 = arith.mulf %get3A_1086, %mul3A_1088 : vector<16xf32>
        %add3A_1090 = arith.addf %mul3A_1089, %get3A_573 : vector<16xf32>
        %swap3A_1091 = arith.constant 0 : i32
        %swap3A_1092 = arith.index_cast %scan3A_973 : i32 to index
        %swap3A_1093 = arith.index_cast %swap3A_1091 : i32 to index
        %swap3A_1094 = arith.constant 112 : index
        %swap3A_1095 = tpu.vector_load %arg19[%swap3A_1092, %swap3A_1093, %swap3A_1094] {strides = array<i32>} : memref<32x1x128xf32, #tpu.memory_space<vmem>>, vector<1x1x16xf32>,
        %swap3A_1096 = vector.shape_cast %swap3A_1095 : vector<1x1x16xf32> to vector<16xf32>
        %swap3A_1097 = vector.shape_cast %add3A_1090 : vector<16xf32> to vector<1x1x16xf32>
        tpu.vector_store %arg19[%swap3A_1092, %swap3A_1093, %swap3A_1094], %swap3A_1097 {strides = array<i32>} : memref<32x1x128xf32, #tpu.memory_space<vmem>>, vector<1x1x16xf32>,
        %scan3A_1098 = arith.constant 0 : i32
        scf.yield %scan3A_1098 : i32
      }
      %scan3A_580 = arith.constant 32 : i32
      %mul3A_581 = arith.constant 1 : i32
      %mul3A_582 = arith.muli %add3A_500, %mul3A_581 : i32
      %dma_start3A_583 = arith.constant 0 : i32
      %dma_start3A_584 = tpu.memref_slice %arg5[%mul3A_2, %mul3A_582, %dma_start3A_583] : memref<1024x200x128xf32, #tpu.memory_space<hbm>> -> memref<32x1x128xf32, #tpu.memory_space<hbm>>
      %dma_start3A_585 = arith.constant 0 : i32
      %dma_start3A_586 = tpu.memref_slice %arg5[%mul3A_2, %mul3A_582, %dma_start3A_585] : memref<1024x200x128xf32, #tpu.memory_space<hbm>> -> memref<32x1x128xf32, #tpu.memory_space<hbm>>
      tpu.enqueue_dma source(%arg19 : memref<32x1x128xf32, #tpu.memory_space<vmem>>) target(%dma_start3A_586 : memref<32x1x128xf32, #tpu.memory_space<hbm>>) target_semaphore(%arg35 : memref<!tpu.dma_semaphore, #tpu.memory_space<semaphore_mem>>)
      %lt3A_587 = arith.constant 24 : i32
      %lt3A_588 = arith.cmpi slt, %scan3A_215, %lt3A_587 : i32
      %convert_element_type3A_589 = arith.extui %lt3A_588 : i1 to i32
      %cond3A_590 = arith.constant 0 : i32
      %cond3A_591 = arith.cmpi ne, %convert_element_type3A_589, %cond3A_590 : i32
      scf.if %cond3A_591 {
        %add3A_973 = arith.constant 8 : i32
        %add3A_974 = arith.addi %add3A_500, %add3A_973 : i32
        %dma_start3A_975 = arith.constant 0 : i32
        %dma_start3A_976 = arith.constant 0 : i32
        %dma_start3A_977 = tpu.memref_slice %arg11[%dma_start3A_975, %dma_start3A_976] : memref<32x128xf32, #tpu.memory_space<vmem>> -> memref<16x128xf32, #tpu.memory_space<vmem>>
        %dma_start3A_978 = arith.constant 0 : i32
        %dma_start3A_979 = tpu.memref_slice %arg6[%add3A_974, %dma_start3A_978] : memref<200x32xi32, #tpu.memory_space<vmem>> -> memref<1x16xi32, #tpu.memory_space<vmem>>
        %dma_start3A_980 = tpu.memref_squeeze %dma_start3A_979 : memref<1x16xi32, #tpu.memory_space<vmem>> -> memref<16xi32, #tpu.memory_space<vmem>>
        %dma_start3A_981 = arith.constant 0 : i32
        %dma_start3A_982 = arith.constant 0 : i32
        %dma_start3A_983 = tpu.memref_slice %arg2[%dma_start3A_981, %dma_start3A_982] : memref<100000x128xf32, #tpu.memory_space<hbm>> -> memref<100000x128xf32, #tpu.memory_space<hbm>>
        tpu.enqueue_indirect_dma source(%dma_start3A_983 : memref<100000x128xf32, #tpu.memory_space<hbm>>) target(%dma_start3A_977 : memref<16x128xf32, #tpu.memory_space<vmem>>) offsets(%dma_start3A_980 : memref<16xi32, #tpu.memory_space<vmem>>) semaphore(%arg27 : memref<!tpu.dma_semaphore, #tpu.memory_space<semaphore_mem>>)
        %dma_start3A_984 = arith.constant 16 : i32
        %dma_start3A_985 = arith.constant 0 : i32
        %dma_start3A_986 = tpu.memref_slice %arg11[%dma_start3A_984, %dma_start3A_985] : memref<32x128xf32, #tpu.memory_space<vmem>> -> memref<16x128xf32, #tpu.memory_space<vmem>>
        %dma_start3A_987 = arith.constant 16 : i32
        %dma_start3A_988 = tpu.memref_slice %arg6[%add3A_974, %dma_start3A_987] : memref<200x32xi32, #tpu.memory_space<vmem>> -> memref<1x16xi32, #tpu.memory_space<vmem>>
        %dma_start3A_989 = tpu.memref_squeeze %dma_start3A_988 : memref<1x16xi32, #tpu.memory_space<vmem>> -> memref<16xi32, #tpu.memory_space<vmem>>
        %dma_start3A_990 = arith.constant 0 : i32
        %dma_start3A_991 = arith.constant 0 : i32
        %dma_start3A_992 = tpu.memref_slice %arg2[%dma_start3A_990, %dma_start3A_991] : memref<100000x128xf32, #tpu.memory_space<hbm>> -> memref<100000x128xf32, #tpu.memory_space<hbm>>
        tpu.enqueue_indirect_dma source(%dma_start3A_992 : memref<100000x128xf32, #tpu.memory_space<hbm>>) target(%dma_start3A_986 : memref<16x128xf32, #tpu.memory_space<vmem>>) offsets(%dma_start3A_989 : memref<16xi32, #tpu.memory_space<vmem>>) semaphore(%arg27 : memref<!tpu.dma_semaphore, #tpu.memory_space<semaphore_mem>>)
      } else {
      }
      %mul3A_592 = arith.constant 8 : i32
      %mul3A_593 = arith.muli %scan3A_215, %mul3A_592 : i32
      %add3A_594 = arith.constant 4 : i32
      %add3A_595 = arith.addi %mul3A_593, %add3A_594 : i32
      %dma_wait3A_596 = arith.constant 0 : i32
      %dma_wait3A_597 = arith.constant 0 : i32
      %dma_wait3A_598 = tpu.memref_slice %arg12[%dma_wait3A_596, %dma_wait3A_597] : memref<32x128xf32, #tpu.memory_space<vmem>> -> memref<16x128xf32, #tpu.memory_space<vmem>>
      %dma_wait3A_599 = arith.constant 0 : i32
      %dma_wait3A_600 = tpu.memref_slice %arg6[%add3A_595, %dma_wait3A_599] : memref<200x32xi32, #tpu.memory_space<vmem>> -> memref<1x16xi32, #tpu.memory_space<vmem>>
      %dma_wait3A_601 = tpu.memref_squeeze %dma_wait3A_600 : memref<1x16xi32, #tpu.memory_space<vmem>> -> memref<16xi32, #tpu.memory_space<vmem>>
      %dma_wait3A_602 = arith.constant 0 : i32
      %dma_wait3A_603 = arith.constant 0 : i32
      %dma_wait3A_604 = tpu.memref_slice %arg2[%dma_wait3A_602, %dma_wait3A_603] : memref<100000x128xf32, #tpu.memory_space<hbm>> -> memref<100000x128xf32, #tpu.memory_space<hbm>>
      tpu.wait_indirect_dma semaphore(%arg28 : memref<!tpu.dma_semaphore, #tpu.memory_space<semaphore_mem>>) src(%dma_wait3A_604 : memref<100000x128xf32, #tpu.memory_space<hbm>>) dst(%dma_wait3A_598 : memref<16x128xf32, #tpu.memory_space<vmem>>)
      %dma_wait3A_605 = arith.constant 16 : i32
      %dma_wait3A_606 = arith.constant 0 : i32
      %dma_wait3A_607 = tpu.memref_slice %arg12[%dma_wait3A_605, %dma_wait3A_606] : memref<32x128xf32, #tpu.memory_space<vmem>> -> memref<16x128xf32, #tpu.memory_space<vmem>>
      %dma_wait3A_608 = arith.constant 16 : i32
      %dma_wait3A_609 = tpu.memref_slice %arg6[%add3A_595, %dma_wait3A_608] : memref<200x32xi32, #tpu.memory_space<vmem>> -> memref<1x16xi32, #tpu.memory_space<vmem>>
      %dma_wait3A_610 = tpu.memref_squeeze %dma_wait3A_609 : memref<1x16xi32, #tpu.memory_space<vmem>> -> memref<16xi32, #tpu.memory_space<vmem>>
      %dma_wait3A_611 = arith.constant 0 : i32
      %dma_wait3A_612 = arith.constant 0 : i32
      %dma_wait3A_613 = tpu.memref_slice %arg2[%dma_wait3A_611, %dma_wait3A_612] : memref<100000x128xf32, #tpu.memory_space<hbm>> -> memref<100000x128xf32, #tpu.memory_space<hbm>>
      tpu.wait_indirect_dma semaphore(%arg28 : memref<!tpu.dma_semaphore, #tpu.memory_space<semaphore_mem>>) src(%dma_wait3A_613 : memref<100000x128xf32, #tpu.memory_space<hbm>>) dst(%dma_wait3A_607 : memref<16x128xf32, #tpu.memory_space<vmem>>)
      %gt3A_614 = arith.constant 0 : i32
      %gt3A_615 = arith.cmpi sgt, %scan3A_215, %gt3A_614 : i32
      %convert_element_type3A_616 = arith.extui %gt3A_615 : i1 to i32
      %cond3A_617 = arith.constant 0 : i32
      %cond3A_618 = arith.cmpi ne, %convert_element_type3A_616, %cond3A_617 : i32
      scf.if %cond3A_618 {
        %sub3A = arith.constant 8 : i32
        %sub3A_973 = arith.subi %add3A_595, %sub3A : i32
        %mul3A_974 = arith.constant 1 : i32
        %mul3A_975 = arith.muli %sub3A_973, %mul3A_974 : i32
        %dma_wait3A_976 = arith.constant 0 : i32
        %dma_wait3A_977 = tpu.memref_slice %arg5[%mul3A_2, %mul3A_975, %dma_wait3A_976] : memref<1024x200x128xf32, #tpu.memory_space<hbm>> -> memref<32x1x128xf32, #tpu.memory_space<hbm>>
        %dma_wait3A_978 = arith.constant 0 : i32
        %dma_wait3A_979 = tpu.memref_slice %arg5[%mul3A_2, %mul3A_975, %dma_wait3A_978] : memref<1024x200x128xf32, #tpu.memory_space<hbm>> -> memref<32x1x128xf32, #tpu.memory_space<hbm>>
        tpu.wait_dma2 semaphore(%arg36 : memref<!tpu.dma_semaphore, #tpu.memory_space<semaphore_mem>>) src(%arg20 : memref<32x1x128xf32, #tpu.memory_space<vmem>>) dst(%dma_wait3A_979 : memref<32x1x128xf32, #tpu.memory_space<hbm>>)
      } else {
      }
      %mul3A_619 = arith.constant 1 : i32
      %mul3A_620 = arith.muli %add3A_595, %mul3A_619 : i32
      %add3A_621 = arith.constant 0 : i32
      %add3A_622 = arith.addi %mul3A_620, %add3A_621 : i32
      %get3A_623 = arith.index_cast %add3A_622 : i32 to index
      %get3A_624 = arith.constant 0 : index
      %get3A_625 = tpu.vector_load %arg7[%get3A_623, %get3A_624] {strides = array<i32>} : memref<200x128xf32, #tpu.memory_space<vmem>>, vector<1x16xf32>,
      %get3A_626 = vector.shape_cast %get3A_625 : vector<1x16xf32> to vector<16xf32>
      %add3A_627 = arith.constant 0 : i32
      %add3A_628 = arith.addi %mul3A_620, %add3A_627 : i32
      %get3A_629 = arith.index_cast %add3A_628 : i32 to index
      %get3A_630 = arith.constant 16 : index
      %get3A_631 = tpu.vector_load %arg7[%get3A_629, %get3A_630] {strides = array<i32>} : memref<200x128xf32, #tpu.memory_space<vmem>>, vector<1x16xf32>,
      %get3A_632 = vector.shape_cast %get3A_631 : vector<1x16xf32> to vector<16xf32>
      %add3A_633 = arith.constant 0 : i32
      %add3A_634 = arith.addi %mul3A_620, %add3A_633 : i32
      %get3A_635 = arith.index_cast %add3A_634 : i32 to index
      %get3A_636 = arith.constant 32 : index
      %get3A_637 = tpu.vector_load %arg7[%get3A_635, %get3A_636] {strides = array<i32>} : memref<200x128xf32, #tpu.memory_space<vmem>>, vector<1x16xf32>,
      %get3A_638 = vector.shape_cast %get3A_637 : vector<1x16xf32> to vector<16xf32>
      %add3A_639 = arith.constant 0 : i32
      %add3A_640 = arith.addi %mul3A_620, %add3A_639 : i32
      %get3A_641 = arith.index_cast %add3A_640 : i32 to index
      %get3A_642 = arith.constant 48 : index
      %get3A_643 = tpu.vector_load %arg7[%get3A_641, %get3A_642] {strides = array<i32>} : memref<200x128xf32, #tpu.memory_space<vmem>>, vector<1x16xf32>,
      %get3A_644 = vector.shape_cast %get3A_643 : vector<1x16xf32> to vector<16xf32>
      %add3A_645 = arith.constant 0 : i32
      %add3A_646 = arith.addi %mul3A_620, %add3A_645 : i32
      %get3A_647 = arith.index_cast %add3A_646 : i32 to index
      %get3A_648 = arith.constant 64 : index
      %get3A_649 = tpu.vector_load %arg7[%get3A_647, %get3A_648] {strides = array<i32>} : memref<200x128xf32, #tpu.memory_space<vmem>>, vector<1x16xf32>,
      %get3A_650 = vector.shape_cast %get3A_649 : vector<1x16xf32> to vector<16xf32>
      %add3A_651 = arith.constant 0 : i32
      %add3A_652 = arith.addi %mul3A_620, %add3A_651 : i32
      %get3A_653 = arith.index_cast %add3A_652 : i32 to index
      %get3A_654 = arith.constant 80 : index
      %get3A_655 = tpu.vector_load %arg7[%get3A_653, %get3A_654] {strides = array<i32>} : memref<200x128xf32, #tpu.memory_space<vmem>>, vector<1x16xf32>,
      %get3A_656 = vector.shape_cast %get3A_655 : vector<1x16xf32> to vector<16xf32>
      %add3A_657 = arith.constant 0 : i32
      %add3A_658 = arith.addi %mul3A_620, %add3A_657 : i32
      %get3A_659 = arith.index_cast %add3A_658 : i32 to index
      %get3A_660 = arith.constant 96 : index
      %get3A_661 = tpu.vector_load %arg7[%get3A_659, %get3A_660] {strides = array<i32>} : memref<200x128xf32, #tpu.memory_space<vmem>>, vector<1x16xf32>,
      %get3A_662 = vector.shape_cast %get3A_661 : vector<1x16xf32> to vector<16xf32>
      %add3A_663 = arith.constant 0 : i32
      %add3A_664 = arith.addi %mul3A_620, %add3A_663 : i32
      %get3A_665 = arith.index_cast %add3A_664 : i32 to index
      %get3A_666 = arith.constant 112 : index
      %get3A_667 = tpu.vector_load %arg7[%get3A_665, %get3A_666] {strides = array<i32>} : memref<200x128xf32, #tpu.memory_space<vmem>>, vector<1x16xf32>,
      %get3A_668 = vector.shape_cast %get3A_667 : vector<1x16xf32> to vector<16xf32>
      %scan3A_669 = arith.constant 0 : i32
      %scan3A_670 = arith.constant 0 : i32
      %scan3A_671 = arith.constant 32 : i32
      %scan3A_672 = arith.addi %scan3A_670, %scan3A_671 : i32
      %scan3A_673 = arith.constant 1 : i32
      %scan3A_674 = scf.for %scan3A_973 = %scan3A_670 to %scan3A_672 step %scan3A_673 iter_args(%scan3A_974 = %scan3A_669) -> (i32)  : i32 {
        %mul3A_975 = arith.constant 1 : i32
        %mul3A_976 = arith.muli %scan3A_973, %mul3A_975 : i32
        %add3A_977 = arith.constant 0 : i32
        %add3A_978 = arith.addi %mul3A_976, %add3A_977 : i32
        %get3A_979 = arith.index_cast %add3A_978 : i32 to index
        %get3A_980 = arith.constant 0 : index
        %get3A_981 = tpu.vector_load %arg12[%get3A_979, %get3A_980] {strides = array<i32>} : memref<32x128xf32, #tpu.memory_space<vmem>>, vector<1x16xf32>,
        %get3A_982 = vector.shape_cast %get3A_981 : vector<1x16xf32> to vector<16xf32>
        %mul3A_983 = arith.constant 11.3137083 : f32
        %mul3A_984 = vector.broadcast %mul3A_983 : f32 to vector<16xf32>
        %mul3A_985 = arith.mulf %get3A_982, %mul3A_984 : vector<16xf32>
        %add3A_986 = arith.addf %mul3A_985, %get3A_626 : vector<16xf32>
        %swap3A = arith.constant 0 : i32
        %swap3A_987 = arith.index_cast %scan3A_973 : i32 to index
        %swap3A_988 = arith.index_cast %swap3A : i32 to index
        %swap3A_989 = arith.constant 0 : index
        %swap3A_990 = tpu.vector_load %arg20[%swap3A_987, %swap3A_988, %swap3A_989] {strides = array<i32>} : memref<32x1x128xf32, #tpu.memory_space<vmem>>, vector<1x1x16xf32>,
        %swap3A_991 = vector.shape_cast %swap3A_990 : vector<1x1x16xf32> to vector<16xf32>
        %swap3A_992 = vector.shape_cast %add3A_986 : vector<16xf32> to vector<1x1x16xf32>
        tpu.vector_store %arg20[%swap3A_987, %swap3A_988, %swap3A_989], %swap3A_992 {strides = array<i32>} : memref<32x1x128xf32, #tpu.memory_space<vmem>>, vector<1x1x16xf32>,
        %get3A_993 = arith.index_cast %add3A_978 : i32 to index
        %get3A_994 = arith.constant 16 : index
        %get3A_995 = tpu.vector_load %arg12[%get3A_993, %get3A_994] {strides = array<i32>} : memref<32x128xf32, #tpu.memory_space<vmem>>, vector<1x16xf32>,
        %get3A_996 = vector.shape_cast %get3A_995 : vector<1x16xf32> to vector<16xf32>
        %mul3A_997 = arith.constant 11.3137083 : f32
        %mul3A_998 = vector.broadcast %mul3A_997 : f32 to vector<16xf32>
        %mul3A_999 = arith.mulf %get3A_996, %mul3A_998 : vector<16xf32>
        %add3A_1000 = arith.addf %mul3A_999, %get3A_632 : vector<16xf32>
        %swap3A_1001 = arith.constant 0 : i32
        %swap3A_1002 = arith.index_cast %scan3A_973 : i32 to index
        %swap3A_1003 = arith.index_cast %swap3A_1001 : i32 to index
        %swap3A_1004 = arith.constant 16 : index
        %swap3A_1005 = tpu.vector_load %arg20[%swap3A_1002, %swap3A_1003, %swap3A_1004] {strides = array<i32>} : memref<32x1x128xf32, #tpu.memory_space<vmem>>, vector<1x1x16xf32>,
        %swap3A_1006 = vector.shape_cast %swap3A_1005 : vector<1x1x16xf32> to vector<16xf32>
        %swap3A_1007 = vector.shape_cast %add3A_1000 : vector<16xf32> to vector<1x1x16xf32>
        tpu.vector_store %arg20[%swap3A_1002, %swap3A_1003, %swap3A_1004], %swap3A_1007 {strides = array<i32>} : memref<32x1x128xf32, #tpu.memory_space<vmem>>, vector<1x1x16xf32>,
        %get3A_1008 = arith.index_cast %add3A_978 : i32 to index
        %get3A_1009 = arith.constant 32 : index
        %get3A_1010 = tpu.vector_load %arg12[%get3A_1008, %get3A_1009] {strides = array<i32>} : memref<32x128xf32, #tpu.memory_space<vmem>>, vector<1x16xf32>,
        %get3A_1011 = vector.shape_cast %get3A_1010 : vector<1x16xf32> to vector<16xf32>
        %mul3A_1012 = arith.constant 11.3137083 : f32
        %mul3A_1013 = vector.broadcast %mul3A_1012 : f32 to vector<16xf32>
        %mul3A_1014 = arith.mulf %get3A_1011, %mul3A_1013 : vector<16xf32>
        %add3A_1015 = arith.addf %mul3A_1014, %get3A_638 : vector<16xf32>
        %swap3A_1016 = arith.constant 0 : i32
        %swap3A_1017 = arith.index_cast %scan3A_973 : i32 to index
        %swap3A_1018 = arith.index_cast %swap3A_1016 : i32 to index
        %swap3A_1019 = arith.constant 32 : index
        %swap3A_1020 = tpu.vector_load %arg20[%swap3A_1017, %swap3A_1018, %swap3A_1019] {strides = array<i32>} : memref<32x1x128xf32, #tpu.memory_space<vmem>>, vector<1x1x16xf32>,
        %swap3A_1021 = vector.shape_cast %swap3A_1020 : vector<1x1x16xf32> to vector<16xf32>
        %swap3A_1022 = vector.shape_cast %add3A_1015 : vector<16xf32> to vector<1x1x16xf32>
        tpu.vector_store %arg20[%swap3A_1017, %swap3A_1018, %swap3A_1019], %swap3A_1022 {strides = array<i32>} : memref<32x1x128xf32, #tpu.memory_space<vmem>>, vector<1x1x16xf32>,
        %get3A_1023 = arith.index_cast %add3A_978 : i32 to index
        %get3A_1024 = arith.constant 48 : index
        %get3A_1025 = tpu.vector_load %arg12[%get3A_1023, %get3A_1024] {strides = array<i32>} : memref<32x128xf32, #tpu.memory_space<vmem>>, vector<1x16xf32>,
        %get3A_1026 = vector.shape_cast %get3A_1025 : vector<1x16xf32> to vector<16xf32>
        %mul3A_1027 = arith.constant 11.3137083 : f32
        %mul3A_1028 = vector.broadcast %mul3A_1027 : f32 to vector<16xf32>
        %mul3A_1029 = arith.mulf %get3A_1026, %mul3A_1028 : vector<16xf32>
        %add3A_1030 = arith.addf %mul3A_1029, %get3A_644 : vector<16xf32>
        %swap3A_1031 = arith.constant 0 : i32
        %swap3A_1032 = arith.index_cast %scan3A_973 : i32 to index
        %swap3A_1033 = arith.index_cast %swap3A_1031 : i32 to index
        %swap3A_1034 = arith.constant 48 : index
        %swap3A_1035 = tpu.vector_load %arg20[%swap3A_1032, %swap3A_1033, %swap3A_1034] {strides = array<i32>} : memref<32x1x128xf32, #tpu.memory_space<vmem>>, vector<1x1x16xf32>,
        %swap3A_1036 = vector.shape_cast %swap3A_1035 : vector<1x1x16xf32> to vector<16xf32>
        %swap3A_1037 = vector.shape_cast %add3A_1030 : vector<16xf32> to vector<1x1x16xf32>
        tpu.vector_store %arg20[%swap3A_1032, %swap3A_1033, %swap3A_1034], %swap3A_1037 {strides = array<i32>} : memref<32x1x128xf32, #tpu.memory_space<vmem>>, vector<1x1x16xf32>,
        %get3A_1038 = arith.index_cast %add3A_978 : i32 to index
        %get3A_1039 = arith.constant 64 : index
        %get3A_1040 = tpu.vector_load %arg12[%get3A_1038, %get3A_1039] {strides = array<i32>} : memref<32x128xf32, #tpu.memory_space<vmem>>, vector<1x16xf32>,
        %get3A_1041 = vector.shape_cast %get3A_1040 : vector<1x16xf32> to vector<16xf32>
        %mul3A_1042 = arith.constant 11.3137083 : f32
        %mul3A_1043 = vector.broadcast %mul3A_1042 : f32 to vector<16xf32>
        %mul3A_1044 = arith.mulf %get3A_1041, %mul3A_1043 : vector<16xf32>
        %add3A_1045 = arith.addf %mul3A_1044, %get3A_650 : vector<16xf32>
        %swap3A_1046 = arith.constant 0 : i32
        %swap3A_1047 = arith.index_cast %scan3A_973 : i32 to index
        %swap3A_1048 = arith.index_cast %swap3A_1046 : i32 to index
        %swap3A_1049 = arith.constant 64 : index
        %swap3A_1050 = tpu.vector_load %arg20[%swap3A_1047, %swap3A_1048, %swap3A_1049] {strides = array<i32>} : memref<32x1x128xf32, #tpu.memory_space<vmem>>, vector<1x1x16xf32>,
        %swap3A_1051 = vector.shape_cast %swap3A_1050 : vector<1x1x16xf32> to vector<16xf32>
        %swap3A_1052 = vector.shape_cast %add3A_1045 : vector<16xf32> to vector<1x1x16xf32>
        tpu.vector_store %arg20[%swap3A_1047, %swap3A_1048, %swap3A_1049], %swap3A_1052 {strides = array<i32>} : memref<32x1x128xf32, #tpu.memory_space<vmem>>, vector<1x1x16xf32>,
        %get3A_1053 = arith.index_cast %add3A_978 : i32 to index
        %get3A_1054 = arith.constant 80 : index
        %get3A_1055 = tpu.vector_load %arg12[%get3A_1053, %get3A_1054] {strides = array<i32>} : memref<32x128xf32, #tpu.memory_space<vmem>>, vector<1x16xf32>,
        %get3A_1056 = vector.shape_cast %get3A_1055 : vector<1x16xf32> to vector<16xf32>
        %mul3A_1057 = arith.constant 11.3137083 : f32
        %mul3A_1058 = vector.broadcast %mul3A_1057 : f32 to vector<16xf32>
        %mul3A_1059 = arith.mulf %get3A_1056, %mul3A_1058 : vector<16xf32>
        %add3A_1060 = arith.addf %mul3A_1059, %get3A_656 : vector<16xf32>
        %swap3A_1061 = arith.constant 0 : i32
        %swap3A_1062 = arith.index_cast %scan3A_973 : i32 to index
        %swap3A_1063 = arith.index_cast %swap3A_1061 : i32 to index
        %swap3A_1064 = arith.constant 80 : index
        %swap3A_1065 = tpu.vector_load %arg20[%swap3A_1062, %swap3A_1063, %swap3A_1064] {strides = array<i32>} : memref<32x1x128xf32, #tpu.memory_space<vmem>>, vector<1x1x16xf32>,
        %swap3A_1066 = vector.shape_cast %swap3A_1065 : vector<1x1x16xf32> to vector<16xf32>
        %swap3A_1067 = vector.shape_cast %add3A_1060 : vector<16xf32> to vector<1x1x16xf32>
        tpu.vector_store %arg20[%swap3A_1062, %swap3A_1063, %swap3A_1064], %swap3A_1067 {strides = array<i32>} : memref<32x1x128xf32, #tpu.memory_space<vmem>>, vector<1x1x16xf32>,
        %get3A_1068 = arith.index_cast %add3A_978 : i32 to index
        %get3A_1069 = arith.constant 96 : index
        %get3A_1070 = tpu.vector_load %arg12[%get3A_1068, %get3A_1069] {strides = array<i32>} : memref<32x128xf32, #tpu.memory_space<vmem>>, vector<1x16xf32>,
        %get3A_1071 = vector.shape_cast %get3A_1070 : vector<1x16xf32> to vector<16xf32>
        %mul3A_1072 = arith.constant 11.3137083 : f32
        %mul3A_1073 = vector.broadcast %mul3A_1072 : f32 to vector<16xf32>
        %mul3A_1074 = arith.mulf %get3A_1071, %mul3A_1073 : vector<16xf32>
        %add3A_1075 = arith.addf %mul3A_1074, %get3A_662 : vector<16xf32>
        %swap3A_1076 = arith.constant 0 : i32
        %swap3A_1077 = arith.index_cast %scan3A_973 : i32 to index
        %swap3A_1078 = arith.index_cast %swap3A_1076 : i32 to index
        %swap3A_1079 = arith.constant 96 : index
        %swap3A_1080 = tpu.vector_load %arg20[%swap3A_1077, %swap3A_1078, %swap3A_1079] {strides = array<i32>} : memref<32x1x128xf32, #tpu.memory_space<vmem>>, vector<1x1x16xf32>,
        %swap3A_1081 = vector.shape_cast %swap3A_1080 : vector<1x1x16xf32> to vector<16xf32>
        %swap3A_1082 = vector.shape_cast %add3A_1075 : vector<16xf32> to vector<1x1x16xf32>
        tpu.vector_store %arg20[%swap3A_1077, %swap3A_1078, %swap3A_1079], %swap3A_1082 {strides = array<i32>} : memref<32x1x128xf32, #tpu.memory_space<vmem>>, vector<1x1x16xf32>,
        %get3A_1083 = arith.index_cast %add3A_978 : i32 to index
        %get3A_1084 = arith.constant 112 : index
        %get3A_1085 = tpu.vector_load %arg12[%get3A_1083, %get3A_1084] {strides = array<i32>} : memref<32x128xf32, #tpu.memory_space<vmem>>, vector<1x16xf32>,
        %get3A_1086 = vector.shape_cast %get3A_1085 : vector<1x16xf32> to vector<16xf32>
        %mul3A_1087 = arith.constant 11.3137083 : f32
        %mul3A_1088 = vector.broadcast %mul3A_1087 : f32 to vector<16xf32>
        %mul3A_1089 = arith.mulf %get3A_1086, %mul3A_1088 : vector<16xf32>
        %add3A_1090 = arith.addf %mul3A_1089, %get3A_668 : vector<16xf32>
        %swap3A_1091 = arith.constant 0 : i32
        %swap3A_1092 = arith.index_cast %scan3A_973 : i32 to index
        %swap3A_1093 = arith.index_cast %swap3A_1091 : i32 to index
        %swap3A_1094 = arith.constant 112 : index
        %swap3A_1095 = tpu.vector_load %arg20[%swap3A_1092, %swap3A_1093, %swap3A_1094] {strides = array<i32>} : memref<32x1x128xf32, #tpu.memory_space<vmem>>, vector<1x1x16xf32>,
        %swap3A_1096 = vector.shape_cast %swap3A_1095 : vector<1x1x16xf32> to vector<16xf32>
        %swap3A_1097 = vector.shape_cast %add3A_1090 : vector<16xf32> to vector<1x1x16xf32>
        tpu.vector_store %arg20[%swap3A_1092, %swap3A_1093, %swap3A_1094], %swap3A_1097 {strides = array<i32>} : memref<32x1x128xf32, #tpu.memory_space<vmem>>, vector<1x1x16xf32>,
        %scan3A_1098 = arith.constant 0 : i32
        scf.yield %scan3A_1098 : i32
      }
      %scan3A_675 = arith.constant 32 : i32
      %mul3A_676 = arith.constant 1 : i32
      %mul3A_677 = arith.muli %add3A_595, %mul3A_676 : i32
      %dma_start3A_678 = arith.constant 0 : i32
      %dma_start3A_679 = tpu.memref_slice %arg5[%mul3A_2, %mul3A_677, %dma_start3A_678] : memref<1024x200x128xf32, #tpu.memory_space<hbm>> -> memref<32x1x128xf32, #tpu.memory_space<hbm>>
      %dma_start3A_680 = arith.constant 0 : i32
      %dma_start3A_681 = tpu.memref_slice %arg5[%mul3A_2, %mul3A_677, %dma_start3A_680] : memref<1024x200x128xf32, #tpu.memory_space<hbm>> -> memref<32x1x128xf32, #tpu.memory_space<hbm>>
      tpu.enqueue_dma source(%arg20 : memref<32x1x128xf32, #tpu.memory_space<vmem>>) target(%dma_start3A_681 : memref<32x1x128xf32, #tpu.memory_space<hbm>>) target_semaphore(%arg36 : memref<!tpu.dma_semaphore, #tpu.memory_space<semaphore_mem>>)
      %lt3A_682 = arith.constant 24 : i32
      %lt3A_683 = arith.cmpi slt, %scan3A_215, %lt3A_682 : i32
      %convert_element_type3A_684 = arith.extui %lt3A_683 : i1 to i32
      %cond3A_685 = arith.constant 0 : i32
      %cond3A_686 = arith.cmpi ne, %convert_element_type3A_684, %cond3A_685 : i32
      scf.if %cond3A_686 {
        %add3A_973 = arith.constant 8 : i32
        %add3A_974 = arith.addi %add3A_595, %add3A_973 : i32
        %dma_start3A_975 = arith.constant 0 : i32
        %dma_start3A_976 = arith.constant 0 : i32
        %dma_start3A_977 = tpu.memref_slice %arg12[%dma_start3A_975, %dma_start3A_976] : memref<32x128xf32, #tpu.memory_space<vmem>> -> memref<16x128xf32, #tpu.memory_space<vmem>>
        %dma_start3A_978 = arith.constant 0 : i32
        %dma_start3A_979 = tpu.memref_slice %arg6[%add3A_974, %dma_start3A_978] : memref<200x32xi32, #tpu.memory_space<vmem>> -> memref<1x16xi32, #tpu.memory_space<vmem>>
        %dma_start3A_980 = tpu.memref_squeeze %dma_start3A_979 : memref<1x16xi32, #tpu.memory_space<vmem>> -> memref<16xi32, #tpu.memory_space<vmem>>
        %dma_start3A_981 = arith.constant 0 : i32
        %dma_start3A_982 = arith.constant 0 : i32
        %dma_start3A_983 = tpu.memref_slice %arg2[%dma_start3A_981, %dma_start3A_982] : memref<100000x128xf32, #tpu.memory_space<hbm>> -> memref<100000x128xf32, #tpu.memory_space<hbm>>
        tpu.enqueue_indirect_dma source(%dma_start3A_983 : memref<100000x128xf32, #tpu.memory_space<hbm>>) target(%dma_start3A_977 : memref<16x128xf32, #tpu.memory_space<vmem>>) offsets(%dma_start3A_980 : memref<16xi32, #tpu.memory_space<vmem>>) semaphore(%arg28 : memref<!tpu.dma_semaphore, #tpu.memory_space<semaphore_mem>>)
        %dma_start3A_984 = arith.constant 16 : i32
        %dma_start3A_985 = arith.constant 0 : i32
        %dma_start3A_986 = tpu.memref_slice %arg12[%dma_start3A_984, %dma_start3A_985] : memref<32x128xf32, #tpu.memory_space<vmem>> -> memref<16x128xf32, #tpu.memory_space<vmem>>
        %dma_start3A_987 = arith.constant 16 : i32
        %dma_start3A_988 = tpu.memref_slice %arg6[%add3A_974, %dma_start3A_987] : memref<200x32xi32, #tpu.memory_space<vmem>> -> memref<1x16xi32, #tpu.memory_space<vmem>>
        %dma_start3A_989 = tpu.memref_squeeze %dma_start3A_988 : memref<1x16xi32, #tpu.memory_space<vmem>> -> memref<16xi32, #tpu.memory_space<vmem>>
        %dma_start3A_990 = arith.constant 0 : i32
        %dma_start3A_991 = arith.constant 0 : i32
        %dma_start3A_992 = tpu.memref_slice %arg2[%dma_start3A_990, %dma_start3A_991] : memref<100000x128xf32, #tpu.memory_space<hbm>> -> memref<100000x128xf32, #tpu.memory_space<hbm>>
        tpu.enqueue_indirect_dma source(%dma_start3A_992 : memref<100000x128xf32, #tpu.memory_space<hbm>>) target(%dma_start3A_986 : memref<16x128xf32, #tpu.memory_space<vmem>>) offsets(%dma_start3A_989 : memref<16xi32, #tpu.memory_space<vmem>>) semaphore(%arg28 : memref<!tpu.dma_semaphore, #tpu.memory_space<semaphore_mem>>)
      } else {
      }
      %mul3A_687 = arith.constant 8 : i32
      %mul3A_688 = arith.muli %scan3A_215, %mul3A_687 : i32
      %add3A_689 = arith.constant 5 : i32
      %add3A_690 = arith.addi %mul3A_688, %add3A_689 : i32
      %dma_wait3A_691 = arith.constant 0 : i32
      %dma_wait3A_692 = arith.constant 0 : i32
      %dma_wait3A_693 = tpu.memref_slice %arg13[%dma_wait3A_691, %dma_wait3A_692] : memref<32x128xf32, #tpu.memory_space<vmem>> -> memref<16x128xf32, #tpu.memory_space<vmem>>
      %dma_wait3A_694 = arith.constant 0 : i32
      %dma_wait3A_695 = tpu.memref_slice %arg6[%add3A_690, %dma_wait3A_694] : memref<200x32xi32, #tpu.memory_space<vmem>> -> memref<1x16xi32, #tpu.memory_space<vmem>>
      %dma_wait3A_696 = tpu.memref_squeeze %dma_wait3A_695 : memref<1x16xi32, #tpu.memory_space<vmem>> -> memref<16xi32, #tpu.memory_space<vmem>>
      %dma_wait3A_697 = arith.constant 0 : i32
      %dma_wait3A_698 = arith.constant 0 : i32
      %dma_wait3A_699 = tpu.memref_slice %arg2[%dma_wait3A_697, %dma_wait3A_698] : memref<100000x128xf32, #tpu.memory_space<hbm>> -> memref<100000x128xf32, #tpu.memory_space<hbm>>
      tpu.wait_indirect_dma semaphore(%arg29 : memref<!tpu.dma_semaphore, #tpu.memory_space<semaphore_mem>>) src(%dma_wait3A_699 : memref<100000x128xf32, #tpu.memory_space<hbm>>) dst(%dma_wait3A_693 : memref<16x128xf32, #tpu.memory_space<vmem>>)
      %dma_wait3A_700 = arith.constant 16 : i32
      %dma_wait3A_701 = arith.constant 0 : i32
      %dma_wait3A_702 = tpu.memref_slice %arg13[%dma_wait3A_700, %dma_wait3A_701] : memref<32x128xf32, #tpu.memory_space<vmem>> -> memref<16x128xf32, #tpu.memory_space<vmem>>
      %dma_wait3A_703 = arith.constant 16 : i32
      %dma_wait3A_704 = tpu.memref_slice %arg6[%add3A_690, %dma_wait3A_703] : memref<200x32xi32, #tpu.memory_space<vmem>> -> memref<1x16xi32, #tpu.memory_space<vmem>>
      %dma_wait3A_705 = tpu.memref_squeeze %dma_wait3A_704 : memref<1x16xi32, #tpu.memory_space<vmem>> -> memref<16xi32, #tpu.memory_space<vmem>>
      %dma_wait3A_706 = arith.constant 0 : i32
      %dma_wait3A_707 = arith.constant 0 : i32
      %dma_wait3A_708 = tpu.memref_slice %arg2[%dma_wait3A_706, %dma_wait3A_707] : memref<100000x128xf32, #tpu.memory_space<hbm>> -> memref<100000x128xf32, #tpu.memory_space<hbm>>
      tpu.wait_indirect_dma semaphore(%arg29 : memref<!tpu.dma_semaphore, #tpu.memory_space<semaphore_mem>>) src(%dma_wait3A_708 : memref<100000x128xf32, #tpu.memory_space<hbm>>) dst(%dma_wait3A_702 : memref<16x128xf32, #tpu.memory_space<vmem>>)
      %gt3A_709 = arith.constant 0 : i32
      %gt3A_710 = arith.cmpi sgt, %scan3A_215, %gt3A_709 : i32
      %convert_element_type3A_711 = arith.extui %gt3A_710 : i1 to i32
      %cond3A_712 = arith.constant 0 : i32
      %cond3A_713 = arith.cmpi ne, %convert_element_type3A_711, %cond3A_712 : i32
      scf.if %cond3A_713 {
        %sub3A = arith.constant 8 : i32
        %sub3A_973 = arith.subi %add3A_690, %sub3A : i32
        %mul3A_974 = arith.constant 1 : i32
        %mul3A_975 = arith.muli %sub3A_973, %mul3A_974 : i32
        %dma_wait3A_976 = arith.constant 0 : i32
        %dma_wait3A_977 = tpu.memref_slice %arg5[%mul3A_2, %mul3A_975, %dma_wait3A_976] : memref<1024x200x128xf32, #tpu.memory_space<hbm>> -> memref<32x1x128xf32, #tpu.memory_space<hbm>>
        %dma_wait3A_978 = arith.constant 0 : i32
        %dma_wait3A_979 = tpu.memref_slice %arg5[%mul3A_2, %mul3A_975, %dma_wait3A_978] : memref<1024x200x128xf32, #tpu.memory_space<hbm>> -> memref<32x1x128xf32, #tpu.memory_space<hbm>>
        tpu.wait_dma2 semaphore(%arg37 : memref<!tpu.dma_semaphore, #tpu.memory_space<semaphore_mem>>) src(%arg21 : memref<32x1x128xf32, #tpu.memory_space<vmem>>) dst(%dma_wait3A_979 : memref<32x1x128xf32, #tpu.memory_space<hbm>>)
      } else {
      }
      %mul3A_714 = arith.constant 1 : i32
      %mul3A_715 = arith.muli %add3A_690, %mul3A_714 : i32
      %add3A_716 = arith.constant 0 : i32
      %add3A_717 = arith.addi %mul3A_715, %add3A_716 : i32
      %get3A_718 = arith.index_cast %add3A_717 : i32 to index
      %get3A_719 = arith.constant 0 : index
      %get3A_720 = tpu.vector_load %arg7[%get3A_718, %get3A_719] {strides = array<i32>} : memref<200x128xf32, #tpu.memory_space<vmem>>, vector<1x16xf32>,
      %get3A_721 = vector.shape_cast %get3A_720 : vector<1x16xf32> to vector<16xf32>
      %add3A_722 = arith.constant 0 : i32
      %add3A_723 = arith.addi %mul3A_715, %add3A_722 : i32
      %get3A_724 = arith.index_cast %add3A_723 : i32 to index
      %get3A_725 = arith.constant 16 : index
      %get3A_726 = tpu.vector_load %arg7[%get3A_724, %get3A_725] {strides = array<i32>} : memref<200x128xf32, #tpu.memory_space<vmem>>, vector<1x16xf32>,
      %get3A_727 = vector.shape_cast %get3A_726 : vector<1x16xf32> to vector<16xf32>
      %add3A_728 = arith.constant 0 : i32
      %add3A_729 = arith.addi %mul3A_715, %add3A_728 : i32
      %get3A_730 = arith.index_cast %add3A_729 : i32 to index
      %get3A_731 = arith.constant 32 : index
      %get3A_732 = tpu.vector_load %arg7[%get3A_730, %get3A_731] {strides = array<i32>} : memref<200x128xf32, #tpu.memory_space<vmem>>, vector<1x16xf32>,
      %get3A_733 = vector.shape_cast %get3A_732 : vector<1x16xf32> to vector<16xf32>
      %add3A_734 = arith.constant 0 : i32
      %add3A_735 = arith.addi %mul3A_715, %add3A_734 : i32
      %get3A_736 = arith.index_cast %add3A_735 : i32 to index
      %get3A_737 = arith.constant 48 : index
      %get3A_738 = tpu.vector_load %arg7[%get3A_736, %get3A_737] {strides = array<i32>} : memref<200x128xf32, #tpu.memory_space<vmem>>, vector<1x16xf32>,
      %get3A_739 = vector.shape_cast %get3A_738 : vector<1x16xf32> to vector<16xf32>
      %add3A_740 = arith.constant 0 : i32
      %add3A_741 = arith.addi %mul3A_715, %add3A_740 : i32
      %get3A_742 = arith.index_cast %add3A_741 : i32 to index
      %get3A_743 = arith.constant 64 : index
      %get3A_744 = tpu.vector_load %arg7[%get3A_742, %get3A_743] {strides = array<i32>} : memref<200x128xf32, #tpu.memory_space<vmem>>, vector<1x16xf32>,
      %get3A_745 = vector.shape_cast %get3A_744 : vector<1x16xf32> to vector<16xf32>
      %add3A_746 = arith.constant 0 : i32
      %add3A_747 = arith.addi %mul3A_715, %add3A_746 : i32
      %get3A_748 = arith.index_cast %add3A_747 : i32 to index
      %get3A_749 = arith.constant 80 : index
      %get3A_750 = tpu.vector_load %arg7[%get3A_748, %get3A_749] {strides = array<i32>} : memref<200x128xf32, #tpu.memory_space<vmem>>, vector<1x16xf32>,
      %get3A_751 = vector.shape_cast %get3A_750 : vector<1x16xf32> to vector<16xf32>
      %add3A_752 = arith.constant 0 : i32
      %add3A_753 = arith.addi %mul3A_715, %add3A_752 : i32
      %get3A_754 = arith.index_cast %add3A_753 : i32 to index
      %get3A_755 = arith.constant 96 : index
      %get3A_756 = tpu.vector_load %arg7[%get3A_754, %get3A_755] {strides = array<i32>} : memref<200x128xf32, #tpu.memory_space<vmem>>, vector<1x16xf32>,
      %get3A_757 = vector.shape_cast %get3A_756 : vector<1x16xf32> to vector<16xf32>
      %add3A_758 = arith.constant 0 : i32
      %add3A_759 = arith.addi %mul3A_715, %add3A_758 : i32
      %get3A_760 = arith.index_cast %add3A_759 : i32 to index
      %get3A_761 = arith.constant 112 : index
      %get3A_762 = tpu.vector_load %arg7[%get3A_760, %get3A_761] {strides = array<i32>} : memref<200x128xf32, #tpu.memory_space<vmem>>, vector<1x16xf32>,
      %get3A_763 = vector.shape_cast %get3A_762 : vector<1x16xf32> to vector<16xf32>
      %scan3A_764 = arith.constant 0 : i32
      %scan3A_765 = arith.constant 0 : i32
      %scan3A_766 = arith.constant 32 : i32
      %scan3A_767 = arith.addi %scan3A_765, %scan3A_766 : i32
      %scan3A_768 = arith.constant 1 : i32
      %scan3A_769 = scf.for %scan3A_973 = %scan3A_765 to %scan3A_767 step %scan3A_768 iter_args(%scan3A_974 = %scan3A_764) -> (i32)  : i32 {
        %mul3A_975 = arith.constant 1 : i32
        %mul3A_976 = arith.muli %scan3A_973, %mul3A_975 : i32
        %add3A_977 = arith.constant 0 : i32
        %add3A_978 = arith.addi %mul3A_976, %add3A_977 : i32
        %get3A_979 = arith.index_cast %add3A_978 : i32 to index
        %get3A_980 = arith.constant 0 : index
        %get3A_981 = tpu.vector_load %arg13[%get3A_979, %get3A_980] {strides = array<i32>} : memref<32x128xf32, #tpu.memory_space<vmem>>, vector<1x16xf32>,
        %get3A_982 = vector.shape_cast %get3A_981 : vector<1x16xf32> to vector<16xf32>
        %mul3A_983 = arith.constant 11.3137083 : f32
        %mul3A_984 = vector.broadcast %mul3A_983 : f32 to vector<16xf32>
        %mul3A_985 = arith.mulf %get3A_982, %mul3A_984 : vector<16xf32>
        %add3A_986 = arith.addf %mul3A_985, %get3A_721 : vector<16xf32>
        %swap3A = arith.constant 0 : i32
        %swap3A_987 = arith.index_cast %scan3A_973 : i32 to index
        %swap3A_988 = arith.index_cast %swap3A : i32 to index
        %swap3A_989 = arith.constant 0 : index
        %swap3A_990 = tpu.vector_load %arg21[%swap3A_987, %swap3A_988, %swap3A_989] {strides = array<i32>} : memref<32x1x128xf32, #tpu.memory_space<vmem>>, vector<1x1x16xf32>,
        %swap3A_991 = vector.shape_cast %swap3A_990 : vector<1x1x16xf32> to vector<16xf32>
        %swap3A_992 = vector.shape_cast %add3A_986 : vector<16xf32> to vector<1x1x16xf32>
        tpu.vector_store %arg21[%swap3A_987, %swap3A_988, %swap3A_989], %swap3A_992 {strides = array<i32>} : memref<32x1x128xf32, #tpu.memory_space<vmem>>, vector<1x1x16xf32>,
        %get3A_993 = arith.index_cast %add3A_978 : i32 to index
        %get3A_994 = arith.constant 16 : index
        %get3A_995 = tpu.vector_load %arg13[%get3A_993, %get3A_994] {strides = array<i32>} : memref<32x128xf32, #tpu.memory_space<vmem>>, vector<1x16xf32>,
        %get3A_996 = vector.shape_cast %get3A_995 : vector<1x16xf32> to vector<16xf32>
        %mul3A_997 = arith.constant 11.3137083 : f32
        %mul3A_998 = vector.broadcast %mul3A_997 : f32 to vector<16xf32>
        %mul3A_999 = arith.mulf %get3A_996, %mul3A_998 : vector<16xf32>
        %add3A_1000 = arith.addf %mul3A_999, %get3A_727 : vector<16xf32>
        %swap3A_1001 = arith.constant 0 : i32
        %swap3A_1002 = arith.index_cast %scan3A_973 : i32 to index
        %swap3A_1003 = arith.index_cast %swap3A_1001 : i32 to index
        %swap3A_1004 = arith.constant 16 : index
        %swap3A_1005 = tpu.vector_load %arg21[%swap3A_1002, %swap3A_1003, %swap3A_1004] {strides = array<i32>} : memref<32x1x128xf32, #tpu.memory_space<vmem>>, vector<1x1x16xf32>,
        %swap3A_1006 = vector.shape_cast %swap3A_1005 : vector<1x1x16xf32> to vector<16xf32>
        %swap3A_1007 = vector.shape_cast %add3A_1000 : vector<16xf32> to vector<1x1x16xf32>
        tpu.vector_store %arg21[%swap3A_1002, %swap3A_1003, %swap3A_1004], %swap3A_1007 {strides = array<i32>} : memref<32x1x128xf32, #tpu.memory_space<vmem>>, vector<1x1x16xf32>,
        %get3A_1008 = arith.index_cast %add3A_978 : i32 to index
        %get3A_1009 = arith.constant 32 : index
        %get3A_1010 = tpu.vector_load %arg13[%get3A_1008, %get3A_1009] {strides = array<i32>} : memref<32x128xf32, #tpu.memory_space<vmem>>, vector<1x16xf32>,
        %get3A_1011 = vector.shape_cast %get3A_1010 : vector<1x16xf32> to vector<16xf32>
        %mul3A_1012 = arith.constant 11.3137083 : f32
        %mul3A_1013 = vector.broadcast %mul3A_1012 : f32 to vector<16xf32>
        %mul3A_1014 = arith.mulf %get3A_1011, %mul3A_1013 : vector<16xf32>
        %add3A_1015 = arith.addf %mul3A_1014, %get3A_733 : vector<16xf32>
        %swap3A_1016 = arith.constant 0 : i32
        %swap3A_1017 = arith.index_cast %scan3A_973 : i32 to index
        %swap3A_1018 = arith.index_cast %swap3A_1016 : i32 to index
        %swap3A_1019 = arith.constant 32 : index
        %swap3A_1020 = tpu.vector_load %arg21[%swap3A_1017, %swap3A_1018, %swap3A_1019] {strides = array<i32>} : memref<32x1x128xf32, #tpu.memory_space<vmem>>, vector<1x1x16xf32>,
        %swap3A_1021 = vector.shape_cast %swap3A_1020 : vector<1x1x16xf32> to vector<16xf32>
        %swap3A_1022 = vector.shape_cast %add3A_1015 : vector<16xf32> to vector<1x1x16xf32>
        tpu.vector_store %arg21[%swap3A_1017, %swap3A_1018, %swap3A_1019], %swap3A_1022 {strides = array<i32>} : memref<32x1x128xf32, #tpu.memory_space<vmem>>, vector<1x1x16xf32>,
        %get3A_1023 = arith.index_cast %add3A_978 : i32 to index
        %get3A_1024 = arith.constant 48 : index
        %get3A_1025 = tpu.vector_load %arg13[%get3A_1023, %get3A_1024] {strides = array<i32>} : memref<32x128xf32, #tpu.memory_space<vmem>>, vector<1x16xf32>,
        %get3A_1026 = vector.shape_cast %get3A_1025 : vector<1x16xf32> to vector<16xf32>
        %mul3A_1027 = arith.constant 11.3137083 : f32
        %mul3A_1028 = vector.broadcast %mul3A_1027 : f32 to vector<16xf32>
        %mul3A_1029 = arith.mulf %get3A_1026, %mul3A_1028 : vector<16xf32>
        %add3A_1030 = arith.addf %mul3A_1029, %get3A_739 : vector<16xf32>
        %swap3A_1031 = arith.constant 0 : i32
        %swap3A_1032 = arith.index_cast %scan3A_973 : i32 to index
        %swap3A_1033 = arith.index_cast %swap3A_1031 : i32 to index
        %swap3A_1034 = arith.constant 48 : index
        %swap3A_1035 = tpu.vector_load %arg21[%swap3A_1032, %swap3A_1033, %swap3A_1034] {strides = array<i32>} : memref<32x1x128xf32, #tpu.memory_space<vmem>>, vector<1x1x16xf32>,
        %swap3A_1036 = vector.shape_cast %swap3A_1035 : vector<1x1x16xf32> to vector<16xf32>
        %swap3A_1037 = vector.shape_cast %add3A_1030 : vector<16xf32> to vector<1x1x16xf32>
        tpu.vector_store %arg21[%swap3A_1032, %swap3A_1033, %swap3A_1034], %swap3A_1037 {strides = array<i32>} : memref<32x1x128xf32, #tpu.memory_space<vmem>>, vector<1x1x16xf32>,
        %get3A_1038 = arith.index_cast %add3A_978 : i32 to index
        %get3A_1039 = arith.constant 64 : index
        %get3A_1040 = tpu.vector_load %arg13[%get3A_1038, %get3A_1039] {strides = array<i32>} : memref<32x128xf32, #tpu.memory_space<vmem>>, vector<1x16xf32>,
        %get3A_1041 = vector.shape_cast %get3A_1040 : vector<1x16xf32> to vector<16xf32>
        %mul3A_1042 = arith.constant 11.3137083 : f32
        %mul3A_1043 = vector.broadcast %mul3A_1042 : f32 to vector<16xf32>
        %mul3A_1044 = arith.mulf %get3A_1041, %mul3A_1043 : vector<16xf32>
        %add3A_1045 = arith.addf %mul3A_1044, %get3A_745 : vector<16xf32>
        %swap3A_1046 = arith.constant 0 : i32
        %swap3A_1047 = arith.index_cast %scan3A_973 : i32 to index
        %swap3A_1048 = arith.index_cast %swap3A_1046 : i32 to index
        %swap3A_1049 = arith.constant 64 : index
        %swap3A_1050 = tpu.vector_load %arg21[%swap3A_1047, %swap3A_1048, %swap3A_1049] {strides = array<i32>} : memref<32x1x128xf32, #tpu.memory_space<vmem>>, vector<1x1x16xf32>,
        %swap3A_1051 = vector.shape_cast %swap3A_1050 : vector<1x1x16xf32> to vector<16xf32>
        %swap3A_1052 = vector.shape_cast %add3A_1045 : vector<16xf32> to vector<1x1x16xf32>
        tpu.vector_store %arg21[%swap3A_1047, %swap3A_1048, %swap3A_1049], %swap3A_1052 {strides = array<i32>} : memref<32x1x128xf32, #tpu.memory_space<vmem>>, vector<1x1x16xf32>,
        %get3A_1053 = arith.index_cast %add3A_978 : i32 to index
        %get3A_1054 = arith.constant 80 : index
        %get3A_1055 = tpu.vector_load %arg13[%get3A_1053, %get3A_1054] {strides = array<i32>} : memref<32x128xf32, #tpu.memory_space<vmem>>, vector<1x16xf32>,
        %get3A_1056 = vector.shape_cast %get3A_1055 : vector<1x16xf32> to vector<16xf32>
        %mul3A_1057 = arith.constant 11.3137083 : f32
        %mul3A_1058 = vector.broadcast %mul3A_1057 : f32 to vector<16xf32>
        %mul3A_1059 = arith.mulf %get3A_1056, %mul3A_1058 : vector<16xf32>
        %add3A_1060 = arith.addf %mul3A_1059, %get3A_751 : vector<16xf32>
        %swap3A_1061 = arith.constant 0 : i32
        %swap3A_1062 = arith.index_cast %scan3A_973 : i32 to index
        %swap3A_1063 = arith.index_cast %swap3A_1061 : i32 to index
        %swap3A_1064 = arith.constant 80 : index
        %swap3A_1065 = tpu.vector_load %arg21[%swap3A_1062, %swap3A_1063, %swap3A_1064] {strides = array<i32>} : memref<32x1x128xf32, #tpu.memory_space<vmem>>, vector<1x1x16xf32>,
        %swap3A_1066 = vector.shape_cast %swap3A_1065 : vector<1x1x16xf32> to vector<16xf32>
        %swap3A_1067 = vector.shape_cast %add3A_1060 : vector<16xf32> to vector<1x1x16xf32>
        tpu.vector_store %arg21[%swap3A_1062, %swap3A_1063, %swap3A_1064], %swap3A_1067 {strides = array<i32>} : memref<32x1x128xf32, #tpu.memory_space<vmem>>, vector<1x1x16xf32>,
        %get3A_1068 = arith.index_cast %add3A_978 : i32 to index
        %get3A_1069 = arith.constant 96 : index
        %get3A_1070 = tpu.vector_load %arg13[%get3A_1068, %get3A_1069] {strides = array<i32>} : memref<32x128xf32, #tpu.memory_space<vmem>>, vector<1x16xf32>,
        %get3A_1071 = vector.shape_cast %get3A_1070 : vector<1x16xf32> to vector<16xf32>
        %mul3A_1072 = arith.constant 11.3137083 : f32
        %mul3A_1073 = vector.broadcast %mul3A_1072 : f32 to vector<16xf32>
        %mul3A_1074 = arith.mulf %get3A_1071, %mul3A_1073 : vector<16xf32>
        %add3A_1075 = arith.addf %mul3A_1074, %get3A_757 : vector<16xf32>
        %swap3A_1076 = arith.constant 0 : i32
        %swap3A_1077 = arith.index_cast %scan3A_973 : i32 to index
        %swap3A_1078 = arith.index_cast %swap3A_1076 : i32 to index
        %swap3A_1079 = arith.constant 96 : index
        %swap3A_1080 = tpu.vector_load %arg21[%swap3A_1077, %swap3A_1078, %swap3A_1079] {strides = array<i32>} : memref<32x1x128xf32, #tpu.memory_space<vmem>>, vector<1x1x16xf32>,
        %swap3A_1081 = vector.shape_cast %swap3A_1080 : vector<1x1x16xf32> to vector<16xf32>
        %swap3A_1082 = vector.shape_cast %add3A_1075 : vector<16xf32> to vector<1x1x16xf32>
        tpu.vector_store %arg21[%swap3A_1077, %swap3A_1078, %swap3A_1079], %swap3A_1082 {strides = array<i32>} : memref<32x1x128xf32, #tpu.memory_space<vmem>>, vector<1x1x16xf32>,
        %get3A_1083 = arith.index_cast %add3A_978 : i32 to index
        %get3A_1084 = arith.constant 112 : index
        %get3A_1085 = tpu.vector_load %arg13[%get3A_1083, %get3A_1084] {strides = array<i32>} : memref<32x128xf32, #tpu.memory_space<vmem>>, vector<1x16xf32>,
        %get3A_1086 = vector.shape_cast %get3A_1085 : vector<1x16xf32> to vector<16xf32>
        %mul3A_1087 = arith.constant 11.3137083 : f32
        %mul3A_1088 = vector.broadcast %mul3A_1087 : f32 to vector<16xf32>
        %mul3A_1089 = arith.mulf %get3A_1086, %mul3A_1088 : vector<16xf32>
        %add3A_1090 = arith.addf %mul3A_1089, %get3A_763 : vector<16xf32>
        %swap3A_1091 = arith.constant 0 : i32
        %swap3A_1092 = arith.index_cast %scan3A_973 : i32 to index
        %swap3A_1093 = arith.index_cast %swap3A_1091 : i32 to index
        %swap3A_1094 = arith.constant 112 : index
        %swap3A_1095 = tpu.vector_load %arg21[%swap3A_1092, %swap3A_1093, %swap3A_1094] {strides = array<i32>} : memref<32x1x128xf32, #tpu.memory_space<vmem>>, vector<1x1x16xf32>,
        %swap3A_1096 = vector.shape_cast %swap3A_1095 : vector<1x1x16xf32> to vector<16xf32>
        %swap3A_1097 = vector.shape_cast %add3A_1090 : vector<16xf32> to vector<1x1x16xf32>
        tpu.vector_store %arg21[%swap3A_1092, %swap3A_1093, %swap3A_1094], %swap3A_1097 {strides = array<i32>} : memref<32x1x128xf32, #tpu.memory_space<vmem>>, vector<1x1x16xf32>,
        %scan3A_1098 = arith.constant 0 : i32
        scf.yield %scan3A_1098 : i32
      }
      %scan3A_770 = arith.constant 32 : i32
      %mul3A_771 = arith.constant 1 : i32
      %mul3A_772 = arith.muli %add3A_690, %mul3A_771 : i32
      %dma_start3A_773 = arith.constant 0 : i32
      %dma_start3A_774 = tpu.memref_slice %arg5[%mul3A_2, %mul3A_772, %dma_start3A_773] : memref<1024x200x128xf32, #tpu.memory_space<hbm>> -> memref<32x1x128xf32, #tpu.memory_space<hbm>>
      %dma_start3A_775 = arith.constant 0 : i32
      %dma_start3A_776 = tpu.memref_slice %arg5[%mul3A_2, %mul3A_772, %dma_start3A_775] : memref<1024x200x128xf32, #tpu.memory_space<hbm>> -> memref<32x1x128xf32, #tpu.memory_space<hbm>>
      tpu.enqueue_dma source(%arg21 : memref<32x1x128xf32, #tpu.memory_space<vmem>>) target(%dma_start3A_776 : memref<32x1x128xf32, #tpu.memory_space<hbm>>) target_semaphore(%arg37 : memref<!tpu.dma_semaphore, #tpu.memory_space<semaphore_mem>>)
      %lt3A_777 = arith.constant 24 : i32
      %lt3A_778 = arith.cmpi slt, %scan3A_215, %lt3A_777 : i32
      %convert_element_type3A_779 = arith.extui %lt3A_778 : i1 to i32
      %cond3A_780 = arith.constant 0 : i32
      %cond3A_781 = arith.cmpi ne, %convert_element_type3A_779, %cond3A_780 : i32
      scf.if %cond3A_781 {
        %add3A_973 = arith.constant 8 : i32
        %add3A_974 = arith.addi %add3A_690, %add3A_973 : i32
        %dma_start3A_975 = arith.constant 0 : i32
        %dma_start3A_976 = arith.constant 0 : i32
        %dma_start3A_977 = tpu.memref_slice %arg13[%dma_start3A_975, %dma_start3A_976] : memref<32x128xf32, #tpu.memory_space<vmem>> -> memref<16x128xf32, #tpu.memory_space<vmem>>
        %dma_start3A_978 = arith.constant 0 : i32
        %dma_start3A_979 = tpu.memref_slice %arg6[%add3A_974, %dma_start3A_978] : memref<200x32xi32, #tpu.memory_space<vmem>> -> memref<1x16xi32, #tpu.memory_space<vmem>>
        %dma_start3A_980 = tpu.memref_squeeze %dma_start3A_979 : memref<1x16xi32, #tpu.memory_space<vmem>> -> memref<16xi32, #tpu.memory_space<vmem>>
        %dma_start3A_981 = arith.constant 0 : i32
        %dma_start3A_982 = arith.constant 0 : i32
        %dma_start3A_983 = tpu.memref_slice %arg2[%dma_start3A_981, %dma_start3A_982] : memref<100000x128xf32, #tpu.memory_space<hbm>> -> memref<100000x128xf32, #tpu.memory_space<hbm>>
        tpu.enqueue_indirect_dma source(%dma_start3A_983 : memref<100000x128xf32, #tpu.memory_space<hbm>>) target(%dma_start3A_977 : memref<16x128xf32, #tpu.memory_space<vmem>>) offsets(%dma_start3A_980 : memref<16xi32, #tpu.memory_space<vmem>>) semaphore(%arg29 : memref<!tpu.dma_semaphore, #tpu.memory_space<semaphore_mem>>)
        %dma_start3A_984 = arith.constant 16 : i32
        %dma_start3A_985 = arith.constant 0 : i32
        %dma_start3A_986 = tpu.memref_slice %arg13[%dma_start3A_984, %dma_start3A_985] : memref<32x128xf32, #tpu.memory_space<vmem>> -> memref<16x128xf32, #tpu.memory_space<vmem>>
        %dma_start3A_987 = arith.constant 16 : i32
        %dma_start3A_988 = tpu.memref_slice %arg6[%add3A_974, %dma_start3A_987] : memref<200x32xi32, #tpu.memory_space<vmem>> -> memref<1x16xi32, #tpu.memory_space<vmem>>
        %dma_start3A_989 = tpu.memref_squeeze %dma_start3A_988 : memref<1x16xi32, #tpu.memory_space<vmem>> -> memref<16xi32, #tpu.memory_space<vmem>>
        %dma_start3A_990 = arith.constant 0 : i32
        %dma_start3A_991 = arith.constant 0 : i32
        %dma_start3A_992 = tpu.memref_slice %arg2[%dma_start3A_990, %dma_start3A_991] : memref<100000x128xf32, #tpu.memory_space<hbm>> -> memref<100000x128xf32, #tpu.memory_space<hbm>>
        tpu.enqueue_indirect_dma source(%dma_start3A_992 : memref<100000x128xf32, #tpu.memory_space<hbm>>) target(%dma_start3A_986 : memref<16x128xf32, #tpu.memory_space<vmem>>) offsets(%dma_start3A_989 : memref<16xi32, #tpu.memory_space<vmem>>) semaphore(%arg29 : memref<!tpu.dma_semaphore, #tpu.memory_space<semaphore_mem>>)
      } else {
      }
      %mul3A_782 = arith.constant 8 : i32
      %mul3A_783 = arith.muli %scan3A_215, %mul3A_782 : i32
      %add3A_784 = arith.constant 6 : i32
      %add3A_785 = arith.addi %mul3A_783, %add3A_784 : i32
      %dma_wait3A_786 = arith.constant 0 : i32
      %dma_wait3A_787 = arith.constant 0 : i32
      %dma_wait3A_788 = tpu.memref_slice %arg14[%dma_wait3A_786, %dma_wait3A_787] : memref<32x128xf32, #tpu.memory_space<vmem>> -> memref<16x128xf32, #tpu.memory_space<vmem>>
      %dma_wait3A_789 = arith.constant 0 : i32
      %dma_wait3A_790 = tpu.memref_slice %arg6[%add3A_785, %dma_wait3A_789] : memref<200x32xi32, #tpu.memory_space<vmem>> -> memref<1x16xi32, #tpu.memory_space<vmem>>
      %dma_wait3A_791 = tpu.memref_squeeze %dma_wait3A_790 : memref<1x16xi32, #tpu.memory_space<vmem>> -> memref<16xi32, #tpu.memory_space<vmem>>
      %dma_wait3A_792 = arith.constant 0 : i32
      %dma_wait3A_793 = arith.constant 0 : i32
      %dma_wait3A_794 = tpu.memref_slice %arg2[%dma_wait3A_792, %dma_wait3A_793] : memref<100000x128xf32, #tpu.memory_space<hbm>> -> memref<100000x128xf32, #tpu.memory_space<hbm>>
      tpu.wait_indirect_dma semaphore(%arg30 : memref<!tpu.dma_semaphore, #tpu.memory_space<semaphore_mem>>) src(%dma_wait3A_794 : memref<100000x128xf32, #tpu.memory_space<hbm>>) dst(%dma_wait3A_788 : memref<16x128xf32, #tpu.memory_space<vmem>>)
      %dma_wait3A_795 = arith.constant 16 : i32
      %dma_wait3A_796 = arith.constant 0 : i32
      %dma_wait3A_797 = tpu.memref_slice %arg14[%dma_wait3A_795, %dma_wait3A_796] : memref<32x128xf32, #tpu.memory_space<vmem>> -> memref<16x128xf32, #tpu.memory_space<vmem>>
      %dma_wait3A_798 = arith.constant 16 : i32
      %dma_wait3A_799 = tpu.memref_slice %arg6[%add3A_785, %dma_wait3A_798] : memref<200x32xi32, #tpu.memory_space<vmem>> -> memref<1x16xi32, #tpu.memory_space<vmem>>
      %dma_wait3A_800 = tpu.memref_squeeze %dma_wait3A_799 : memref<1x16xi32, #tpu.memory_space<vmem>> -> memref<16xi32, #tpu.memory_space<vmem>>
      %dma_wait3A_801 = arith.constant 0 : i32
      %dma_wait3A_802 = arith.constant 0 : i32
      %dma_wait3A_803 = tpu.memref_slice %arg2[%dma_wait3A_801, %dma_wait3A_802] : memref<100000x128xf32, #tpu.memory_space<hbm>> -> memref<100000x128xf32, #tpu.memory_space<hbm>>
      tpu.wait_indirect_dma semaphore(%arg30 : memref<!tpu.dma_semaphore, #tpu.memory_space<semaphore_mem>>) src(%dma_wait3A_803 : memref<100000x128xf32, #tpu.memory_space<hbm>>) dst(%dma_wait3A_797 : memref<16x128xf32, #tpu.memory_space<vmem>>)
      %gt3A_804 = arith.constant 0 : i32
      %gt3A_805 = arith.cmpi sgt, %scan3A_215, %gt3A_804 : i32
      %convert_element_type3A_806 = arith.extui %gt3A_805 : i1 to i32
      %cond3A_807 = arith.constant 0 : i32
      %cond3A_808 = arith.cmpi ne, %convert_element_type3A_806, %cond3A_807 : i32
      scf.if %cond3A_808 {
        %sub3A = arith.constant 8 : i32
        %sub3A_973 = arith.subi %add3A_785, %sub3A : i32
        %mul3A_974 = arith.constant 1 : i32
        %mul3A_975 = arith.muli %sub3A_973, %mul3A_974 : i32
        %dma_wait3A_976 = arith.constant 0 : i32
        %dma_wait3A_977 = tpu.memref_slice %arg5[%mul3A_2, %mul3A_975, %dma_wait3A_976] : memref<1024x200x128xf32, #tpu.memory_space<hbm>> -> memref<32x1x128xf32, #tpu.memory_space<hbm>>
        %dma_wait3A_978 = arith.constant 0 : i32
        %dma_wait3A_979 = tpu.memref_slice %arg5[%mul3A_2, %mul3A_975, %dma_wait3A_978] : memref<1024x200x128xf32, #tpu.memory_space<hbm>> -> memref<32x1x128xf32, #tpu.memory_space<hbm>>
        tpu.wait_dma2 semaphore(%arg38 : memref<!tpu.dma_semaphore, #tpu.memory_space<semaphore_mem>>) src(%arg22 : memref<32x1x128xf32, #tpu.memory_space<vmem>>) dst(%dma_wait3A_979 : memref<32x1x128xf32, #tpu.memory_space<hbm>>)
      } else {
      }
      %mul3A_809 = arith.constant 1 : i32
      %mul3A_810 = arith.muli %add3A_785, %mul3A_809 : i32
      %add3A_811 = arith.constant 0 : i32
      %add3A_812 = arith.addi %mul3A_810, %add3A_811 : i32
      %get3A_813 = arith.index_cast %add3A_812 : i32 to index
      %get3A_814 = arith.constant 0 : index
      %get3A_815 = tpu.vector_load %arg7[%get3A_813, %get3A_814] {strides = array<i32>} : memref<200x128xf32, #tpu.memory_space<vmem>>, vector<1x16xf32>,
      %get3A_816 = vector.shape_cast %get3A_815 : vector<1x16xf32> to vector<16xf32>
      %add3A_817 = arith.constant 0 : i32
      %add3A_818 = arith.addi %mul3A_810, %add3A_817 : i32
      %get3A_819 = arith.index_cast %add3A_818 : i32 to index
      %get3A_820 = arith.constant 16 : index
      %get3A_821 = tpu.vector_load %arg7[%get3A_819, %get3A_820] {strides = array<i32>} : memref<200x128xf32, #tpu.memory_space<vmem>>, vector<1x16xf32>,
      %get3A_822 = vector.shape_cast %get3A_821 : vector<1x16xf32> to vector<16xf32>
      %add3A_823 = arith.constant 0 : i32
      %add3A_824 = arith.addi %mul3A_810, %add3A_823 : i32
      %get3A_825 = arith.index_cast %add3A_824 : i32 to index
      %get3A_826 = arith.constant 32 : index
      %get3A_827 = tpu.vector_load %arg7[%get3A_825, %get3A_826] {strides = array<i32>} : memref<200x128xf32, #tpu.memory_space<vmem>>, vector<1x16xf32>,
      %get3A_828 = vector.shape_cast %get3A_827 : vector<1x16xf32> to vector<16xf32>
      %add3A_829 = arith.constant 0 : i32
      %add3A_830 = arith.addi %mul3A_810, %add3A_829 : i32
      %get3A_831 = arith.index_cast %add3A_830 : i32 to index
      %get3A_832 = arith.constant 48 : index
      %get3A_833 = tpu.vector_load %arg7[%get3A_831, %get3A_832] {strides = array<i32>} : memref<200x128xf32, #tpu.memory_space<vmem>>, vector<1x16xf32>,
      %get3A_834 = vector.shape_cast %get3A_833 : vector<1x16xf32> to vector<16xf32>
      %add3A_835 = arith.constant 0 : i32
      %add3A_836 = arith.addi %mul3A_810, %add3A_835 : i32
      %get3A_837 = arith.index_cast %add3A_836 : i32 to index
      %get3A_838 = arith.constant 64 : index
      %get3A_839 = tpu.vector_load %arg7[%get3A_837, %get3A_838] {strides = array<i32>} : memref<200x128xf32, #tpu.memory_space<vmem>>, vector<1x16xf32>,
      %get3A_840 = vector.shape_cast %get3A_839 : vector<1x16xf32> to vector<16xf32>
      %add3A_841 = arith.constant 0 : i32
      %add3A_842 = arith.addi %mul3A_810, %add3A_841 : i32
      %get3A_843 = arith.index_cast %add3A_842 : i32 to index
      %get3A_844 = arith.constant 80 : index
      %get3A_845 = tpu.vector_load %arg7[%get3A_843, %get3A_844] {strides = array<i32>} : memref<200x128xf32, #tpu.memory_space<vmem>>, vector<1x16xf32>,
      %get3A_846 = vector.shape_cast %get3A_845 : vector<1x16xf32> to vector<16xf32>
      %add3A_847 = arith.constant 0 : i32
      %add3A_848 = arith.addi %mul3A_810, %add3A_847 : i32
      %get3A_849 = arith.index_cast %add3A_848 : i32 to index
      %get3A_850 = arith.constant 96 : index
      %get3A_851 = tpu.vector_load %arg7[%get3A_849, %get3A_850] {strides = array<i32>} : memref<200x128xf32, #tpu.memory_space<vmem>>, vector<1x16xf32>,
      %get3A_852 = vector.shape_cast %get3A_851 : vector<1x16xf32> to vector<16xf32>
      %add3A_853 = arith.constant 0 : i32
      %add3A_854 = arith.addi %mul3A_810, %add3A_853 : i32
      %get3A_855 = arith.index_cast %add3A_854 : i32 to index
      %get3A_856 = arith.constant 112 : index
      %get3A_857 = tpu.vector_load %arg7[%get3A_855, %get3A_856] {strides = array<i32>} : memref<200x128xf32, #tpu.memory_space<vmem>>, vector<1x16xf32>,
      %get3A_858 = vector.shape_cast %get3A_857 : vector<1x16xf32> to vector<16xf32>
      %scan3A_859 = arith.constant 0 : i32
      %scan3A_860 = arith.constant 0 : i32
      %scan3A_861 = arith.constant 32 : i32
      %scan3A_862 = arith.addi %scan3A_860, %scan3A_861 : i32
      %scan3A_863 = arith.constant 1 : i32
      %scan3A_864 = scf.for %scan3A_973 = %scan3A_860 to %scan3A_862 step %scan3A_863 iter_args(%scan3A_974 = %scan3A_859) -> (i32)  : i32 {
        %mul3A_975 = arith.constant 1 : i32
        %mul3A_976 = arith.muli %scan3A_973, %mul3A_975 : i32
        %add3A_977 = arith.constant 0 : i32
        %add3A_978 = arith.addi %mul3A_976, %add3A_977 : i32
        %get3A_979 = arith.index_cast %add3A_978 : i32 to index
        %get3A_980 = arith.constant 0 : index
        %get3A_981 = tpu.vector_load %arg14[%get3A_979, %get3A_980] {strides = array<i32>} : memref<32x128xf32, #tpu.memory_space<vmem>>, vector<1x16xf32>,
        %get3A_982 = vector.shape_cast %get3A_981 : vector<1x16xf32> to vector<16xf32>
        %mul3A_983 = arith.constant 11.3137083 : f32
        %mul3A_984 = vector.broadcast %mul3A_983 : f32 to vector<16xf32>
        %mul3A_985 = arith.mulf %get3A_982, %mul3A_984 : vector<16xf32>
        %add3A_986 = arith.addf %mul3A_985, %get3A_816 : vector<16xf32>
        %swap3A = arith.constant 0 : i32
        %swap3A_987 = arith.index_cast %scan3A_973 : i32 to index
        %swap3A_988 = arith.index_cast %swap3A : i32 to index
        %swap3A_989 = arith.constant 0 : index
        %swap3A_990 = tpu.vector_load %arg22[%swap3A_987, %swap3A_988, %swap3A_989] {strides = array<i32>} : memref<32x1x128xf32, #tpu.memory_space<vmem>>, vector<1x1x16xf32>,
        %swap3A_991 = vector.shape_cast %swap3A_990 : vector<1x1x16xf32> to vector<16xf32>
        %swap3A_992 = vector.shape_cast %add3A_986 : vector<16xf32> to vector<1x1x16xf32>
        tpu.vector_store %arg22[%swap3A_987, %swap3A_988, %swap3A_989], %swap3A_992 {strides = array<i32>} : memref<32x1x128xf32, #tpu.memory_space<vmem>>, vector<1x1x16xf32>,
        %get3A_993 = arith.index_cast %add3A_978 : i32 to index
        %get3A_994 = arith.constant 16 : index
        %get3A_995 = tpu.vector_load %arg14[%get3A_993, %get3A_994] {strides = array<i32>} : memref<32x128xf32, #tpu.memory_space<vmem>>, vector<1x16xf32>,
        %get3A_996 = vector.shape_cast %get3A_995 : vector<1x16xf32> to vector<16xf32>
        %mul3A_997 = arith.constant 11.3137083 : f32
        %mul3A_998 = vector.broadcast %mul3A_997 : f32 to vector<16xf32>
        %mul3A_999 = arith.mulf %get3A_996, %mul3A_998 : vector<16xf32>
        %add3A_1000 = arith.addf %mul3A_999, %get3A_822 : vector<16xf32>
        %swap3A_1001 = arith.constant 0 : i32
        %swap3A_1002 = arith.index_cast %scan3A_973 : i32 to index
        %swap3A_1003 = arith.index_cast %swap3A_1001 : i32 to index
        %swap3A_1004 = arith.constant 16 : index
        %swap3A_1005 = tpu.vector_load %arg22[%swap3A_1002, %swap3A_1003, %swap3A_1004] {strides = array<i32>} : memref<32x1x128xf32, #tpu.memory_space<vmem>>, vector<1x1x16xf32>,
        %swap3A_1006 = vector.shape_cast %swap3A_1005 : vector<1x1x16xf32> to vector<16xf32>
        %swap3A_1007 = vector.shape_cast %add3A_1000 : vector<16xf32> to vector<1x1x16xf32>
        tpu.vector_store %arg22[%swap3A_1002, %swap3A_1003, %swap3A_1004], %swap3A_1007 {strides = array<i32>} : memref<32x1x128xf32, #tpu.memory_space<vmem>>, vector<1x1x16xf32>,
        %get3A_1008 = arith.index_cast %add3A_978 : i32 to index
        %get3A_1009 = arith.constant 32 : index
        %get3A_1010 = tpu.vector_load %arg14[%get3A_1008, %get3A_1009] {strides = array<i32>} : memref<32x128xf32, #tpu.memory_space<vmem>>, vector<1x16xf32>,
        %get3A_1011 = vector.shape_cast %get3A_1010 : vector<1x16xf32> to vector<16xf32>
        %mul3A_1012 = arith.constant 11.3137083 : f32
        %mul3A_1013 = vector.broadcast %mul3A_1012 : f32 to vector<16xf32>
        %mul3A_1014 = arith.mulf %get3A_1011, %mul3A_1013 : vector<16xf32>
        %add3A_1015 = arith.addf %mul3A_1014, %get3A_828 : vector<16xf32>
        %swap3A_1016 = arith.constant 0 : i32
        %swap3A_1017 = arith.index_cast %scan3A_973 : i32 to index
        %swap3A_1018 = arith.index_cast %swap3A_1016 : i32 to index
        %swap3A_1019 = arith.constant 32 : index
        %swap3A_1020 = tpu.vector_load %arg22[%swap3A_1017, %swap3A_1018, %swap3A_1019] {strides = array<i32>} : memref<32x1x128xf32, #tpu.memory_space<vmem>>, vector<1x1x16xf32>,
        %swap3A_1021 = vector.shape_cast %swap3A_1020 : vector<1x1x16xf32> to vector<16xf32>
        %swap3A_1022 = vector.shape_cast %add3A_1015 : vector<16xf32> to vector<1x1x16xf32>
        tpu.vector_store %arg22[%swap3A_1017, %swap3A_1018, %swap3A_1019], %swap3A_1022 {strides = array<i32>} : memref<32x1x128xf32, #tpu.memory_space<vmem>>, vector<1x1x16xf32>,
        %get3A_1023 = arith.index_cast %add3A_978 : i32 to index
        %get3A_1024 = arith.constant 48 : index
        %get3A_1025 = tpu.vector_load %arg14[%get3A_1023, %get3A_1024] {strides = array<i32>} : memref<32x128xf32, #tpu.memory_space<vmem>>, vector<1x16xf32>,
        %get3A_1026 = vector.shape_cast %get3A_1025 : vector<1x16xf32> to vector<16xf32>
        %mul3A_1027 = arith.constant 11.3137083 : f32
        %mul3A_1028 = vector.broadcast %mul3A_1027 : f32 to vector<16xf32>
        %mul3A_1029 = arith.mulf %get3A_1026, %mul3A_1028 : vector<16xf32>
        %add3A_1030 = arith.addf %mul3A_1029, %get3A_834 : vector<16xf32>
        %swap3A_1031 = arith.constant 0 : i32
        %swap3A_1032 = arith.index_cast %scan3A_973 : i32 to index
        %swap3A_1033 = arith.index_cast %swap3A_1031 : i32 to index
        %swap3A_1034 = arith.constant 48 : index
        %swap3A_1035 = tpu.vector_load %arg22[%swap3A_1032, %swap3A_1033, %swap3A_1034] {strides = array<i32>} : memref<32x1x128xf32, #tpu.memory_space<vmem>>, vector<1x1x16xf32>,
        %swap3A_1036 = vector.shape_cast %swap3A_1035 : vector<1x1x16xf32> to vector<16xf32>
        %swap3A_1037 = vector.shape_cast %add3A_1030 : vector<16xf32> to vector<1x1x16xf32>
        tpu.vector_store %arg22[%swap3A_1032, %swap3A_1033, %swap3A_1034], %swap3A_1037 {strides = array<i32>} : memref<32x1x128xf32, #tpu.memory_space<vmem>>, vector<1x1x16xf32>,
        %get3A_1038 = arith.index_cast %add3A_978 : i32 to index
        %get3A_1039 = arith.constant 64 : index
        %get3A_1040 = tpu.vector_load %arg14[%get3A_1038, %get3A_1039] {strides = array<i32>} : memref<32x128xf32, #tpu.memory_space<vmem>>, vector<1x16xf32>,
        %get3A_1041 = vector.shape_cast %get3A_1040 : vector<1x16xf32> to vector<16xf32>
        %mul3A_1042 = arith.constant 11.3137083 : f32
        %mul3A_1043 = vector.broadcast %mul3A_1042 : f32 to vector<16xf32>
        %mul3A_1044 = arith.mulf %get3A_1041, %mul3A_1043 : vector<16xf32>
        %add3A_1045 = arith.addf %mul3A_1044, %get3A_840 : vector<16xf32>
        %swap3A_1046 = arith.constant 0 : i32
        %swap3A_1047 = arith.index_cast %scan3A_973 : i32 to index
        %swap3A_1048 = arith.index_cast %swap3A_1046 : i32 to index
        %swap3A_1049 = arith.constant 64 : index
        %swap3A_1050 = tpu.vector_load %arg22[%swap3A_1047, %swap3A_1048, %swap3A_1049] {strides = array<i32>} : memref<32x1x128xf32, #tpu.memory_space<vmem>>, vector<1x1x16xf32>,
        %swap3A_1051 = vector.shape_cast %swap3A_1050 : vector<1x1x16xf32> to vector<16xf32>
        %swap3A_1052 = vector.shape_cast %add3A_1045 : vector<16xf32> to vector<1x1x16xf32>
        tpu.vector_store %arg22[%swap3A_1047, %swap3A_1048, %swap3A_1049], %swap3A_1052 {strides = array<i32>} : memref<32x1x128xf32, #tpu.memory_space<vmem>>, vector<1x1x16xf32>,
        %get3A_1053 = arith.index_cast %add3A_978 : i32 to index
        %get3A_1054 = arith.constant 80 : index
        %get3A_1055 = tpu.vector_load %arg14[%get3A_1053, %get3A_1054] {strides = array<i32>} : memref<32x128xf32, #tpu.memory_space<vmem>>, vector<1x16xf32>,
        %get3A_1056 = vector.shape_cast %get3A_1055 : vector<1x16xf32> to vector<16xf32>
        %mul3A_1057 = arith.constant 11.3137083 : f32
        %mul3A_1058 = vector.broadcast %mul3A_1057 : f32 to vector<16xf32>
        %mul3A_1059 = arith.mulf %get3A_1056, %mul3A_1058 : vector<16xf32>
        %add3A_1060 = arith.addf %mul3A_1059, %get3A_846 : vector<16xf32>
        %swap3A_1061 = arith.constant 0 : i32
        %swap3A_1062 = arith.index_cast %scan3A_973 : i32 to index
        %swap3A_1063 = arith.index_cast %swap3A_1061 : i32 to index
        %swap3A_1064 = arith.constant 80 : index
        %swap3A_1065 = tpu.vector_load %arg22[%swap3A_1062, %swap3A_1063, %swap3A_1064] {strides = array<i32>} : memref<32x1x128xf32, #tpu.memory_space<vmem>>, vector<1x1x16xf32>,
        %swap3A_1066 = vector.shape_cast %swap3A_1065 : vector<1x1x16xf32> to vector<16xf32>
        %swap3A_1067 = vector.shape_cast %add3A_1060 : vector<16xf32> to vector<1x1x16xf32>
        tpu.vector_store %arg22[%swap3A_1062, %swap3A_1063, %swap3A_1064], %swap3A_1067 {strides = array<i32>} : memref<32x1x128xf32, #tpu.memory_space<vmem>>, vector<1x1x16xf32>,
        %get3A_1068 = arith.index_cast %add3A_978 : i32 to index
        %get3A_1069 = arith.constant 96 : index
        %get3A_1070 = tpu.vector_load %arg14[%get3A_1068, %get3A_1069] {strides = array<i32>} : memref<32x128xf32, #tpu.memory_space<vmem>>, vector<1x16xf32>,
        %get3A_1071 = vector.shape_cast %get3A_1070 : vector<1x16xf32> to vector<16xf32>
        %mul3A_1072 = arith.constant 11.3137083 : f32
        %mul3A_1073 = vector.broadcast %mul3A_1072 : f32 to vector<16xf32>
        %mul3A_1074 = arith.mulf %get3A_1071, %mul3A_1073 : vector<16xf32>
        %add3A_1075 = arith.addf %mul3A_1074, %get3A_852 : vector<16xf32>
        %swap3A_1076 = arith.constant 0 : i32
        %swap3A_1077 = arith.index_cast %scan3A_973 : i32 to index
        %swap3A_1078 = arith.index_cast %swap3A_1076 : i32 to index
        %swap3A_1079 = arith.constant 96 : index
        %swap3A_1080 = tpu.vector_load %arg22[%swap3A_1077, %swap3A_1078, %swap3A_1079] {strides = array<i32>} : memref<32x1x128xf32, #tpu.memory_space<vmem>>, vector<1x1x16xf32>,
        %swap3A_1081 = vector.shape_cast %swap3A_1080 : vector<1x1x16xf32> to vector<16xf32>
        %swap3A_1082 = vector.shape_cast %add3A_1075 : vector<16xf32> to vector<1x1x16xf32>
        tpu.vector_store %arg22[%swap3A_1077, %swap3A_1078, %swap3A_1079], %swap3A_1082 {strides = array<i32>} : memref<32x1x128xf32, #tpu.memory_space<vmem>>, vector<1x1x16xf32>,
        %get3A_1083 = arith.index_cast %add3A_978 : i32 to index
        %get3A_1084 = arith.constant 112 : index
        %get3A_1085 = tpu.vector_load %arg14[%get3A_1083, %get3A_1084] {strides = array<i32>} : memref<32x128xf32, #tpu.memory_space<vmem>>, vector<1x16xf32>,
        %get3A_1086 = vector.shape_cast %get3A_1085 : vector<1x16xf32> to vector<16xf32>
        %mul3A_1087 = arith.constant 11.3137083 : f32
        %mul3A_1088 = vector.broadcast %mul3A_1087 : f32 to vector<16xf32>
        %mul3A_1089 = arith.mulf %get3A_1086, %mul3A_1088 : vector<16xf32>
        %add3A_1090 = arith.addf %mul3A_1089, %get3A_858 : vector<16xf32>
        %swap3A_1091 = arith.constant 0 : i32
        %swap3A_1092 = arith.index_cast %scan3A_973 : i32 to index
        %swap3A_1093 = arith.index_cast %swap3A_1091 : i32 to index
        %swap3A_1094 = arith.constant 112 : index
        %swap3A_1095 = tpu.vector_load %arg22[%swap3A_1092, %swap3A_1093, %swap3A_1094] {strides = array<i32>} : memref<32x1x128xf32, #tpu.memory_space<vmem>>, vector<1x1x16xf32>,
        %swap3A_1096 = vector.shape_cast %swap3A_1095 : vector<1x1x16xf32> to vector<16xf32>
        %swap3A_1097 = vector.shape_cast %add3A_1090 : vector<16xf32> to vector<1x1x16xf32>
        tpu.vector_store %arg22[%swap3A_1092, %swap3A_1093, %swap3A_1094], %swap3A_1097 {strides = array<i32>} : memref<32x1x128xf32, #tpu.memory_space<vmem>>, vector<1x1x16xf32>,
        %scan3A_1098 = arith.constant 0 : i32
        scf.yield %scan3A_1098 : i32
      }
      %scan3A_865 = arith.constant 32 : i32
      %mul3A_866 = arith.constant 1 : i32
      %mul3A_867 = arith.muli %add3A_785, %mul3A_866 : i32
      %dma_start3A_868 = arith.constant 0 : i32
      %dma_start3A_869 = tpu.memref_slice %arg5[%mul3A_2, %mul3A_867, %dma_start3A_868] : memref<1024x200x128xf32, #tpu.memory_space<hbm>> -> memref<32x1x128xf32, #tpu.memory_space<hbm>>
      %dma_start3A_870 = arith.constant 0 : i32
      %dma_start3A_871 = tpu.memref_slice %arg5[%mul3A_2, %mul3A_867, %dma_start3A_870] : memref<1024x200x128xf32, #tpu.memory_space<hbm>> -> memref<32x1x128xf32, #tpu.memory_space<hbm>>
      tpu.enqueue_dma source(%arg22 : memref<32x1x128xf32, #tpu.memory_space<vmem>>) target(%dma_start3A_871 : memref<32x1x128xf32, #tpu.memory_space<hbm>>) target_semaphore(%arg38 : memref<!tpu.dma_semaphore, #tpu.memory_space<semaphore_mem>>)
      %lt3A_872 = arith.constant 24 : i32
      %lt3A_873 = arith.cmpi slt, %scan3A_215, %lt3A_872 : i32
      %convert_element_type3A_874 = arith.extui %lt3A_873 : i1 to i32
      %cond3A_875 = arith.constant 0 : i32
      %cond3A_876 = arith.cmpi ne, %convert_element_type3A_874, %cond3A_875 : i32
      scf.if %cond3A_876 {
        %add3A_973 = arith.constant 8 : i32
        %add3A_974 = arith.addi %add3A_785, %add3A_973 : i32
        %dma_start3A_975 = arith.constant 0 : i32
        %dma_start3A_976 = arith.constant 0 : i32
        %dma_start3A_977 = tpu.memref_slice %arg14[%dma_start3A_975, %dma_start3A_976] : memref<32x128xf32, #tpu.memory_space<vmem>> -> memref<16x128xf32, #tpu.memory_space<vmem>>
        %dma_start3A_978 = arith.constant 0 : i32
        %dma_start3A_979 = tpu.memref_slice %arg6[%add3A_974, %dma_start3A_978] : memref<200x32xi32, #tpu.memory_space<vmem>> -> memref<1x16xi32, #tpu.memory_space<vmem>>
        %dma_start3A_980 = tpu.memref_squeeze %dma_start3A_979 : memref<1x16xi32, #tpu.memory_space<vmem>> -> memref<16xi32, #tpu.memory_space<vmem>>
        %dma_start3A_981 = arith.constant 0 : i32
        %dma_start3A_982 = arith.constant 0 : i32
        %dma_start3A_983 = tpu.memref_slice %arg2[%dma_start3A_981, %dma_start3A_982] : memref<100000x128xf32, #tpu.memory_space<hbm>> -> memref<100000x128xf32, #tpu.memory_space<hbm>>
        tpu.enqueue_indirect_dma source(%dma_start3A_983 : memref<100000x128xf32, #tpu.memory_space<hbm>>) target(%dma_start3A_977 : memref<16x128xf32, #tpu.memory_space<vmem>>) offsets(%dma_start3A_980 : memref<16xi32, #tpu.memory_space<vmem>>) semaphore(%arg30 : memref<!tpu.dma_semaphore, #tpu.memory_space<semaphore_mem>>)
        %dma_start3A_984 = arith.constant 16 : i32
        %dma_start3A_985 = arith.constant 0 : i32
        %dma_start3A_986 = tpu.memref_slice %arg14[%dma_start3A_984, %dma_start3A_985] : memref<32x128xf32, #tpu.memory_space<vmem>> -> memref<16x128xf32, #tpu.memory_space<vmem>>
        %dma_start3A_987 = arith.constant 16 : i32
        %dma_start3A_988 = tpu.memref_slice %arg6[%add3A_974, %dma_start3A_987] : memref<200x32xi32, #tpu.memory_space<vmem>> -> memref<1x16xi32, #tpu.memory_space<vmem>>
        %dma_start3A_989 = tpu.memref_squeeze %dma_start3A_988 : memref<1x16xi32, #tpu.memory_space<vmem>> -> memref<16xi32, #tpu.memory_space<vmem>>
        %dma_start3A_990 = arith.constant 0 : i32
        %dma_start3A_991 = arith.constant 0 : i32
        %dma_start3A_992 = tpu.memref_slice %arg2[%dma_start3A_990, %dma_start3A_991] : memref<100000x128xf32, #tpu.memory_space<hbm>> -> memref<100000x128xf32, #tpu.memory_space<hbm>>
        tpu.enqueue_indirect_dma source(%dma_start3A_992 : memref<100000x128xf32, #tpu.memory_space<hbm>>) target(%dma_start3A_986 : memref<16x128xf32, #tpu.memory_space<vmem>>) offsets(%dma_start3A_989 : memref<16xi32, #tpu.memory_space<vmem>>) semaphore(%arg30 : memref<!tpu.dma_semaphore, #tpu.memory_space<semaphore_mem>>)
      } else {
      }
      %mul3A_877 = arith.constant 8 : i32
      %mul3A_878 = arith.muli %scan3A_215, %mul3A_877 : i32
      %add3A_879 = arith.constant 7 : i32
      %add3A_880 = arith.addi %mul3A_878, %add3A_879 : i32
      %dma_wait3A_881 = arith.constant 0 : i32
      %dma_wait3A_882 = arith.constant 0 : i32
      %dma_wait3A_883 = tpu.memref_slice %arg15[%dma_wait3A_881, %dma_wait3A_882] : memref<32x128xf32, #tpu.memory_space<vmem>> -> memref<16x128xf32, #tpu.memory_space<vmem>>
      %dma_wait3A_884 = arith.constant 0 : i32
      %dma_wait3A_885 = tpu.memref_slice %arg6[%add3A_880, %dma_wait3A_884] : memref<200x32xi32, #tpu.memory_space<vmem>> -> memref<1x16xi32, #tpu.memory_space<vmem>>
      %dma_wait3A_886 = tpu.memref_squeeze %dma_wait3A_885 : memref<1x16xi32, #tpu.memory_space<vmem>> -> memref<16xi32, #tpu.memory_space<vmem>>
      %dma_wait3A_887 = arith.constant 0 : i32
      %dma_wait3A_888 = arith.constant 0 : i32
      %dma_wait3A_889 = tpu.memref_slice %arg2[%dma_wait3A_887, %dma_wait3A_888] : memref<100000x128xf32, #tpu.memory_space<hbm>> -> memref<100000x128xf32, #tpu.memory_space<hbm>>
      tpu.wait_indirect_dma semaphore(%arg31 : memref<!tpu.dma_semaphore, #tpu.memory_space<semaphore_mem>>) src(%dma_wait3A_889 : memref<100000x128xf32, #tpu.memory_space<hbm>>) dst(%dma_wait3A_883 : memref<16x128xf32, #tpu.memory_space<vmem>>)
      %dma_wait3A_890 = arith.constant 16 : i32
      %dma_wait3A_891 = arith.constant 0 : i32
      %dma_wait3A_892 = tpu.memref_slice %arg15[%dma_wait3A_890, %dma_wait3A_891] : memref<32x128xf32, #tpu.memory_space<vmem>> -> memref<16x128xf32, #tpu.memory_space<vmem>>
      %dma_wait3A_893 = arith.constant 16 : i32
      %dma_wait3A_894 = tpu.memref_slice %arg6[%add3A_880, %dma_wait3A_893] : memref<200x32xi32, #tpu.memory_space<vmem>> -> memref<1x16xi32, #tpu.memory_space<vmem>>
      %dma_wait3A_895 = tpu.memref_squeeze %dma_wait3A_894 : memref<1x16xi32, #tpu.memory_space<vmem>> -> memref<16xi32, #tpu.memory_space<vmem>>
      %dma_wait3A_896 = arith.constant 0 : i32
      %dma_wait3A_897 = arith.constant 0 : i32
      %dma_wait3A_898 = tpu.memref_slice %arg2[%dma_wait3A_896, %dma_wait3A_897] : memref<100000x128xf32, #tpu.memory_space<hbm>> -> memref<100000x128xf32, #tpu.memory_space<hbm>>
      tpu.wait_indirect_dma semaphore(%arg31 : memref<!tpu.dma_semaphore, #tpu.memory_space<semaphore_mem>>) src(%dma_wait3A_898 : memref<100000x128xf32, #tpu.memory_space<hbm>>) dst(%dma_wait3A_892 : memref<16x128xf32, #tpu.memory_space<vmem>>)
      %gt3A_899 = arith.constant 0 : i32
      %gt3A_900 = arith.cmpi sgt, %scan3A_215, %gt3A_899 : i32
      %convert_element_type3A_901 = arith.extui %gt3A_900 : i1 to i32
      %cond3A_902 = arith.constant 0 : i32
      %cond3A_903 = arith.cmpi ne, %convert_element_type3A_901, %cond3A_902 : i32
      scf.if %cond3A_903 {
        %sub3A = arith.constant 8 : i32
        %sub3A_973 = arith.subi %add3A_880, %sub3A : i32
        %mul3A_974 = arith.constant 1 : i32
        %mul3A_975 = arith.muli %sub3A_973, %mul3A_974 : i32
        %dma_wait3A_976 = arith.constant 0 : i32
        %dma_wait3A_977 = tpu.memref_slice %arg5[%mul3A_2, %mul3A_975, %dma_wait3A_976] : memref<1024x200x128xf32, #tpu.memory_space<hbm>> -> memref<32x1x128xf32, #tpu.memory_space<hbm>>
        %dma_wait3A_978 = arith.constant 0 : i32
        %dma_wait3A_979 = tpu.memref_slice %arg5[%mul3A_2, %mul3A_975, %dma_wait3A_978] : memref<1024x200x128xf32, #tpu.memory_space<hbm>> -> memref<32x1x128xf32, #tpu.memory_space<hbm>>
        tpu.wait_dma2 semaphore(%arg39 : memref<!tpu.dma_semaphore, #tpu.memory_space<semaphore_mem>>) src(%arg23 : memref<32x1x128xf32, #tpu.memory_space<vmem>>) dst(%dma_wait3A_979 : memref<32x1x128xf32, #tpu.memory_space<hbm>>)
      } else {
      }
      %mul3A_904 = arith.constant 1 : i32
      %mul3A_905 = arith.muli %add3A_880, %mul3A_904 : i32
      %add3A_906 = arith.constant 0 : i32
      %add3A_907 = arith.addi %mul3A_905, %add3A_906 : i32
      %get3A_908 = arith.index_cast %add3A_907 : i32 to index
      %get3A_909 = arith.constant 0 : index
      %get3A_910 = tpu.vector_load %arg7[%get3A_908, %get3A_909] {strides = array<i32>} : memref<200x128xf32, #tpu.memory_space<vmem>>, vector<1x16xf32>,
      %get3A_911 = vector.shape_cast %get3A_910 : vector<1x16xf32> to vector<16xf32>
      %add3A_912 = arith.constant 0 : i32
      %add3A_913 = arith.addi %mul3A_905, %add3A_912 : i32
      %get3A_914 = arith.index_cast %add3A_913 : i32 to index
      %get3A_915 = arith.constant 16 : index
      %get3A_916 = tpu.vector_load %arg7[%get3A_914, %get3A_915] {strides = array<i32>} : memref<200x128xf32, #tpu.memory_space<vmem>>, vector<1x16xf32>,
      %get3A_917 = vector.shape_cast %get3A_916 : vector<1x16xf32> to vector<16xf32>
      %add3A_918 = arith.constant 0 : i32
      %add3A_919 = arith.addi %mul3A_905, %add3A_918 : i32
      %get3A_920 = arith.index_cast %add3A_919 : i32 to index
      %get3A_921 = arith.constant 32 : index
      %get3A_922 = tpu.vector_load %arg7[%get3A_920, %get3A_921] {strides = array<i32>} : memref<200x128xf32, #tpu.memory_space<vmem>>, vector<1x16xf32>,
      %get3A_923 = vector.shape_cast %get3A_922 : vector<1x16xf32> to vector<16xf32>
      %add3A_924 = arith.constant 0 : i32
      %add3A_925 = arith.addi %mul3A_905, %add3A_924 : i32
      %get3A_926 = arith.index_cast %add3A_925 : i32 to index
      %get3A_927 = arith.constant 48 : index
      %get3A_928 = tpu.vector_load %arg7[%get3A_926, %get3A_927] {strides = array<i32>} : memref<200x128xf32, #tpu.memory_space<vmem>>, vector<1x16xf32>,
      %get3A_929 = vector.shape_cast %get3A_928 : vector<1x16xf32> to vector<16xf32>
      %add3A_930 = arith.constant 0 : i32
      %add3A_931 = arith.addi %mul3A_905, %add3A_930 : i32
      %get3A_932 = arith.index_cast %add3A_931 : i32 to index
      %get3A_933 = arith.constant 64 : index
      %get3A_934 = tpu.vector_load %arg7[%get3A_932, %get3A_933] {strides = array<i32>} : memref<200x128xf32, #tpu.memory_space<vmem>>, vector<1x16xf32>,
      %get3A_935 = vector.shape_cast %get3A_934 : vector<1x16xf32> to vector<16xf32>
      %add3A_936 = arith.constant 0 : i32
      %add3A_937 = arith.addi %mul3A_905, %add3A_936 : i32
      %get3A_938 = arith.index_cast %add3A_937 : i32 to index
      %get3A_939 = arith.constant 80 : index
      %get3A_940 = tpu.vector_load %arg7[%get3A_938, %get3A_939] {strides = array<i32>} : memref<200x128xf32, #tpu.memory_space<vmem>>, vector<1x16xf32>,
      %get3A_941 = vector.shape_cast %get3A_940 : vector<1x16xf32> to vector<16xf32>
      %add3A_942 = arith.constant 0 : i32
      %add3A_943 = arith.addi %mul3A_905, %add3A_942 : i32
      %get3A_944 = arith.index_cast %add3A_943 : i32 to index
      %get3A_945 = arith.constant 96 : index
      %get3A_946 = tpu.vector_load %arg7[%get3A_944, %get3A_945] {strides = array<i32>} : memref<200x128xf32, #tpu.memory_space<vmem>>, vector<1x16xf32>,
      %get3A_947 = vector.shape_cast %get3A_946 : vector<1x16xf32> to vector<16xf32>
      %add3A_948 = arith.constant 0 : i32
      %add3A_949 = arith.addi %mul3A_905, %add3A_948 : i32
      %get3A_950 = arith.index_cast %add3A_949 : i32 to index
      %get3A_951 = arith.constant 112 : index
      %get3A_952 = tpu.vector_load %arg7[%get3A_950, %get3A_951] {strides = array<i32>} : memref<200x128xf32, #tpu.memory_space<vmem>>, vector<1x16xf32>,
      %get3A_953 = vector.shape_cast %get3A_952 : vector<1x16xf32> to vector<16xf32>
      %scan3A_954 = arith.constant 0 : i32
      %scan3A_955 = arith.constant 0 : i32
      %scan3A_956 = arith.constant 32 : i32
      %scan3A_957 = arith.addi %scan3A_955, %scan3A_956 : i32
      %scan3A_958 = arith.constant 1 : i32
      %scan3A_959 = scf.for %scan3A_973 = %scan3A_955 to %scan3A_957 step %scan3A_958 iter_args(%scan3A_974 = %scan3A_954) -> (i32)  : i32 {
        %mul3A_975 = arith.constant 1 : i32
        %mul3A_976 = arith.muli %scan3A_973, %mul3A_975 : i32
        %add3A_977 = arith.constant 0 : i32
        %add3A_978 = arith.addi %mul3A_976, %add3A_977 : i32
        %get3A_979 = arith.index_cast %add3A_978 : i32 to index
        %get3A_980 = arith.constant 0 : index
        %get3A_981 = tpu.vector_load %arg15[%get3A_979, %get3A_980] {strides = array<i32>} : memref<32x128xf32, #tpu.memory_space<vmem>>, vector<1x16xf32>,
        %get3A_982 = vector.shape_cast %get3A_981 : vector<1x16xf32> to vector<16xf32>
        %mul3A_983 = arith.constant 11.3137083 : f32
        %mul3A_984 = vector.broadcast %mul3A_983 : f32 to vector<16xf32>
        %mul3A_985 = arith.mulf %get3A_982, %mul3A_984 : vector<16xf32>
        %add3A_986 = arith.addf %mul3A_985, %get3A_911 : vector<16xf32>
        %swap3A = arith.constant 0 : i32
        %swap3A_987 = arith.index_cast %scan3A_973 : i32 to index
        %swap3A_988 = arith.index_cast %swap3A : i32 to index
        %swap3A_989 = arith.constant 0 : index
        %swap3A_990 = tpu.vector_load %arg23[%swap3A_987, %swap3A_988, %swap3A_989] {strides = array<i32>} : memref<32x1x128xf32, #tpu.memory_space<vmem>>, vector<1x1x16xf32>,
        %swap3A_991 = vector.shape_cast %swap3A_990 : vector<1x1x16xf32> to vector<16xf32>
        %swap3A_992 = vector.shape_cast %add3A_986 : vector<16xf32> to vector<1x1x16xf32>
        tpu.vector_store %arg23[%swap3A_987, %swap3A_988, %swap3A_989], %swap3A_992 {strides = array<i32>} : memref<32x1x128xf32, #tpu.memory_space<vmem>>, vector<1x1x16xf32>,
        %get3A_993 = arith.index_cast %add3A_978 : i32 to index
        %get3A_994 = arith.constant 16 : index
        %get3A_995 = tpu.vector_load %arg15[%get3A_993, %get3A_994] {strides = array<i32>} : memref<32x128xf32, #tpu.memory_space<vmem>>, vector<1x16xf32>,
        %get3A_996 = vector.shape_cast %get3A_995 : vector<1x16xf32> to vector<16xf32>
        %mul3A_997 = arith.constant 11.3137083 : f32
        %mul3A_998 = vector.broadcast %mul3A_997 : f32 to vector<16xf32>
        %mul3A_999 = arith.mulf %get3A_996, %mul3A_998 : vector<16xf32>
        %add3A_1000 = arith.addf %mul3A_999, %get3A_917 : vector<16xf32>
        %swap3A_1001 = arith.constant 0 : i32
        %swap3A_1002 = arith.index_cast %scan3A_973 : i32 to index
        %swap3A_1003 = arith.index_cast %swap3A_1001 : i32 to index
        %swap3A_1004 = arith.constant 16 : index
        %swap3A_1005 = tpu.vector_load %arg23[%swap3A_1002, %swap3A_1003, %swap3A_1004] {strides = array<i32>} : memref<32x1x128xf32, #tpu.memory_space<vmem>>, vector<1x1x16xf32>,
        %swap3A_1006 = vector.shape_cast %swap3A_1005 : vector<1x1x16xf32> to vector<16xf32>
        %swap3A_1007 = vector.shape_cast %add3A_1000 : vector<16xf32> to vector<1x1x16xf32>
        tpu.vector_store %arg23[%swap3A_1002, %swap3A_1003, %swap3A_1004], %swap3A_1007 {strides = array<i32>} : memref<32x1x128xf32, #tpu.memory_space<vmem>>, vector<1x1x16xf32>,
        %get3A_1008 = arith.index_cast %add3A_978 : i32 to index
        %get3A_1009 = arith.constant 32 : index
        %get3A_1010 = tpu.vector_load %arg15[%get3A_1008, %get3A_1009] {strides = array<i32>} : memref<32x128xf32, #tpu.memory_space<vmem>>, vector<1x16xf32>,
        %get3A_1011 = vector.shape_cast %get3A_1010 : vector<1x16xf32> to vector<16xf32>
        %mul3A_1012 = arith.constant 11.3137083 : f32
        %mul3A_1013 = vector.broadcast %mul3A_1012 : f32 to vector<16xf32>
        %mul3A_1014 = arith.mulf %get3A_1011, %mul3A_1013 : vector<16xf32>
        %add3A_1015 = arith.addf %mul3A_1014, %get3A_923 : vector<16xf32>
        %swap3A_1016 = arith.constant 0 : i32
        %swap3A_1017 = arith.index_cast %scan3A_973 : i32 to index
        %swap3A_1018 = arith.index_cast %swap3A_1016 : i32 to index
        %swap3A_1019 = arith.constant 32 : index
        %swap3A_1020 = tpu.vector_load %arg23[%swap3A_1017, %swap3A_1018, %swap3A_1019] {strides = array<i32>} : memref<32x1x128xf32, #tpu.memory_space<vmem>>, vector<1x1x16xf32>,
        %swap3A_1021 = vector.shape_cast %swap3A_1020 : vector<1x1x16xf32> to vector<16xf32>
        %swap3A_1022 = vector.shape_cast %add3A_1015 : vector<16xf32> to vector<1x1x16xf32>
        tpu.vector_store %arg23[%swap3A_1017, %swap3A_1018, %swap3A_1019], %swap3A_1022 {strides = array<i32>} : memref<32x1x128xf32, #tpu.memory_space<vmem>>, vector<1x1x16xf32>,
        %get3A_1023 = arith.index_cast %add3A_978 : i32 to index
        %get3A_1024 = arith.constant 48 : index
        %get3A_1025 = tpu.vector_load %arg15[%get3A_1023, %get3A_1024] {strides = array<i32>} : memref<32x128xf32, #tpu.memory_space<vmem>>, vector<1x16xf32>,
        %get3A_1026 = vector.shape_cast %get3A_1025 : vector<1x16xf32> to vector<16xf32>
        %mul3A_1027 = arith.constant 11.3137083 : f32
        %mul3A_1028 = vector.broadcast %mul3A_1027 : f32 to vector<16xf32>
        %mul3A_1029 = arith.mulf %get3A_1026, %mul3A_1028 : vector<16xf32>
        %add3A_1030 = arith.addf %mul3A_1029, %get3A_929 : vector<16xf32>
        %swap3A_1031 = arith.constant 0 : i32
        %swap3A_1032 = arith.index_cast %scan3A_973 : i32 to index
        %swap3A_1033 = arith.index_cast %swap3A_1031 : i32 to index
        %swap3A_1034 = arith.constant 48 : index
        %swap3A_1035 = tpu.vector_load %arg23[%swap3A_1032, %swap3A_1033, %swap3A_1034] {strides = array<i32>} : memref<32x1x128xf32, #tpu.memory_space<vmem>>, vector<1x1x16xf32>,
        %swap3A_1036 = vector.shape_cast %swap3A_1035 : vector<1x1x16xf32> to vector<16xf32>
        %swap3A_1037 = vector.shape_cast %add3A_1030 : vector<16xf32> to vector<1x1x16xf32>
        tpu.vector_store %arg23[%swap3A_1032, %swap3A_1033, %swap3A_1034], %swap3A_1037 {strides = array<i32>} : memref<32x1x128xf32, #tpu.memory_space<vmem>>, vector<1x1x16xf32>,
        %get3A_1038 = arith.index_cast %add3A_978 : i32 to index
        %get3A_1039 = arith.constant 64 : index
        %get3A_1040 = tpu.vector_load %arg15[%get3A_1038, %get3A_1039] {strides = array<i32>} : memref<32x128xf32, #tpu.memory_space<vmem>>, vector<1x16xf32>,
        %get3A_1041 = vector.shape_cast %get3A_1040 : vector<1x16xf32> to vector<16xf32>
        %mul3A_1042 = arith.constant 11.3137083 : f32
        %mul3A_1043 = vector.broadcast %mul3A_1042 : f32 to vector<16xf32>
        %mul3A_1044 = arith.mulf %get3A_1041, %mul3A_1043 : vector<16xf32>
        %add3A_1045 = arith.addf %mul3A_1044, %get3A_935 : vector<16xf32>
        %swap3A_1046 = arith.constant 0 : i32
        %swap3A_1047 = arith.index_cast %scan3A_973 : i32 to index
        %swap3A_1048 = arith.index_cast %swap3A_1046 : i32 to index
        %swap3A_1049 = arith.constant 64 : index
        %swap3A_1050 = tpu.vector_load %arg23[%swap3A_1047, %swap3A_1048, %swap3A_1049] {strides = array<i32>} : memref<32x1x128xf32, #tpu.memory_space<vmem>>, vector<1x1x16xf32>,
        %swap3A_1051 = vector.shape_cast %swap3A_1050 : vector<1x1x16xf32> to vector<16xf32>
        %swap3A_1052 = vector.shape_cast %add3A_1045 : vector<16xf32> to vector<1x1x16xf32>
        tpu.vector_store %arg23[%swap3A_1047, %swap3A_1048, %swap3A_1049], %swap3A_1052 {strides = array<i32>} : memref<32x1x128xf32, #tpu.memory_space<vmem>>, vector<1x1x16xf32>,
        %get3A_1053 = arith.index_cast %add3A_978 : i32 to index
        %get3A_1054 = arith.constant 80 : index
        %get3A_1055 = tpu.vector_load %arg15[%get3A_1053, %get3A_1054] {strides = array<i32>} : memref<32x128xf32, #tpu.memory_space<vmem>>, vector<1x16xf32>,
        %get3A_1056 = vector.shape_cast %get3A_1055 : vector<1x16xf32> to vector<16xf32>
        %mul3A_1057 = arith.constant 11.3137083 : f32
        %mul3A_1058 = vector.broadcast %mul3A_1057 : f32 to vector<16xf32>
        %mul3A_1059 = arith.mulf %get3A_1056, %mul3A_1058 : vector<16xf32>
        %add3A_1060 = arith.addf %mul3A_1059, %get3A_941 : vector<16xf32>
        %swap3A_1061 = arith.constant 0 : i32
        %swap3A_1062 = arith.index_cast %scan3A_973 : i32 to index
        %swap3A_1063 = arith.index_cast %swap3A_1061 : i32 to index
        %swap3A_1064 = arith.constant 80 : index
        %swap3A_1065 = tpu.vector_load %arg23[%swap3A_1062, %swap3A_1063, %swap3A_1064] {strides = array<i32>} : memref<32x1x128xf32, #tpu.memory_space<vmem>>, vector<1x1x16xf32>,
        %swap3A_1066 = vector.shape_cast %swap3A_1065 : vector<1x1x16xf32> to vector<16xf32>
        %swap3A_1067 = vector.shape_cast %add3A_1060 : vector<16xf32> to vector<1x1x16xf32>
        tpu.vector_store %arg23[%swap3A_1062, %swap3A_1063, %swap3A_1064], %swap3A_1067 {strides = array<i32>} : memref<32x1x128xf32, #tpu.memory_space<vmem>>, vector<1x1x16xf32>,
        %get3A_1068 = arith.index_cast %add3A_978 : i32 to index
        %get3A_1069 = arith.constant 96 : index
        %get3A_1070 = tpu.vector_load %arg15[%get3A_1068, %get3A_1069] {strides = array<i32>} : memref<32x128xf32, #tpu.memory_space<vmem>>, vector<1x16xf32>,
        %get3A_1071 = vector.shape_cast %get3A_1070 : vector<1x16xf32> to vector<16xf32>
        %mul3A_1072 = arith.constant 11.3137083 : f32
        %mul3A_1073 = vector.broadcast %mul3A_1072 : f32 to vector<16xf32>
        %mul3A_1074 = arith.mulf %get3A_1071, %mul3A_1073 : vector<16xf32>
        %add3A_1075 = arith.addf %mul3A_1074, %get3A_947 : vector<16xf32>
        %swap3A_1076 = arith.constant 0 : i32
        %swap3A_1077 = arith.index_cast %scan3A_973 : i32 to index
        %swap3A_1078 = arith.index_cast %swap3A_1076 : i32 to index
        %swap3A_1079 = arith.constant 96 : index
        %swap3A_1080 = tpu.vector_load %arg23[%swap3A_1077, %swap3A_1078, %swap3A_1079] {strides = array<i32>} : memref<32x1x128xf32, #tpu.memory_space<vmem>>, vector<1x1x16xf32>,
        %swap3A_1081 = vector.shape_cast %swap3A_1080 : vector<1x1x16xf32> to vector<16xf32>
        %swap3A_1082 = vector.shape_cast %add3A_1075 : vector<16xf32> to vector<1x1x16xf32>
        tpu.vector_store %arg23[%swap3A_1077, %swap3A_1078, %swap3A_1079], %swap3A_1082 {strides = array<i32>} : memref<32x1x128xf32, #tpu.memory_space<vmem>>, vector<1x1x16xf32>,
        %get3A_1083 = arith.index_cast %add3A_978 : i32 to index
        %get3A_1084 = arith.constant 112 : index
        %get3A_1085 = tpu.vector_load %arg15[%get3A_1083, %get3A_1084] {strides = array<i32>} : memref<32x128xf32, #tpu.memory_space<vmem>>, vector<1x16xf32>,
        %get3A_1086 = vector.shape_cast %get3A_1085 : vector<1x16xf32> to vector<16xf32>
        %mul3A_1087 = arith.constant 11.3137083 : f32
        %mul3A_1088 = vector.broadcast %mul3A_1087 : f32 to vector<16xf32>
        %mul3A_1089 = arith.mulf %get3A_1086, %mul3A_1088 : vector<16xf32>
        %add3A_1090 = arith.addf %mul3A_1089, %get3A_953 : vector<16xf32>
        %swap3A_1091 = arith.constant 0 : i32
        %swap3A_1092 = arith.index_cast %scan3A_973 : i32 to index
        %swap3A_1093 = arith.index_cast %swap3A_1091 : i32 to index
        %swap3A_1094 = arith.constant 112 : index
        %swap3A_1095 = tpu.vector_load %arg23[%swap3A_1092, %swap3A_1093, %swap3A_1094] {strides = array<i32>} : memref<32x1x128xf32, #tpu.memory_space<vmem>>, vector<1x1x16xf32>,
        %swap3A_1096 = vector.shape_cast %swap3A_1095 : vector<1x1x16xf32> to vector<16xf32>
        %swap3A_1097 = vector.shape_cast %add3A_1090 : vector<16xf32> to vector<1x1x16xf32>
        tpu.vector_store %arg23[%swap3A_1092, %swap3A_1093, %swap3A_1094], %swap3A_1097 {strides = array<i32>} : memref<32x1x128xf32, #tpu.memory_space<vmem>>, vector<1x1x16xf32>,
        %scan3A_1098 = arith.constant 0 : i32
        scf.yield %scan3A_1098 : i32
      }
      %scan3A_960 = arith.constant 32 : i32
      %mul3A_961 = arith.constant 1 : i32
      %mul3A_962 = arith.muli %add3A_880, %mul3A_961 : i32
      %dma_start3A_963 = arith.constant 0 : i32
      %dma_start3A_964 = tpu.memref_slice %arg5[%mul3A_2, %mul3A_962, %dma_start3A_963] : memref<1024x200x128xf32, #tpu.memory_space<hbm>> -> memref<32x1x128xf32, #tpu.memory_space<hbm>>
      %dma_start3A_965 = arith.constant 0 : i32
      %dma_start3A_966 = tpu.memref_slice %arg5[%mul3A_2, %mul3A_962, %dma_start3A_965] : memref<1024x200x128xf32, #tpu.memory_space<hbm>> -> memref<32x1x128xf32, #tpu.memory_space<hbm>>
      tpu.enqueue_dma source(%arg23 : memref<32x1x128xf32, #tpu.memory_space<vmem>>) target(%dma_start3A_966 : memref<32x1x128xf32, #tpu.memory_space<hbm>>) target_semaphore(%arg39 : memref<!tpu.dma_semaphore, #tpu.memory_space<semaphore_mem>>)
      %lt3A_967 = arith.constant 24 : i32
      %lt3A_968 = arith.cmpi slt, %scan3A_215, %lt3A_967 : i32
      %convert_element_type3A_969 = arith.extui %lt3A_968 : i1 to i32
      %cond3A_970 = arith.constant 0 : i32
      %cond3A_971 = arith.cmpi ne, %convert_element_type3A_969, %cond3A_970 : i32
      scf.if %cond3A_971 {
        %add3A_973 = arith.constant 8 : i32
        %add3A_974 = arith.addi %add3A_880, %add3A_973 : i32
        %dma_start3A_975 = arith.constant 0 : i32
        %dma_start3A_976 = arith.constant 0 : i32
        %dma_start3A_977 = tpu.memref_slice %arg15[%dma_start3A_975, %dma_start3A_976] : memref<32x128xf32, #tpu.memory_space<vmem>> -> memref<16x128xf32, #tpu.memory_space<vmem>>
        %dma_start3A_978 = arith.constant 0 : i32
        %dma_start3A_979 = tpu.memref_slice %arg6[%add3A_974, %dma_start3A_978] : memref<200x32xi32, #tpu.memory_space<vmem>> -> memref<1x16xi32, #tpu.memory_space<vmem>>
        %dma_start3A_980 = tpu.memref_squeeze %dma_start3A_979 : memref<1x16xi32, #tpu.memory_space<vmem>> -> memref<16xi32, #tpu.memory_space<vmem>>
        %dma_start3A_981 = arith.constant 0 : i32
        %dma_start3A_982 = arith.constant 0 : i32
        %dma_start3A_983 = tpu.memref_slice %arg2[%dma_start3A_981, %dma_start3A_982] : memref<100000x128xf32, #tpu.memory_space<hbm>> -> memref<100000x128xf32, #tpu.memory_space<hbm>>
        tpu.enqueue_indirect_dma source(%dma_start3A_983 : memref<100000x128xf32, #tpu.memory_space<hbm>>) target(%dma_start3A_977 : memref<16x128xf32, #tpu.memory_space<vmem>>) offsets(%dma_start3A_980 : memref<16xi32, #tpu.memory_space<vmem>>) semaphore(%arg31 : memref<!tpu.dma_semaphore, #tpu.memory_space<semaphore_mem>>)
        %dma_start3A_984 = arith.constant 16 : i32
        %dma_start3A_985 = arith.constant 0 : i32
        %dma_start3A_986 = tpu.memref_slice %arg15[%dma_start3A_984, %dma_start3A_985] : memref<32x128xf32, #tpu.memory_space<vmem>> -> memref<16x128xf32, #tpu.memory_space<vmem>>
        %dma_start3A_987 = arith.constant 16 : i32
        %dma_start3A_988 = tpu.memref_slice %arg6[%add3A_974, %dma_start3A_987] : memref<200x32xi32, #tpu.memory_space<vmem>> -> memref<1x16xi32, #tpu.memory_space<vmem>>
        %dma_start3A_989 = tpu.memref_squeeze %dma_start3A_988 : memref<1x16xi32, #tpu.memory_space<vmem>> -> memref<16xi32, #tpu.memory_space<vmem>>
        %dma_start3A_990 = arith.constant 0 : i32
        %dma_start3A_991 = arith.constant 0 : i32
        %dma_start3A_992 = tpu.memref_slice %arg2[%dma_start3A_990, %dma_start3A_991] : memref<100000x128xf32, #tpu.memory_space<hbm>> -> memref<100000x128xf32, #tpu.memory_space<hbm>>
        tpu.enqueue_indirect_dma source(%dma_start3A_992 : memref<100000x128xf32, #tpu.memory_space<hbm>>) target(%dma_start3A_986 : memref<16x128xf32, #tpu.memory_space<vmem>>) offsets(%dma_start3A_989 : memref<16xi32, #tpu.memory_space<vmem>>) semaphore(%arg31 : memref<!tpu.dma_semaphore, #tpu.memory_space<semaphore_mem>>)
      } else {
      }
      %scan3A_972 = arith.constant 0 : i32
      scf.yield %scan3A_972 : i32
    }
    %scan3A_167 = arith.constant 25 : i32
    %dma_wait3A = arith.constant 192 : i32
    %dma_wait3A_168 = arith.constant 0 : i32
    %dma_wait3A_169 = tpu.memref_slice %arg5[%mul3A_2, %dma_wait3A, %dma_wait3A_168] : memref<1024x200x128xf32, #tpu.memory_space<hbm>> -> memref<32x1x128xf32, #tpu.memory_space<hbm>>
    %dma_wait3A_170 = arith.constant 192 : i32
    %dma_wait3A_171 = arith.constant 0 : i32
    %dma_wait3A_172 = tpu.memref_slice %arg5[%mul3A_2, %dma_wait3A_170, %dma_wait3A_171] : memref<1024x200x128xf32, #tpu.memory_space<hbm>> -> memref<32x1x128xf32, #tpu.memory_space<hbm>>
    tpu.wait_dma2 semaphore(%arg32 : memref<!tpu.dma_semaphore, #tpu.memory_space<semaphore_mem>>) src(%arg16 : memref<32x1x128xf32, #tpu.memory_space<vmem>>) dst(%dma_wait3A_172 : memref<32x1x128xf32, #tpu.memory_space<hbm>>)
    %dma_wait3A_173 = arith.constant 193 : i32
    %dma_wait3A_174 = arith.constant 0 : i32
    %dma_wait3A_175 = tpu.memref_slice %arg5[%mul3A_2, %dma_wait3A_173, %dma_wait3A_174] : memref<1024x200x128xf32, #tpu.memory_space<hbm>> -> memref<32x1x128xf32, #tpu.memory_space<hbm>>
    %dma_wait3A_176 = arith.constant 193 : i32
    %dma_wait3A_177 = arith.constant 0 : i32
    %dma_wait3A_178 = tpu.memref_slice %arg5[%mul3A_2, %dma_wait3A_176, %dma_wait3A_177] : memref<1024x200x128xf32, #tpu.memory_space<hbm>> -> memref<32x1x128xf32, #tpu.memory_space<hbm>>
    tpu.wait_dma2 semaphore(%arg33 : memref<!tpu.dma_semaphore, #tpu.memory_space<semaphore_mem>>) src(%arg17 : memref<32x1x128xf32, #tpu.memory_space<vmem>>) dst(%dma_wait3A_178 : memref<32x1x128xf32, #tpu.memory_space<hbm>>)
    %dma_wait3A_179 = arith.constant 194 : i32
    %dma_wait3A_180 = arith.constant 0 : i32
    %dma_wait3A_181 = tpu.memref_slice %arg5[%mul3A_2, %dma_wait3A_179, %dma_wait3A_180] : memref<1024x200x128xf32, #tpu.memory_space<hbm>> -> memref<32x1x128xf32, #tpu.memory_space<hbm>>
    %dma_wait3A_182 = arith.constant 194 : i32
    %dma_wait3A_183 = arith.constant 0 : i32
    %dma_wait3A_184 = tpu.memref_slice %arg5[%mul3A_2, %dma_wait3A_182, %dma_wait3A_183] : memref<1024x200x128xf32, #tpu.memory_space<hbm>> -> memref<32x1x128xf32, #tpu.memory_space<hbm>>
    tpu.wait_dma2 semaphore(%arg34 : memref<!tpu.dma_semaphore, #tpu.memory_space<semaphore_mem>>) src(%arg18 : memref<32x1x128xf32, #tpu.memory_space<vmem>>) dst(%dma_wait3A_184 : memref<32x1x128xf32, #tpu.memory_space<hbm>>)
    %dma_wait3A_185 = arith.constant 195 : i32
    %dma_wait3A_186 = arith.constant 0 : i32
    %dma_wait3A_187 = tpu.memref_slice %arg5[%mul3A_2, %dma_wait3A_185, %dma_wait3A_186] : memref<1024x200x128xf32, #tpu.memory_space<hbm>> -> memref<32x1x128xf32, #tpu.memory_space<hbm>>
    %dma_wait3A_188 = arith.constant 195 : i32
    %dma_wait3A_189 = arith.constant 0 : i32
    %dma_wait3A_190 = tpu.memref_slice %arg5[%mul3A_2, %dma_wait3A_188, %dma_wait3A_189] : memref<1024x200x128xf32, #tpu.memory_space<hbm>> -> memref<32x1x128xf32, #tpu.memory_space<hbm>>
    tpu.wait_dma2 semaphore(%arg35 : memref<!tpu.dma_semaphore, #tpu.memory_space<semaphore_mem>>) src(%arg19 : memref<32x1x128xf32, #tpu.memory_space<vmem>>) dst(%dma_wait3A_190 : memref<32x1x128xf32, #tpu.memory_space<hbm>>)
    %dma_wait3A_191 = arith.constant 196 : i32
    %dma_wait3A_192 = arith.constant 0 : i32
    %dma_wait3A_193 = tpu.memref_slice %arg5[%mul3A_2, %dma_wait3A_191, %dma_wait3A_192] : memref<1024x200x128xf32, #tpu.memory_space<hbm>> -> memref<32x1x128xf32, #tpu.memory_space<hbm>>
    %dma_wait3A_194 = arith.constant 196 : i32
    %dma_wait3A_195 = arith.constant 0 : i32
    %dma_wait3A_196 = tpu.memref_slice %arg5[%mul3A_2, %dma_wait3A_194, %dma_wait3A_195] : memref<1024x200x128xf32, #tpu.memory_space<hbm>> -> memref<32x1x128xf32, #tpu.memory_space<hbm>>
    tpu.wait_dma2 semaphore(%arg36 : memref<!tpu.dma_semaphore, #tpu.memory_space<semaphore_mem>>) src(%arg20 : memref<32x1x128xf32, #tpu.memory_space<vmem>>) dst(%dma_wait3A_196 : memref<32x1x128xf32, #tpu.memory_space<hbm>>)
    %dma_wait3A_197 = arith.constant 197 : i32
    %dma_wait3A_198 = arith.constant 0 : i32
    %dma_wait3A_199 = tpu.memref_slice %arg5[%mul3A_2, %dma_wait3A_197, %dma_wait3A_198] : memref<1024x200x128xf32, #tpu.memory_space<hbm>> -> memref<32x1x128xf32, #tpu.memory_space<hbm>>
    %dma_wait3A_200 = arith.constant 197 : i32
    %dma_wait3A_201 = arith.constant 0 : i32
    %dma_wait3A_202 = tpu.memref_slice %arg5[%mul3A_2, %dma_wait3A_200, %dma_wait3A_201] : memref<1024x200x128xf32, #tpu.memory_space<hbm>> -> memref<32x1x128xf32, #tpu.memory_space<hbm>>
    tpu.wait_dma2 semaphore(%arg37 : memref<!tpu.dma_semaphore, #tpu.memory_space<semaphore_mem>>) src(%arg21 : memref<32x1x128xf32, #tpu.memory_space<vmem>>) dst(%dma_wait3A_202 : memref<32x1x128xf32, #tpu.memory_space<hbm>>)
    %dma_wait3A_203 = arith.constant 198 : i32
    %dma_wait3A_204 = arith.constant 0 : i32
    %dma_wait3A_205 = tpu.memref_slice %arg5[%mul3A_2, %dma_wait3A_203, %dma_wait3A_204] : memref<1024x200x128xf32, #tpu.memory_space<hbm>> -> memref<32x1x128xf32, #tpu.memory_space<hbm>>
    %dma_wait3A_206 = arith.constant 198 : i32
    %dma_wait3A_207 = arith.constant 0 : i32
    %dma_wait3A_208 = tpu.memref_slice %arg5[%mul3A_2, %dma_wait3A_206, %dma_wait3A_207] : memref<1024x200x128xf32, #tpu.memory_space<hbm>> -> memref<32x1x128xf32, #tpu.memory_space<hbm>>
    tpu.wait_dma2 semaphore(%arg38 : memref<!tpu.dma_semaphore, #tpu.memory_space<semaphore_mem>>) src(%arg22 : memref<32x1x128xf32, #tpu.memory_space<vmem>>) dst(%dma_wait3A_208 : memref<32x1x128xf32, #tpu.memory_space<hbm>>)
    %dma_wait3A_209 = arith.constant 199 : i32
    %dma_wait3A_210 = arith.constant 0 : i32
    %dma_wait3A_211 = tpu.memref_slice %arg5[%mul3A_2, %dma_wait3A_209, %dma_wait3A_210] : memref<1024x200x128xf32, #tpu.memory_space<hbm>> -> memref<32x1x128xf32, #tpu.memory_space<hbm>>
    %dma_wait3A_212 = arith.constant 199 : i32
    %dma_wait3A_213 = arith.constant 0 : i32
    %dma_wait3A_214 = tpu.memref_slice %arg5[%mul3A_2, %dma_wait3A_212, %dma_wait3A_213] : memref<1024x200x128xf32, #tpu.memory_space<hbm>> -> memref<32x1x128xf32, #tpu.memory_space<hbm>>
    tpu.wait_dma2 semaphore(%arg39 : memref<!tpu.dma_semaphore, #tpu.memory_space<semaphore_mem>>) src(%arg23 : memref<32x1x128xf32, #tpu.memory_space<vmem>>) dst(%dma_wait3A_214 : memref<32x1x128xf32, #tpu.memory_space<hbm>>)
    return
  }
}

</mosaic_0001>

<sc_bundles>
// kernel: kernel.3.cloned.1.call-start
scs
__scs_entry_jumppad:
0x0: {  	(pc) =	sbr.rel $0x88, $3  }
0x1: {  	(tag) =	ssettag $0x0;
	lr =	simm.s32 $0x1  }
0x2: {  	[smem:$0x3F9F] =	sst lr;
	_ =	strace $0xD0000000  }
0x3: {  	_ = 	snop  }
0x4: {  	_ = 	snop  }
0x5: {  	_ = 	snop  }
0x6: {  	_ = 	snop  }
0x7: {  	_ = 	snop  }
__scs_overlays_trampoline_lowered:
0x8: {  	[smem:$0x3FAE] =	sst s0  }
0x9: {  	[smem:$0x3FAF] =	sst s1  }
0xa: {  	[smem:$0x3FB0] =	sst s2  }
0xb: {  	[smem:$0x3FB1] =	sst s3  }
0xc: {  	[smem:$0x3FB2] =	sst s4  }
0xd: {  	[smem:$0x3FB3] =	sst s5  }
0xe: {  	[smem:$0x3FB4] =	sst s6  }
0xf: {  	[smem:$0x3FB5] =	sst s7  }
0x10: {  	[smem:$0x3FB6] =	sst s8  }
0x11: {  	[smem:$0x3FB7] =	sst s9;
	s0 =	simm.s32 @!p0 $0x0  }
0x12: {  	s1 =	sld [smem:$0x3F9D];
	s0 =	simm.s32 @p0 $0x1  }
0x13: {  	[smem:$0x3FB8] =	sst s0;
	s0 =	simm.s32 @!p1 $0x0  }
0x14: {  	s2 =	sld [smem:$0x3F9C];
	s0 =	simm.s32 @p1 $0x1  }
0x15: {  	[smem:$0x3FB9] =	sst s0;
	s0 =	simm.s32 @!p2 $0x0  }
0x16: {  	s3 =	sld [smem:$0x3FDB];
	s0 =	simm.s32 @p2 $0x1  }
0x17: {  	s4 =	simm.s32 $0x1BF5;
	[smem:$0x3FBB] =	sst s0  }
0x18: {  	s0 =	sld [smem:$0x3F9E];
	_ =	swait.ge [sflag:s4], $0x0  }
0x19: {  	s7 =	sld [smem:$0x3F9F]  }
0x1a: {  	s8 =	sadd.s32 $0xFFFFE003, lr  }
0x1b: {  	s9 =	sadd.s32 $0xFFFFFEF7, lr;
	s5 =	simm.s32 $0xFFFFFFFF;
	p2 =	slt.u32 s8, $0xFFFFF086  }
0x1c: {  	p1 =	slt.u32 s9, $0xF7A;
	s5 =	simm.s32 @!p2 $0x0  }
0x1d: {  	s5 =	simm.s32 @p1 $0x1;
	p0 =	seq.s32 s7, s2  }
0x1e: {  	s7 =	smul.u32 @!p0 $0xF7A, s2;
	p2 =	seq.s32 @!p0 s5, $0x0  }
0x1f: {  	s9 =	smul.u32 $0xF7A, s1;
	s8 =	simm.s32 @!p0 $0x1BF5;
	p2 =	por !p2, p0  }
0x20: {  	[sflag:s8] =	ssyncset.s32 @!p0 $0xFFFFF086;
	s6 =	sadd.s32 @!p0 s3, s7;
	s7 =	simm.s32 @!p0 $0x108  }
0x21: {  	s3 =	sadd.s32 s3, s9;
	s6 =	sadd.s32 @!p0 $0x88, s6;
	s7 =	simm.s32 @p2 $0x1082  }
0x22: {  	[simem:s7], [sflag:s8] =	dma.local @!p0 [hbm:s6], $0xF7A  }
0x23: {  	s9 =	sor.u32 $0xD0000000, s2;
	s6 =	simm.s32 $0x108;
	_ =	swait.ge @!p0 [sflag:s8], $0x0  }
0x24: {  	s3 =	sadd.s32 $0x88, s3;
	s6 =	simm.s32 @!p1 $0x1082;
	[sflag:s4] =	ssyncset.s32 $0xFFFFF086  }
0x25: {  	[simem:s6], [sflag:s4] =	dma.local [hbm:s3], $0xF7A  }
0x26: {  	[smem:$0x3F9F] =	sst s1;
	(tag) =	ssettag s2;
	_ =	strace s9  }
0x27: {  	s1 =	sld [smem:$0x3FAF]  }
0x28: {  	s2 =	sld [smem:$0x3FB0]  }
0x29: {  	s4 =	sld [smem:$0x3FB2]  }
0x2a: {  	p0 =	seq.s32 s5, $0x0;
	s5 =	sld [smem:$0x3FB3]  }
0x2b: {  	s6 =	sld [smem:$0x3FB4]  }
0x2c: {  	s7 =	sld [smem:$0x3FB5]  }
0x2d: {  	s3 =	simm.s32 $0x108;
	s8 =	sld [smem:$0x3FB6]  }
0x2e: {  	s3 =	simm.s32 @!p0 $0x1082;
	s9 =	sld [smem:$0x3FB7]  }
0x2f: {  	lr =	sadd.s32 s0, s3;
	s0 =	sld [smem:$0x3FAE]  }
0x30: {  	s3 =	sld [smem:$0x3FB1]  }
0x31: {  	[smem:$0x3FBA] =	sst s10  }
0x32: {  	s10 =	sld [smem:$0x3FB8];
	_ =	sdelay $0x3  }
0x33: {  	p0 =	seq.s32 s10, $0x1;
	s10 =	sld [smem:$0x3FBA];
	_ =	sdelay $0x3  }
0x34: {  	[smem:$0x3FBA] =	sst s10  }
0x35: {  	s10 =	sld [smem:$0x3FB9];
	_ =	sdelay $0x3  }
0x36: {  	p1 =	seq.s32 s10, $0x1;
	s10 =	sld [smem:$0x3FBA];
	_ =	sdelay $0x3  }
0x37: {  	[smem:$0x3FBA] =	sst s10  }
0x38: {  	s10 =	sld [smem:$0x3FBB]  }
0x39: {  	_ = 	snop;
	(pc) =	sbr.ind lr, $3  }
0x3a: {  	_ = 	snop  }
0x3b: {  	_ = 	snop  }
0x3c: {  	p2 =	seq.s32 s10, $0x1;
	s10 =	sld [smem:$0x3FBA]  }
0x3d: {  	_ =	shalt  }
0x3e: {  	_ =	shalt  }
0x3f: {  	_ =	shalt  }
0x40: {  	_ =	shalt  }
0x41: {  	_ =	shalt  }
0x42: {  	_ =	shalt  }
0x43: {  	_ =	shalt  }
0x44: {  	_ =	shalt  }
0x45: {  	_ =	shalt  }
0x46: {  	_ =	shalt  }
0x47: {  	_ =	shalt  }
0x48: {  	_ =	shalt  }
0x49: {  	_ =	shalt  }
0x4a: {  	_ =	shalt  }
0x4b: {  	_ =	shalt  }
0x4c: {  	_ =	shalt  }
0x4d: {  	_ =	shalt  }
0x4e: {  	_ =	shalt  }
0x4f: {  	_ =	shalt  }
0x50: {  	_ =	shalt  }
0x51: {  	_ =	shalt  }
0x52: {  	_ =	shalt  }
0x53: {  	_ =	shalt  }
0x54: {  	_ =	shalt  }
0x55: {  	_ =	shalt  }
0x56: {  	_ =	shalt  }
0x57: {  	_ =	shalt  }
0x58: {  	_ =	shalt  }
0x59: {  	_ =	shalt  }
0x5a: {  	_ =	shalt  }
0x5b: {  	_ =	shalt  }
0x5c: {  	_ =	shalt  }
0x5d: {  	_ =	shalt  }
0x5e: {  	_ =	shalt  }
0x5f: {  	_ =	shalt  }
0x60: {  	_ =	shalt  }
0x61: {  	_ =	shalt  }
0x62: {  	_ =	shalt  }
0x63: {  	_ =	shalt  }
0x64: {  	_ =	shalt  }
0x65: {  	_ =	shalt  }
0x66: {  	_ =	shalt  }
0x67: {  	_ =	shalt  }
0x68: {  	_ =	shalt  }
0x69: {  	_ =	shalt  }
0x6a: {  	_ =	shalt  }
0x6b: {  	_ =	shalt  }
0x6c: {  	_ =	shalt  }
0x6d: {  	_ =	shalt  }
0x6e: {  	_ =	shalt  }
0x6f: {  	_ =	shalt  }
0x70: {  	_ =	shalt  }
0x71: {  	_ =	shalt  }
0x72: {  	_ =	shalt  }
0x73: {  	_ =	shalt  }
0x74: {  	_ =	shalt  }
0x75: {  	_ =	shalt  }
0x76: {  	_ =	shalt  }
0x77: {  	_ =	shalt  }
0x78: {  	_ =	shalt  }
0x79: {  	_ =	shalt  }
0x7a: {  	_ =	shalt  }
0x7b: {  	_ =	shalt  }
0x7c: {  	_ =	shalt  }
0x7d: {  	_ =	shalt  }
0x7e: {  	_ =	shalt  }
0x7f: {  	_ =	shalt  }
0x80: {  	_ =	shalt  }
0x81: {  	_ =	shalt  }
0x82: {  	_ =	shalt  }
0x83: {  	_ =	shalt  }
0x84: {  	_ =	shalt  }
0x85: {  	_ =	shalt  }
0x86: {  	_ =	shalt  }
0x87: {  	_ =	shalt  }
.Lfunc_end0:
.L_simem_size_0:
called_computation_lowered:
.L_overlay_start_0:
0x88: {  	s2 =	sld [smem:$0x3FD9]  }
0x89: {  	s3 =	sld [smem:$0x3FFE];
	_ =	sdelay $0x1  }
0x8a: {  	s1 =	srdreg.scid  }
0x8b: {  	s0 =	sand.u32 $0x1, s1  }
0x8c: {  	s17 =	sshll.u32 s0, $0xA;
	s2 =	sadd.s32 s3, s2  }
0x8d: {  	s2 =	sadd.s32 s2, s17  }
0x8e: {  	[smem:$0x3FC6] =	sst s2  }
0x8f: {  	_ = 	snop  }
0x90: {  	s2 =	sld [smem:$0x3FC8]  }
0x91: {  	s18 =	sld [smem:$0x3FD0];
	(tm) =	ssettm $0x1  }
0x92: {  	s4 =	sld [smem:$0x3FFB];
	_ =	sdelay $0x3  }
0x93: {  	_ =	strace s4  }
0x94: {  	s4 =	sld [smem:$0x3FFC];
	_ =	sdelay $0x3  }
0x95: {  	_ =	strace s4  }
0x96: {  	s4 =	sld [smem:$0x3FFD];
	_ =	sdelay $0x3  }
0x97: {  	_ =	strace s4  }
0x98: {  	_ =	strace $0x8FFFFFFF  }
0x99: {  	s19 =	sld [smem:$0x3FDB];
	_ =	sdelay $0x1  }
0x9a: {  	s5 =	simm.s32 $_scs_section_size  }
0x9b: {  	s6 =	simm.s32 $_size__tile_overlayer_lowered;
	s7 =	simm.s32 $_tile_overlayer_lowered  }
0x9c: {  	s22 =	simm.s32 $0x1BFF;
	s21 =	sshll.u32 s7, $0x1;
	s4 =	sadd.s32 s5, s19  }
0x9d: {  	s8 =	simm.s32 $0x0;
	s20 =	sshll.u32 s6, $0x1;
	s6 =	sadd.s32 s21, s4  }
0x9e: {  	[timem:s8], [sflag:s22] =	dma.local [hbm:s6], s20  }
0x9f: {  	_ =	swait.ge [sflag:s22], s20  }
0xa0: {  	s5 =	ssub.s32 $0x0, s20;
	[sflag:s22] =	ssyncset.done $0x0  }
0xa1: {  	[sflag:s22] =	ssyncadd.s32 s5;
	_ =	sdelay $0x1  }
0xa2: {  	s23 =	simm.s32 $0x1B8B  }
0xa3: {  	_ =	swait.ge [sflag:s23], $0x1  }
0xa4: {  	[sflag:s23] =	ssyncset.done $0x0  }
0xa5: {  	s25 =	simm.s32 $0x1B8E;
	s24 =	sld [smem:$0x3FFE];
	[sflag:s23] =	ssyncadd.s32 $0xFFFFFFFF  }
0xa6: {  	s26 =	simm.s32 $execute0_lowered;
	[smem:$0x3FD2] =	sst s25  }
0xa7: {  	s6 =	sshll.u32 s26, $0x1;
	_ =	strace $0x80000046;
	[dreg:$0x1] =	wrdreg $0xFFFFFFFF  }
0xa8: {  	s28 =	simm.s32 $_size_execute0_lowered;
	s4 =	sadd.s32 s4, s6;
	[dreg:$0x0] =	wrdreg $0x0  }
0xa9: {  	s6 =	sshll.u32 s28, $0x1;
	[dreg:$0x2] =	wrdreg s4  }
0xaa: {  	[dreg:$0x3] =	wrdreg s6  }
0xab: {  	[dreg:$0x4] =	wrdreg $0xC0  }
0xac: {  	_ =	task [dreg:s8], $0x5FFFF  }
0xad: {  	[dreg:$0x1] =	wrdreg $0xFFFFFFFF  }
0xae: {  	[dreg:$0x0] =	wrdreg $0x60  }
0xaf: {  	[dreg:$0x2] =	wrdreg s2  }
0xb0: {  	[dreg:$0x3] =	wrdreg s24  }
0xb1: {  	[dreg:$0x4] =	wrdreg s18  }
0xb2: {  	[dreg:$0x5] =	wrdreg $0x9  }
0xb3: {  	_ =	task.clear_ibuf [dreg:s8], $0x6FFFF;
	_ =	strace $0x90000046  }
0xb4: {  	s29 =	simm.s32 $0x9;
	_ =	strace $0x80000048  }
0xb5: {  	_ =	swait.ge [sflag:s29], $0x1  }
0xb6: {  	[sflag:s29] =	ssyncadd.s32 $0xFFFFFFFF  }
0xb7: {  	_ =	strace $0x90000048  }
0xb8: {  	_ =	sfence  }
0xb9: {  	s30 =	sld [smem:$0x0];
	_ =	sdelay $0x2  }
0xba: {  	s31 =	sshll.u32 s1, $0xD;
	s1 =	sshrl.u32 s1, $0x2  }
0xbb: {  	s3 =	sand.u32 $0x4000, s31;
	s1 =	sadd.s32 s1, s30  }
0xbc: {  	s0 =	sor.u32 s3, s0;
	s1 =	sshll.u32 s1, $0x11  }
0xbd: {  	s0 =	sor.u32 s1, s0  }
0xbe: {  	s0 =	sadd.s32 $0x8F2B, s0  }
0xbf: {  	[sflag:s0] =	ssyncadd.remote.s32 $0x1  }
0xc0: {  	_ =	sfence.sel $0xFFFF  }
0xc1: {  	[dreg:$0x0] =	wrdreg $0xFFFFFFFF;
	(pc) =	sbr.abs _section_cstart, $3  }
0xc2: {  	[dreg:$0x1] =	wrdreg $0xFFFFFFFF  }
0xc3: {  	_ =	task.clear_ibuf [dreg:s8], $0x2FFFF;
	_ =	strace $0x9FFFFFFF  }
0xc4: {  	(tm) =	ssettm $0x7FFFFFFF  }
0xc5: {  	_ =	shalt  }
tec
execute0_lowered:
.L_overlay_start_1:
0x0: {  	(tag) =	ssettag $0x1  }
0x1: {  	s1 =	rddreg [dreg:$0x0]  }
0x2: {  	s0 =	srdreg.scid;
	s2 =	rddreg [dreg:$0x1]  }
0x3: {  	s3 =	stileid.u32;
	s6 =	rddreg [dreg:$0x2]  }
0x4: {  	s5 =	simm.s32 $0x0;
	s17 =	simm.s32 $0x10;
	s20 =	simm.s32 $0x80  }
0x5: {  	s19 =	simm.s32 $0x6400;
	s21 =	simm.s32 $0x1;
	s23 =	simm.s32 $0x2  }
0x6: {  	s25 =	simm.s32 $0x3;
	s28 =	simm.s32 $0x4;
	s30 =	simm.s32 $0x5  }
0x7: {  	s31 =	simm.s32 $0x18800;
	s15 =	simm.s32 $0x1A800;
	s16 =	simm.s32 $0x1B800  }
0x8: {  	s0 =	sand.u32 $0x1, s0;
	s3 =	sshll.u32 s3, $0x1;
	[smem:$0x7FF] =	sst s5  }
0x9: {  	s8 =	sadd.s32 $0x10, s6;
	s9 =	sadd.s32 $0x20, s6;
	s10 =	sadd.s32 $0x30, s6  }
0xa: {  	s11 =	sadd.s32 $0x40, s6;
	s12 =	sadd.s32 $0x50, s6;
	s13 =	sadd.s32 $0x60, s6  }
0xb: {  	s14 =	sadd.s32 $0x70, s6;
	s5 =	simm.s32 $0x19800;
	s3 =	sor.u32 s0, s3  }
0xc: {  	s6 =	simm.s32 $0x7;
	s0 =	ssub.s32 $0x2, s0;
	s4 =	smul.u32 $0xC80, s3  }
.Ltmp0:
0xd: {  	_ =	strace $0x80000047;
	s26 =	sshrl.u32 s0, $0x1;
	(pc) =	sbr.rel .LBB2_1-.Ltmp0, $4  }
0xe: {  	s0 =	ssub.s32 s0, s26;
	s4 =	sadd.s32 s4, s2;
	s2 =	sadd.s32 $0x19400, s2  }
0xf: {  	s7 =	smul.u32 $0xC8000, s3;
	s0 =	smax.u32 s0, $0x1;
	[dreg:$0x4] =	wrdreg s2  }
0x10: {  	s3 =	simm.s32 $0x0;
	s29 =	sadd.s32 $0x400, s4;
	[dreg:$0x6] =	wrdreg s0  }
0x11: {  	s0 =	simm.s32 $0x6;
	s4 =	simm.s32 $0x8;
	[dreg:$0x5] =	wrdreg s29  }
.LBB2_20:
0x12: {  	s2 =	simm.s32 $0x9  }
0x13: {  	_ =	swait.ge [sflag:s2], $0x1000  }
0x14: {  	[sflag:s2] =	ssyncset.done $0x0  }
0x15: {  	s29 =	simm.s32 $0xA;
	[sflag:s2] =	ssyncadd.s32 $0xFFFFF000  }
0x16: {  	_ =	swait.ge [sflag:s29], $0x1000  }
0x17: {  	[sflag:s29] =	ssyncset.done $0x0  }
0x18: {  	s3 =	simm.s32 $0xB;
	[sflag:s29] =	ssyncadd.s32 $0xFFFFF000  }
0x19: {  	_ =	swait.ge [sflag:s3], $0x1000  }
0x1a: {  	[sflag:s3] =	ssyncset.done $0x0  }
0x1b: {  	s18 =	simm.s32 $0xC;
	[sflag:s3] =	ssyncadd.s32 $0xFFFFF000  }
0x1c: {  	_ =	swait.ge [sflag:s18], $0x1000  }
0x1d: {  	[sflag:s18] =	ssyncset.done $0x0  }
0x1e: {  	s22 =	simm.s32 $0xD;
	[sflag:s18] =	ssyncadd.s32 $0xFFFFF000  }
0x1f: {  	_ =	swait.ge [sflag:s22], $0x1000  }
0x20: {  	[sflag:s22] =	ssyncset.done $0x0  }
0x21: {  	s24 =	simm.s32 $0xE;
	[sflag:s22] =	ssyncadd.s32 $0xFFFFF000  }
0x22: {  	_ =	swait.ge [sflag:s24], $0x1000  }
0x23: {  	[sflag:s24] =	ssyncset.done $0x0  }
0x24: {  	s26 =	simm.s32 $0xF;
	[sflag:s24] =	ssyncadd.s32 $0xFFFFF000  }
0x25: {  	_ =	swait.ge [sflag:s26], $0x1000  }
0x26: {  	[sflag:s26] =	ssyncset.done $0x0  }
0x27: {  	[sflag:s26] =	ssyncadd.s32 $0xFFFFF000  }
0x28: {  	_ =	swait.ge [sflag:s17], $0x1000  }
0x29: {  	s3 =	rddreg [dreg:$0x7]  }
0x2a: {  	s29 =	rddreg [dreg:$0x6];
	s3 =	sadd.s32 $0x1, s3  }
0x2b: {  	p0 =	sne.s32 s3, s29  }
.Ltmp1:
0x2c: {  	_ = 	snop;
	(pc) =	sbr.rel @!p0 .LBB2_21-.Ltmp1, $3  }
0x2d: {  	_ =	sdelay $0x1  }
0x2e: {  	[sflag:s17] =	ssyncset.done $0x0  }
0x2f: {  	[sflag:s17] =	ssyncadd.s32 $0xFFFFF000  }
.LBB2_1:
0x30: {  	[dreg:$0x7] =	wrdreg s3  }
0x31: {  	s2 =	simm.s32 $0x0;
	s24 =	rddreg [dreg:$0x5];
	s18 =	simm.s32 $0x11  }
0x32: {  	[tilespmem:s2], [sflag:$0x11] =	stream.linear.gather [hbm4b:s24+s2], $0x6400, $0x38;
	[tilespmem:$0x1C800] =	vst v63  }
0x33: {  	_ =	swait.ge [sflag:s18], $0x6400  }
0x34: {  	[sflag:s18] =	ssyncset.done $0x0  }
0x35: {  	s26 =	simm.s32 $0xC800;
	[sflag:s18] =	ssyncadd.s32 $0xFFFF9C00  }
0x36: {  	[tilespmem:s26], [sflag:$0x1] =	stream.indirect.gather [hbm4b:s1+s17], $0x80, s2, s17, $0xb8;
	[tilespmem:$0x1C800] =	vst v63  }
0x37: {  	s29 =	simm.s32 $0xD000  }
0x38: {  	[tilespmem:s29], [sflag:$0x1] =	stream.indirect.gather [hbm4b:s1+s17], $0x80, s17, s17, $0xb8;
	[tilespmem:$0x1C800] =	vst v63  }
0x39: {  	s22 =	simm.s32 $0xD800  }
0x3a: {  	[tilespmem:s22], [sflag:$0x2] =	stream.indirect.gather [hbm4b:s1+s17], $0x80, s20, s17, $0xb8;
	[tilespmem:$0x1C800] =	vst v63  }
0x3b: {  	s24 =	simm.s32 $0x90;
	s22 =	simm.s32 $0xE000  }
0x3c: {  	[tilespmem:s22], [sflag:$0x2] =	stream.indirect.gather [hbm4b:s1+s17], $0x80, s24, s17, $0xb8;
	[tilespmem:$0x1C800] =	vst v63  }
0x3d: {  	s26 =	simm.s32 $0x100;
	s29 =	simm.s32 $0xE800  }
0x3e: {  	[tilespmem:s29], [sflag:$0x3] =	stream.indirect.gather [hbm4b:s1+s17], $0x80, s26, s17, $0xb8;
	[tilespmem:$0x1C800] =	vst v63  }
0x3f: {  	s22 =	simm.s32 $0x110;
	s24 =	simm.s32 $0xF000  }
0x40: {  	[tilespmem:s24], [sflag:$0x3] =	stream.indirect.gather [hbm4b:s1+s17], $0x80, s22, s17, $0xb8;
	[tilespmem:$0x1C800] =	vst v63  }
0x41: {  	s26 =	simm.s32 $0x180;
	s29 =	simm.s32 $0xF800  }
0x42: {  	[tilespmem:s29], [sflag:$0x4] =	stream.indirect.gather [hbm4b:s1+s17], $0x80, s26, s17, $0xb8;
	[tilespmem:$0x1C800] =	vst v63  }
0x43: {  	s22 =	simm.s32 $0x190;
	s24 =	simm.s32 $0x10000  }
0x44: {  	[tilespmem:s24], [sflag:$0x4] =	stream.indirect.gather [hbm4b:s1+s17], $0x80, s22, s17, $0xb8;
	[tilespmem:$0x1C800] =	vst v63  }
0x45: {  	s26 =	simm.s32 $0x200;
	s29 =	simm.s32 $0x10800  }
0x46: {  	[tilespmem:s29], [sflag:$0x5] =	stream.indirect.gather [hbm4b:s1+s17], $0x80, s26, s17, $0xb8;
	[tilespmem:$0x1C800] =	vst v63  }
0x47: {  	s22 =	simm.s32 $0x210;
	s24 =	simm.s32 $0x11000  }
0x48: {  	[tilespmem:s24], [sflag:$0x5] =	stream.indirect.gather [hbm4b:s1+s17], $0x80, s22, s17, $0xb8;
	[tilespmem:$0x1C800] =	vst v63  }
0x49: {  	s26 =	simm.s32 $0x280;
	s29 =	simm.s32 $0x11800  }
0x4a: {  	[tilespmem:s29], [sflag:$0x6] =	stream.indirect.gather [hbm4b:s1+s17], $0x80, s26, s17, $0xb8;
	[tilespmem:$0x1C800] =	vst v63  }
0x4b: {  	s22 =	simm.s32 $0x290;
	s24 =	simm.s32 $0x12000  }
0x4c: {  	[tilespmem:s24], [sflag:$0x6] =	stream.indirect.gather [hbm4b:s1+s17], $0x80, s22, s17, $0xb8;
	[tilespmem:$0x1C800] =	vst v63  }
0x4d: {  	s26 =	simm.s32 $0x300;
	s29 =	simm.s32 $0x12800  }
0x4e: {  	[tilespmem:s29], [sflag:$0x7] =	stream.indirect.gather [hbm4b:s1+s17], $0x80, s26, s17, $0xb8;
	[tilespmem:$0x1C800] =	vst v63  }
0x4f: {  	s22 =	simm.s32 $0x310;
	s24 =	simm.s32 $0x13000  }
0x50: {  	[tilespmem:s24], [sflag:$0x7] =	stream.indirect.gather [hbm4b:s1+s17], $0x80, s22, s17, $0xb8;
	[tilespmem:$0x1C800] =	vst v63  }
0x51: {  	s26 =	simm.s32 $0x380;
	s29 =	simm.s32 $0x13800  }
0x52: {  	[tilespmem:s29], [sflag:$0x8] =	stream.indirect.gather [hbm4b:s1+s17], $0x80, s26, s17, $0xb8;
	[tilespmem:$0x1C800] =	vst v63  }
0x53: {  	s24 =	simm.s32 $0x390;
	s26 =	simm.s32 $0x14000  }
0x54: {  	[tilespmem:s26], [sflag:$0x8] =	stream.indirect.gather [hbm4b:s1+s17], $0x80, s24, s17, $0xb8;
	[tilespmem:$0x1C800] =	vst v63  }
0x55: {  	s29 =	rddreg [dreg:$0x4]  }
0x56: {  	[tilespmem:s19], [sflag:$0x11] =	stream.linear.gather [hbm4b:s29+s2], $0x6400, $0x38;
	[tilespmem:$0x1C800] =	vst v63  }
0x57: {  	_ =	swait.ge [sflag:s18], $0x6400  }
0x58: {  	[sflag:s18] =	ssyncset.done $0x0  }
0x59: {  	s3 =	simm.s32 $0x0;
	[sflag:s18] =	ssyncadd.s32 $0xFFFF9C00  }
.LBB2_2:
0x5a: {  	_ =	swait.ge [sflag:s21], $0x800  }
0x5b: {  	[sflag:s21] =	ssyncset.done $0x0  }
0x5c: {  	[sflag:s21] =	ssyncadd.s32 $0xFFFFF800  }
0x5d: {  	_ =	swait.ge [sflag:s21], $0x800  }
0x5e: {  	p0 =	seq.s32 s3, $0x0;
	[sflag:s21] =	ssyncset.done $0x0  }
0x5f: {  	s18 =	simm.s32 @!p0 $0x9;
	[sflag:s21] =	ssyncadd.s32 $0xFFFFF800  }
0x60: {  	_ =	swait.ge @!p0 [sflag:s18], $0x1000  }
0x61: {  	[sflag:s18] =	ssyncset.done @!p0 $0x0  }
0x62: {  	s2 =	sshll.u32 s3, $0xA;
	[sflag:s18] =	ssyncadd.s32 @!p0 $0xFFFFF000  }
0x63: {  	v6 =	vld [tilespmem:s2+$0x6400]  }
0x64: {  	v5 =	vld [tilespmem:s2+$0x6410]  }
0x65: {  	v4 =	vld [tilespmem:s2+$0x6420]  }
0x66: {  	v3 =	vld [tilespmem:s2+$0x6430]  }
0x67: {  	v2 =	vld [tilespmem:s2+$0x6440]  }
0x68: {  	v1 =	vld [tilespmem:s2+$0x6450]  }
0x69: {  	v0 =	vld [tilespmem:s2+$0x6460]  }
0x6a: {  	s22 =	simm.s32 $0x0;
	v7 =	vld [tilespmem:s2+$0x6470]  }
0x6b: {  	v8 =	vld [tilespmem:s22+$0xC870]  }
0x6c: {  	v9 =	vld [tilespmem:s22+$0xC800]  }
0x6d: {  	v10 =	vld [tilespmem:s22+$0xC810]  }
0x6e: {  	v11 =	vld [tilespmem:s22+$0xC820]  }
0x6f: {  	v12 =	vld [tilespmem:s22+$0xC830]  }
0x70: {  	v13 =	vld [tilespmem:s22+$0xC840];
	v8 =	vmul.f32 $1.131370830e+01, v8  }
0x71: {  	v14 =	vld [tilespmem:s22+$0xC850];
	v9 =	vmul.f32 $1.131370830e+01, v9  }
0x72: {  	s18 =	simm.s32 $0x80;
	v15 =	vld [tilespmem:s22+$0xC860];
	v10 =	vmul.f32 $1.131370830e+01, v10;
	v8 =	vadd.f32 v8, v7  }
0x73: {  	v16 =	vld [tilespmem:s18+$0xC870];
	v9 =	vadd.f32 v9, v6  }
0x74: {  	v17 =	vld [tilespmem:s18+$0xC800];
	v10 =	vadd.f32 v10, v5;
	[tilespmem:s22+$0x14870] =	vst v8;
	v8 =	vmul.f32 $1.131370830e+01, v11  }
0x75: {  	v12 =	vmul.f32 $1.131370830e+01, v12;
	v18 =	vld [tilespmem:s18+$0xC810];
	[tilespmem:s22+$0x14800] =	vst v9  }
0x76: {  	v11 =	vld [tilespmem:s18+$0xC820];
	v8 =	vadd.f32 v8, v4;
	[tilespmem:s22+$0x14810] =	vst v10;
	v10 =	vmul.f32 $1.131370830e+01, v13  }
0x77: {  	v12 =	vadd.f32 v12, v3;
	v13 =	vmul.f32 $1.131370830e+01, v14  }
0x78: {  	v15 =	vmul.f32 $1.131370830e+01, v15;
	v9 =	vld [tilespmem:s18+$0xC830];
	[tilespmem:s22+$0x14820] =	vst v8;
	v14 =	vadd.f32 v10, v2  }
0x79: {  	v16 =	vmul.f32 $1.131370830e+01, v16;
	v19 =	vadd.f32 v13, v1;
	v8 =	vld [tilespmem:s18+$0xC840];
	[tilespmem:s22+$0x14830] =	vst v12  }
0x7a: {  	v15 =	vadd.f32 v15, v0;
	v13 =	vmul.f32 $1.131370830e+01, v17;
	v10 =	vld [tilespmem:s18+$0xC850];
	[tilespmem:s22+$0x14840] =	vst v14  }
0x7b: {  	s24 =	simm.s32 $0x100;
	s26 =	simm.s32 $0x600;
	v16 =	vadd.f32 v16, v7;
	v14 =	vmul.f32 $1.131370830e+01, v18;
	v12 =	vld [tilespmem:s18+$0xC860];
	[tilespmem:s22+$0x14850] =	vst v19  }
.LBB2_3:
0x7c: {  	p1 =	sne.s32 s26, $0x3E00;
	v17 =	vld [tilespmem:s24+$0xC870];
	v13 =	vadd.f32 v13, v6;
	v11 =	vmul.f32 $1.131370830e+01, v11;
	[tilespmem:s22+$0x14860] =	vst v15;
	s22 =	smov.u32 s18;
	s18 =	smov.u32 s24  }
0x7d: {  	v15 =	vld [tilespmem:s18+$0xC800];
	v14 =	vadd.f32 v14, v5;
	v9 =	vmul.f32 $1.131370830e+01, v9;
	[tilespmem:s22+$0x14870] =	vst v16  }
0x7e: {  	v16 =	vld [tilespmem:s18+$0xC810];
	[tilespmem:s22+$0x14800] =	vst v13;
	v13 =	vadd.f32 v11, v4;
	v8 =	vmul.f32 $1.131370830e+01, v8  }
.Ltmp2:
0x7f: {  	v11 =	vld [tilespmem:s18+$0xC820];
	[tilespmem:s22+$0x14810] =	vst v14;
	v14 =	vadd.f32 v9, v3;
	v10 =	vmul.f32 $1.131370830e+01, v10;
	(pc) =	sbr.rel @p1 .LBB2_3-.Ltmp2, $4  }
0x80: {  	v9 =	vld [tilespmem:s18+$0xC830];
	[tilespmem:s22+$0x14820] =	vst v13;
	v18 =	vadd.f32 v8, v2;
	v12 =	vmul.f32 $1.131370830e+01, v12  }
0x81: {  	v8 =	vld [tilespmem:s18+$0xC840];
	v17 =	vmul.f32 $1.131370830e+01, v17;
	[tilespmem:s22+$0x14830] =	vst v14;
	v19 =	vadd.f32 v10, v1  }
0x82: {  	v13 =	vmul.f32 $1.131370830e+01, v15;
	v10 =	vld [tilespmem:s18+$0xC850];
	[tilespmem:s22+$0x14840] =	vst v18;
	v15 =	vadd.f32 v12, v0  }
0x83: {  	s24 =	sshra.s32 s26, $0x2;
	s26 =	sadd.s32 $0x200, s26;
	v14 =	vmul.f32 $1.131370830e+01, v16;
	v12 =	vld [tilespmem:s18+$0xC860];
	v16 =	vadd.f32 v17, v7;
	[tilespmem:s22+$0x14850] =	vst v19  }
0x84: {  	v17 =	vld [tilespmem:s24+$0xC870];
	[tilespmem:s22+$0x14860] =	vst v15;
	v13 =	vadd.f32 v13, v6;
	v11 =	vmul.f32 $1.131370830e+01, v11  }
0x85: {  	v15 =	vld [tilespmem:s24+$0xC800];
	[tilespmem:s18+$0x14870] =	vst v16;
	v14 =	vadd.f32 v14, v5;
	v9 =	vmul.f32 $1.131370830e+01, v9  }
0x86: {  	v16 =	vld [tilespmem:s24+$0xC810];
	[tilespmem:s18+$0x14800] =	vst v13;
	v11 =	vadd.f32 v11, v4  }
0x87: {  	v8 =	vmul.f32 $1.131370830e+01, v8;
	v13 =	vld [tilespmem:s24+$0xC820];
	[tilespmem:s18+$0x14810] =	vst v14;
	v9 =	vadd.f32 v9, v3  }
0x88: {  	v10 =	vmul.f32 $1.131370830e+01, v10;
	v14 =	vld [tilespmem:s24+$0xC830];
	[tilespmem:s18+$0x14820] =	vst v11  }
0x89: {  	v8 =	vadd.f32 v8, v2;
	v11 =	vld [tilespmem:s24+$0xC840];
	[tilespmem:s18+$0x14830] =	vst v9;
	v9 =	vmul.f32 $1.131370830e+01, v12  }
0x8a: {  	v17 =	vmul.f32 $1.131370830e+01, v17;
	v10 =	vadd.f32 v10, v1  }
0x8b: {  	v12 =	vld [tilespmem:s24+$0xC850];
	[tilespmem:s18+$0x14840] =	vst v8;
	v8 =	vmul.f32 $1.131370830e+01, v15;
	v9 =	vadd.f32 v9, v0  }
0x8c: {  	v15 =	vld [tilespmem:s24+$0xC860];
	v16 =	vmul.f32 $1.131370830e+01, v16;
	v7 =	vadd.f32 v17, v7;
	[tilespmem:s18+$0x14850] =	vst v10  }
0x8d: {  	v6 =	vadd.f32 v8, v6;
	v8 =	vmul.f32 $1.131370830e+01, v13;
	[tilespmem:s18+$0x14860] =	vst v9  }
0x8e: {  	v5 =	vadd.f32 v16, v5;
	v9 =	vmul.f32 $1.131370830e+01, v14;
	[tilespmem:s24+$0x14870] =	vst v7  }
0x8f: {  	[tilespmem:s24+$0x14800] =	vst v6;
	v4 =	vadd.f32 v8, v4;
	v6 =	vmul.f32 $1.131370830e+01, v11  }
0x90: {  	[tilespmem:s24+$0x14810] =	vst v5;
	v3 =	vadd.f32 v9, v3;
	v5 =	vmul.f32 $1.131370830e+01, v12  }
0x91: {  	[tilespmem:s24+$0x14820] =	vst v4;
	v2 =	vadd.f32 v6, v2;
	v4 =	vmul.f32 $1.131370830e+01, v15  }
0x92: {  	[tilespmem:s24+$0x14830] =	vst v3;
	v1 =	vadd.f32 v5, v1  }
0x93: {  	[tilespmem:s24+$0x14840] =	vst v2;
	v0 =	vadd.f32 v4, v0  }
0x94: {  	s22 =	sadd.s32 s7, s2;
	[tilespmem:s24+$0x14850] =	vst v1  }
0x95: {  	s18 =	sshrl.u32 s22, $0x3;
	[tilespmem:s24+$0x14860] =	vst v0;
	s24 =	rddreg [dreg:$0x2]  }
0x96: {  	s26 =	simm.s32 $0x14800;
	p1 =	seq.s32 s3, $0x18;
	s22 =	sadd.s32 s24, s18  }
0x97: {  	[hbm4b:s22+s20] =	stream.strided.scatter [tilespmem:s26], [sflag:$0x9], $0x1000, s19, s20, $0x38;
	[tilespmem:$0x1C800] =	vst v63  }
0x98: {  	s24 =	simm.s32 @!p1 $0x10;
	s22 =	sadd.s32 @!p1 $0x400, s2;
	s26 =	simm.s32 @!p1 $0xC800  }
0x99: {  	[tilespmem:s26], [sflag:$0x1] =	stream.indirect.gather @!p1 [hbm4b:s1+s24], $0x80, s22, s24, $0xb8;
	[tilespmem:$0x1C800] =	vst v63  }
0x9a: {  	s22 =	sadd.s32 @!p1 $0x410, s2;
	s26 =	simm.s32 @!p1 $0xD000  }
0x9b: {  	[tilespmem:s26], [sflag:$0x1] =	stream.indirect.gather @!p1 [hbm4b:s1+s24], $0x80, s22, s24, $0xb8;
	[tilespmem:$0x1C800] =	vst v63  }
0x9c: {  	_ =	swait.ge [sflag:s23], $0x800  }
0x9d: {  	[sflag:s23] =	ssyncset.done $0x0  }
0x9e: {  	[sflag:s23] =	ssyncadd.s32 $0xFFFFF800  }
0x9f: {  	_ =	swait.ge [sflag:s23], $0x800  }
0xa0: {  	[sflag:s23] =	ssyncset.done $0x0  }
0xa1: {  	s22 =	simm.s32 @!p0 $0xA;
	[sflag:s23] =	ssyncadd.s32 $0xFFFFF800  }
0xa2: {  	_ =	swait.ge @!p0 [sflag:s22], $0x1000  }
0xa3: {  	[sflag:s22] =	ssyncset.done @!p0 $0x0  }
0xa4: {  	[sflag:s22] =	ssyncadd.s32 @!p0 $0xFFFFF000  }
0xa5: {  	v6 =	vld [tilespmem:s2+$0x6480]  }
0xa6: {  	v5 =	vld [tilespmem:s2+$0x6490]  }
0xa7: {  	v4 =	vld [tilespmem:s2+$0x64A0]  }
0xa8: {  	v3 =	vld [tilespmem:s2+$0x64B0]  }
0xa9: {  	v2 =	vld [tilespmem:s2+$0x64C0]  }
0xaa: {  	v1 =	vld [tilespmem:s2+$0x64D0]  }
0xab: {  	v0 =	vld [tilespmem:s2+$0x64E0]  }
0xac: {  	s24 =	simm.s32 $0x0;
	v7 =	vld [tilespmem:s2+$0x64F0]  }
0xad: {  	v8 =	vld [tilespmem:s24+$0xD870]  }
0xae: {  	v9 =	vld [tilespmem:s24+$0xD800]  }
0xaf: {  	v10 =	vld [tilespmem:s24+$0xD810]  }
0xb0: {  	v11 =	vld [tilespmem:s24+$0xD820]  }
0xb1: {  	v12 =	vld [tilespmem:s24+$0xD830]  }
0xb2: {  	v13 =	vld [tilespmem:s24+$0xD840];
	v8 =	vmul.f32 $1.131370830e+01, v8  }
0xb3: {  	v14 =	vld [tilespmem:s24+$0xD850];
	v9 =	vmul.f32 $1.131370830e+01, v9  }
0xb4: {  	s22 =	simm.s32 $0x80;
	v15 =	vld [tilespmem:s24+$0xD860];
	v10 =	vmul.f32 $1.131370830e+01, v10;
	v8 =	vadd.f32 v8, v7  }
0xb5: {  	v16 =	vld [tilespmem:s22+$0xD870];
	v9 =	vadd.f32 v9, v6  }
0xb6: {  	v17 =	vld [tilespmem:s22+$0xD800];
	v10 =	vadd.f32 v10, v5;
	[tilespmem:s24+$0x15870] =	vst v8;
	v8 =	vmul.f32 $1.131370830e+01, v11  }
0xb7: {  	v12 =	vmul.f32 $1.131370830e+01, v12;
	v18 =	vld [tilespmem:s22+$0xD810];
	[tilespmem:s24+$0x15800] =	vst v9  }
0xb8: {  	v11 =	vld [tilespmem:s22+$0xD820];
	v8 =	vadd.f32 v8, v4;
	[tilespmem:s24+$0x15810] =	vst v10;
	v10 =	vmul.f32 $1.131370830e+01, v13  }
0xb9: {  	v12 =	vadd.f32 v12, v3;
	v13 =	vmul.f32 $1.131370830e+01, v14  }
0xba: {  	v15 =	vmul.f32 $1.131370830e+01, v15;
	v9 =	vld [tilespmem:s22+$0xD830];
	[tilespmem:s24+$0x15820] =	vst v8;
	v14 =	vadd.f32 v10, v2  }
0xbb: {  	v16 =	vmul.f32 $1.131370830e+01, v16;
	v19 =	vadd.f32 v13, v1;
	v8 =	vld [tilespmem:s22+$0xD840];
	[tilespmem:s24+$0x15830] =	vst v12  }
0xbc: {  	v15 =	vadd.f32 v15, v0;
	v13 =	vmul.f32 $1.131370830e+01, v17;
	v10 =	vld [tilespmem:s22+$0xD850];
	[tilespmem:s24+$0x15840] =	vst v14  }
0xbd: {  	s29 =	simm.s32 $0x600;
	s26 =	simm.s32 $0x100;
	v16 =	vadd.f32 v16, v7;
	v14 =	vmul.f32 $1.131370830e+01, v18;
	v12 =	vld [tilespmem:s22+$0xD860];
	[tilespmem:s24+$0x15850] =	vst v19  }
.LBB2_5:
0xbe: {  	p2 =	sne.s32 s29, $0x3E00;
	v17 =	vld [tilespmem:s26+$0xD870];
	v13 =	vadd.f32 v13, v6;
	v11 =	vmul.f32 $1.131370830e+01, v11;
	[tilespmem:s24+$0x15860] =	vst v15;
	s24 =	smov.u32 s22;
	s22 =	smov.u32 s26  }
0xbf: {  	v15 =	vld [tilespmem:s22+$0xD800];
	v14 =	vadd.f32 v14, v5;
	v9 =	vmul.f32 $1.131370830e+01, v9;
	[tilespmem:s24+$0x15870] =	vst v16  }
0xc0: {  	v16 =	vld [tilespmem:s22+$0xD810];
	[tilespmem:s24+$0x15800] =	vst v13;
	v13 =	vadd.f32 v11, v4;
	v8 =	vmul.f32 $1.131370830e+01, v8  }
.Ltmp3:
0xc1: {  	v11 =	vld [tilespmem:s22+$0xD820];
	[tilespmem:s24+$0x15810] =	vst v14;
	v14 =	vadd.f32 v9, v3;
	v10 =	vmul.f32 $1.131370830e+01, v10;
	(pc) =	sbr.rel @p2 .LBB2_5-.Ltmp3, $4  }
0xc2: {  	v9 =	vld [tilespmem:s22+$0xD830];
	[tilespmem:s24+$0x15820] =	vst v13;
	v18 =	vadd.f32 v8, v2;
	v12 =	vmul.f32 $1.131370830e+01, v12  }
0xc3: {  	v8 =	vld [tilespmem:s22+$0xD840];
	v17 =	vmul.f32 $1.131370830e+01, v17;
	[tilespmem:s24+$0x15830] =	vst v14;
	v19 =	vadd.f32 v10, v1  }
0xc4: {  	v13 =	vmul.f32 $1.131370830e+01, v15;
	v10 =	vld [tilespmem:s22+$0xD850];
	[tilespmem:s24+$0x15840] =	vst v18;
	v15 =	vadd.f32 v12, v0  }
0xc5: {  	s26 =	sshra.s32 s29, $0x2;
	s29 =	sadd.s32 $0x200, s29;
	v14 =	vmul.f32 $1.131370830e+01, v16;
	v12 =	vld [tilespmem:s22+$0xD860];
	v16 =	vadd.f32 v17, v7;
	[tilespmem:s24+$0x15850] =	vst v19  }
0xc6: {  	v17 =	vld [tilespmem:s26+$0xD870];
	[tilespmem:s24+$0x15860] =	vst v15;
	v13 =	vadd.f32 v13, v6;
	v11 =	vmul.f32 $1.131370830e+01, v11  }
0xc7: {  	v15 =	vld [tilespmem:s26+$0xD800];
	[tilespmem:s22+$0x15870] =	vst v16;
	v14 =	vadd.f32 v14, v5;
	v9 =	vmul.f32 $1.131370830e+01, v9  }
0xc8: {  	v16 =	vld [tilespmem:s26+$0xD810];
	[tilespmem:s22+$0x15800] =	vst v13;
	v11 =	vadd.f32 v11, v4  }
0xc9: {  	v8 =	vmul.f32 $1.131370830e+01, v8;
	v13 =	vld [tilespmem:s26+$0xD820];
	[tilespmem:s22+$0x15810] =	vst v14;
	v9 =	vadd.f32 v9, v3  }
0xca: {  	v10 =	vmul.f32 $1.131370830e+01, v10;
	v14 =	vld [tilespmem:s26+$0xD830];
	[tilespmem:s22+$0x15820] =	vst v11  }
0xcb: {  	v8 =	vadd.f32 v8, v2;
	v11 =	vld [tilespmem:s26+$0xD840];
	[tilespmem:s22+$0x15830] =	vst v9;
	v9 =	vmul.f32 $1.131370830e+01, v12  }
0xcc: {  	v17 =	vmul.f32 $1.131370830e+01, v17;
	v10 =	vadd.f32 v10, v1  }
0xcd: {  	v12 =	vld [tilespmem:s26+$0xD850];
	[tilespmem:s22+$0x15840] =	vst v8;
	v8 =	vmul.f32 $1.131370830e+01, v15;
	v9 =	vadd.f32 v9, v0  }
0xce: {  	v15 =	vld [tilespmem:s26+$0xD860];
	v16 =	vmul.f32 $1.131370830e+01, v16;
	v7 =	vadd.f32 v17, v7;
	[tilespmem:s22+$0x15850] =	vst v10  }
0xcf: {  	v6 =	vadd.f32 v8, v6;
	v8 =	vmul.f32 $1.131370830e+01, v13;
	[tilespmem:s22+$0x15860] =	vst v9  }
0xd0: {  	v5 =	vadd.f32 v16, v5;
	v9 =	vmul.f32 $1.131370830e+01, v14;
	[tilespmem:s26+$0x15870] =	vst v7  }
0xd1: {  	[tilespmem:s26+$0x15800] =	vst v6;
	v4 =	vadd.f32 v8, v4;
	v6 =	vmul.f32 $1.131370830e+01, v11  }
0xd2: {  	[tilespmem:s26+$0x15810] =	vst v5;
	v3 =	vadd.f32 v9, v3;
	v5 =	vmul.f32 $1.131370830e+01, v12  }
0xd3: {  	[tilespmem:s26+$0x15820] =	vst v4;
	v2 =	vadd.f32 v6, v2;
	v4 =	vmul.f32 $1.131370830e+01, v15  }
0xd4: {  	[tilespmem:s26+$0x15830] =	vst v3;
	v1 =	vadd.f32 v5, v1  }
0xd5: {  	[tilespmem:s26+$0x15840] =	vst v2;
	v0 =	vadd.f32 v4, v0  }
0xd6: {  	[tilespmem:s26+$0x15850] =	vst v1  }
0xd7: {  	s24 =	sadd.s32 s18, s8;
	[tilespmem:s26+$0x15860] =	vst v0;
	s26 =	simm.s32 $0x15800  }
0xd8: {  	[hbm4b:s24+s20] =	stream.strided.scatter [tilespmem:s26], [sflag:$0xA], $0x1000, s19, s20, $0x38;
	[tilespmem:$0x1C800] =	vst v63  }
0xd9: {  	s22 =	sadd.s32 @!p1 $0x480, s2;
	s24 =	simm.s32 @!p1 $0x10;
	s26 =	simm.s32 @!p1 $0xD800  }
0xda: {  	[tilespmem:s26], [sflag:$0x2] =	stream.indirect.gather @!p1 [hbm4b:s1+s24], $0x80, s22, s24, $0xb8;
	[tilespmem:$0x1C800] =	vst v63  }
0xdb: {  	s22 =	sadd.s32 @!p1 $0x490, s2;
	s26 =	simm.s32 @!p1 $0xE000  }
0xdc: {  	[tilespmem:s26], [sflag:$0x2] =	stream.indirect.gather @!p1 [hbm4b:s1+s24], $0x80, s22, s24, $0xb8;
	[tilespmem:$0x1C800] =	vst v63  }
0xdd: {  	_ =	swait.ge [sflag:s25], $0x800  }
0xde: {  	[sflag:s25] =	ssyncset.done $0x0  }
0xdf: {  	[sflag:s25] =	ssyncadd.s32 $0xFFFFF800  }
0xe0: {  	_ =	swait.ge [sflag:s25], $0x800  }
0xe1: {  	[sflag:s25] =	ssyncset.done $0x0  }
0xe2: {  	s22 =	simm.s32 @!p0 $0xB;
	[sflag:s25] =	ssyncadd.s32 $0xFFFFF800  }
0xe3: {  	_ =	swait.ge @!p0 [sflag:s22], $0x1000  }
0xe4: {  	[sflag:s22] =	ssyncset.done @!p0 $0x0  }
0xe5: {  	[sflag:s22] =	ssyncadd.s32 @!p0 $0xFFFFF000  }
0xe6: {  	v6 =	vld [tilespmem:s2+$0x6500]  }
0xe7: {  	v5 =	vld [tilespmem:s2+$0x6510]  }
0xe8: {  	v4 =	vld [tilespmem:s2+$0x6520]  }
0xe9: {  	v3 =	vld [tilespmem:s2+$0x6530]  }
0xea: {  	v2 =	vld [tilespmem:s2+$0x6540]  }
0xeb: {  	v1 =	vld [tilespmem:s2+$0x6550]  }
0xec: {  	v0 =	vld [tilespmem:s2+$0x6560]  }
0xed: {  	s24 =	simm.s32 $0x0;
	v7 =	vld [tilespmem:s2+$0x6570]  }
0xee: {  	v8 =	vld [tilespmem:s24+$0xE870]  }
0xef: {  	v9 =	vld [tilespmem:s24+$0xE800]  }
0xf0: {  	v10 =	vld [tilespmem:s24+$0xE810]  }
0xf1: {  	v11 =	vld [tilespmem:s24+$0xE820]  }
0xf2: {  	v12 =	vld [tilespmem:s24+$0xE830]  }
0xf3: {  	v13 =	vld [tilespmem:s24+$0xE840];
	v8 =	vmul.f32 $1.131370830e+01, v8  }
0xf4: {  	v14 =	vld [tilespmem:s24+$0xE850];
	v9 =	vmul.f32 $1.131370830e+01, v9  }
0xf5: {  	s22 =	simm.s32 $0x80;
	v15 =	vld [tilespmem:s24+$0xE860];
	v10 =	vmul.f32 $1.131370830e+01, v10;
	v8 =	vadd.f32 v8, v7  }
0xf6: {  	v16 =	vld [tilespmem:s22+$0xE870];
	v9 =	vadd.f32 v9, v6  }
0xf7: {  	v17 =	vld [tilespmem:s22+$0xE800];
	v10 =	vadd.f32 v10, v5;
	[tilespmem:s24+$0x16870] =	vst v8;
	v8 =	vmul.f32 $1.131370830e+01, v11  }
0xf8: {  	v12 =	vmul.f32 $1.131370830e+01, v12;
	v18 =	vld [tilespmem:s22+$0xE810];
	[tilespmem:s24+$0x16800] =	vst v9  }
0xf9: {  	v11 =	vld [tilespmem:s22+$0xE820];
	v8 =	vadd.f32 v8, v4;
	[tilespmem:s24+$0x16810] =	vst v10;
	v10 =	vmul.f32 $1.131370830e+01, v13  }
0xfa: {  	v12 =	vadd.f32 v12, v3;
	v13 =	vmul.f32 $1.131370830e+01, v14  }
0xfb: {  	v15 =	vmul.f32 $1.131370830e+01, v15;
	v9 =	vld [tilespmem:s22+$0xE830];
	[tilespmem:s24+$0x16820] =	vst v8;
	v14 =	vadd.f32 v10, v2  }
0xfc: {  	v16 =	vmul.f32 $1.131370830e+01, v16;
	v19 =	vadd.f32 v13, v1;
	v8 =	vld [tilespmem:s22+$0xE840];
	[tilespmem:s24+$0x16830] =	vst v12  }
0xfd: {  	v15 =	vadd.f32 v15, v0;
	v13 =	vmul.f32 $1.131370830e+01, v17;
	v10 =	vld [tilespmem:s22+$0xE850];
	[tilespmem:s24+$0x16840] =	vst v14  }
0xfe: {  	s29 =	simm.s32 $0x600;
	s26 =	simm.s32 $0x100;
	v16 =	vadd.f32 v16, v7;
	v14 =	vmul.f32 $1.131370830e+01, v18;
	v12 =	vld [tilespmem:s22+$0xE860];
	[tilespmem:s24+$0x16850] =	vst v19  }
.LBB2_7:
0xff: {  	p2 =	sne.s32 s29, $0x3E00;
	v17 =	vld [tilespmem:s26+$0xE870];
	v13 =	vadd.f32 v13, v6;
	v11 =	vmul.f32 $1.131370830e+01, v11;
	[tilespmem:s24+$0x16860] =	vst v15;
	s24 =	smov.u32 s22;
	s22 =	smov.u32 s26  }
0x100: {  	v15 =	vld [tilespmem:s22+$0xE800];
	v14 =	vadd.f32 v14, v5;
	v9 =	vmul.f32 $1.131370830e+01, v9;
	[tilespmem:s24+$0x16870] =	vst v16  }
0x101: {  	v16 =	vld [tilespmem:s22+$0xE810];
	[tilespmem:s24+$0x16800] =	vst v13;
	v13 =	vadd.f32 v11, v4;
	v8 =	vmul.f32 $1.131370830e+01, v8  }
.Ltmp4:
0x102: {  	v11 =	vld [tilespmem:s22+$0xE820];
	[tilespmem:s24+$0x16810] =	vst v14;
	v14 =	vadd.f32 v9, v3;
	v10 =	vmul.f32 $1.131370830e+01, v10;
	(pc) =	sbr.rel @p2 .LBB2_7-.Ltmp4, $4  }
0x103: {  	v9 =	vld [tilespmem:s22+$0xE830];
	[tilespmem:s24+$0x16820] =	vst v13;
	v18 =	vadd.f32 v8, v2;
	v12 =	vmul.f32 $1.131370830e+01, v12  }
0x104: {  	v8 =	vld [tilespmem:s22+$0xE840];
	v17 =	vmul.f32 $1.131370830e+01, v17;
	[tilespmem:s24+$0x16830] =	vst v14;
	v19 =	vadd.f32 v10, v1  }
0x105: {  	v13 =	vmul.f32 $1.131370830e+01, v15;
	v10 =	vld [tilespmem:s22+$0xE850];
	[tilespmem:s24+$0x16840] =	vst v18;
	v15 =	vadd.f32 v12, v0  }
0x106: {  	s26 =	sshra.s32 s29, $0x2;
	s29 =	sadd.s32 $0x200, s29;
	v14 =	vmul.f32 $1.131370830e+01, v16;
	v12 =	vld [tilespmem:s22+$0xE860];
	v16 =	vadd.f32 v17, v7;
	[tilespmem:s24+$0x16850] =	vst v19  }
0x107: {  	v17 =	vld [tilespmem:s26+$0xE870];
	[tilespmem:s24+$0x16860] =	vst v15;
	v13 =	vadd.f32 v13, v6;
	v11 =	vmul.f32 $1.131370830e+01, v11  }
0x108: {  	v15 =	vld [tilespmem:s26+$0xE800];
	[tilespmem:s22+$0x16870] =	vst v16;
	v14 =	vadd.f32 v14, v5;
	v9 =	vmul.f32 $1.131370830e+01, v9  }
0x109: {  	v16 =	vld [tilespmem:s26+$0xE810];
	[tilespmem:s22+$0x16800] =	vst v13;
	v11 =	vadd.f32 v11, v4  }
0x10a: {  	v8 =	vmul.f32 $1.131370830e+01, v8;
	v13 =	vld [tilespmem:s26+$0xE820];
	[tilespmem:s22+$0x16810] =	vst v14;
	v9 =	vadd.f32 v9, v3  }
0x10b: {  	v10 =	vmul.f32 $1.131370830e+01, v10;
	v14 =	vld [tilespmem:s26+$0xE830];
	[tilespmem:s22+$0x16820] =	vst v11  }
0x10c: {  	v8 =	vadd.f32 v8, v2;
	v11 =	vld [tilespmem:s26+$0xE840];
	[tilespmem:s22+$0x16830] =	vst v9;
	v9 =	vmul.f32 $1.131370830e+01, v12  }
0x10d: {  	v17 =	vmul.f32 $1.131370830e+01, v17;
	v10 =	vadd.f32 v10, v1  }
0x10e: {  	v12 =	vld [tilespmem:s26+$0xE850];
	[tilespmem:s22+$0x16840] =	vst v8;
	v8 =	vmul.f32 $1.131370830e+01, v15;
	v9 =	vadd.f32 v9, v0  }
0x10f: {  	v15 =	vld [tilespmem:s26+$0xE860];
	v16 =	vmul.f32 $1.131370830e+01, v16;
	v7 =	vadd.f32 v17, v7;
	[tilespmem:s22+$0x16850] =	vst v10  }
0x110: {  	v6 =	vadd.f32 v8, v6;
	v8 =	vmul.f32 $1.131370830e+01, v13;
	[tilespmem:s22+$0x16860] =	vst v9  }
0x111: {  	v5 =	vadd.f32 v16, v5;
	v9 =	vmul.f32 $1.131370830e+01, v14;
	[tilespmem:s26+$0x16870] =	vst v7  }
0x112: {  	[tilespmem:s26+$0x16800] =	vst v6;
	v4 =	vadd.f32 v8, v4;
	v6 =	vmul.f32 $1.131370830e+01, v11  }
0x113: {  	[tilespmem:s26+$0x16810] =	vst v5;
	v3 =	vadd.f32 v9, v3;
	v5 =	vmul.f32 $1.131370830e+01, v12  }
0x114: {  	[tilespmem:s26+$0x16820] =	vst v4;
	v2 =	vadd.f32 v6, v2;
	v4 =	vmul.f32 $1.131370830e+01, v15  }
0x115: {  	[tilespmem:s26+$0x16830] =	vst v3;
	v1 =	vadd.f32 v5, v1  }
0x116: {  	[tilespmem:s26+$0x16840] =	vst v2;
	v0 =	vadd.f32 v4, v0  }
0x117: {  	[tilespmem:s26+$0x16850] =	vst v1  }
0x118: {  	s24 =	sadd.s32 s18, s9;
	[tilespmem:s26+$0x16860] =	vst v0;
	s26 =	simm.s32 $0x16800  }
0x119: {  	[hbm4b:s24+s20] =	stream.strided.scatter [tilespmem:s26], [sflag:$0xB], $0x1000, s19, s20, $0x38;
	[tilespmem:$0x1C800] =	vst v63  }
0x11a: {  	s22 =	sadd.s32 @!p1 $0x500, s2;
	s24 =	simm.s32 @!p1 $0x10;
	s26 =	simm.s32 @!p1 $0xE800  }
0x11b: {  	[tilespmem:s26], [sflag:$0x3] =	stream.indirect.gather @!p1 [hbm4b:s1+s24], $0x80, s22, s24, $0xb8;
	[tilespmem:$0x1C800] =	vst v63  }
0x11c: {  	s22 =	sadd.s32 @!p1 $0x510, s2;
	s26 =	simm.s32 @!p1 $0xF000  }
0x11d: {  	[tilespmem:s26], [sflag:$0x3] =	stream.indirect.gather @!p1 [hbm4b:s1+s24], $0x80, s22, s24, $0xb8;
	[tilespmem:$0x1C800] =	vst v63  }
0x11e: {  	_ =	swait.ge [sflag:s28], $0x800  }
0x11f: {  	[sflag:s28] =	ssyncset.done $0x0  }
0x120: {  	[sflag:s28] =	ssyncadd.s32 $0xFFFFF800  }
0x121: {  	_ =	swait.ge [sflag:s28], $0x800  }
0x122: {  	[sflag:s28] =	ssyncset.done $0x0  }
0x123: {  	s22 =	simm.s32 @!p0 $0xC;
	[sflag:s28] =	ssyncadd.s32 $0xFFFFF800  }
0x124: {  	_ =	swait.ge @!p0 [sflag:s22], $0x1000  }
0x125: {  	[sflag:s22] =	ssyncset.done @!p0 $0x0  }
0x126: {  	[sflag:s22] =	ssyncadd.s32 @!p0 $0xFFFFF000  }
0x127: {  	v6 =	vld [tilespmem:s2+$0x6580]  }
0x128: {  	v5 =	vld [tilespmem:s2+$0x6590]  }
0x129: {  	v4 =	vld [tilespmem:s2+$0x65A0]  }
0x12a: {  	v3 =	vld [tilespmem:s2+$0x65B0]  }
0x12b: {  	v2 =	vld [tilespmem:s2+$0x65C0]  }
0x12c: {  	v1 =	vld [tilespmem:s2+$0x65D0]  }
0x12d: {  	v0 =	vld [tilespmem:s2+$0x65E0]  }
0x12e: {  	s24 =	simm.s32 $0x0;
	v7 =	vld [tilespmem:s2+$0x65F0]  }
0x12f: {  	v8 =	vld [tilespmem:s24+$0xF870]  }
0x130: {  	v9 =	vld [tilespmem:s24+$0xF800]  }
0x131: {  	v10 =	vld [tilespmem:s24+$0xF810]  }
0x132: {  	v11 =	vld [tilespmem:s24+$0xF820]  }
0x133: {  	v12 =	vld [tilespmem:s24+$0xF830]  }
0x134: {  	v13 =	vld [tilespmem:s24+$0xF840];
	v8 =	vmul.f32 $1.131370830e+01, v8  }
0x135: {  	v14 =	vld [tilespmem:s24+$0xF850];
	v9 =	vmul.f32 $1.131370830e+01, v9  }
0x136: {  	s22 =	simm.s32 $0x80;
	v15 =	vld [tilespmem:s24+$0xF860];
	v10 =	vmul.f32 $1.131370830e+01, v10;
	v8 =	vadd.f32 v8, v7  }
0x137: {  	v16 =	vld [tilespmem:s22+$0xF870];
	v9 =	vadd.f32 v9, v6  }
0x138: {  	v17 =	vld [tilespmem:s22+$0xF800];
	v10 =	vadd.f32 v10, v5;
	[tilespmem:s24+$0x17870] =	vst v8;
	v8 =	vmul.f32 $1.131370830e+01, v11  }
0x139: {  	v12 =	vmul.f32 $1.131370830e+01, v12;
	v18 =	vld [tilespmem:s22+$0xF810];
	[tilespmem:s24+$0x17800] =	vst v9  }
0x13a: {  	v11 =	vld [tilespmem:s22+$0xF820];
	v8 =	vadd.f32 v8, v4;
	[tilespmem:s24+$0x17810] =	vst v10;
	v10 =	vmul.f32 $1.131370830e+01, v13  }
0x13b: {  	v12 =	vadd.f32 v12, v3;
	v13 =	vmul.f32 $1.131370830e+01, v14  }
0x13c: {  	v15 =	vmul.f32 $1.131370830e+01, v15;
	v9 =	vld [tilespmem:s22+$0xF830];
	[tilespmem:s24+$0x17820] =	vst v8;
	v14 =	vadd.f32 v10, v2  }
0x13d: {  	v16 =	vmul.f32 $1.131370830e+01, v16;
	v19 =	vadd.f32 v13, v1;
	v8 =	vld [tilespmem:s22+$0xF840];
	[tilespmem:s24+$0x17830] =	vst v12  }
0x13e: {  	v15 =	vadd.f32 v15, v0;
	v13 =	vmul.f32 $1.131370830e+01, v17;
	v10 =	vld [tilespmem:s22+$0xF850];
	[tilespmem:s24+$0x17840] =	vst v14  }
0x13f: {  	s29 =	simm.s32 $0x600;
	s26 =	simm.s32 $0x100;
	v16 =	vadd.f32 v16, v7;
	v14 =	vmul.f32 $1.131370830e+01, v18;
	v12 =	vld [tilespmem:s22+$0xF860];
	[tilespmem:s24+$0x17850] =	vst v19  }
.LBB2_9:
0x140: {  	p2 =	sne.s32 s29, $0x3E00;
	v17 =	vld [tilespmem:s26+$0xF870];
	v13 =	vadd.f32 v13, v6;
	v11 =	vmul.f32 $1.131370830e+01, v11;
	[tilespmem:s24+$0x17860] =	vst v15;
	s24 =	smov.u32 s22;
	s22 =	smov.u32 s26  }
0x141: {  	v15 =	vld [tilespmem:s22+$0xF800];
	v14 =	vadd.f32 v14, v5;
	v9 =	vmul.f32 $1.131370830e+01, v9;
	[tilespmem:s24+$0x17870] =	vst v16  }
0x142: {  	v16 =	vld [tilespmem:s22+$0xF810];
	[tilespmem:s24+$0x17800] =	vst v13;
	v13 =	vadd.f32 v11, v4;
	v8 =	vmul.f32 $1.131370830e+01, v8  }
.Ltmp5:
0x143: {  	v11 =	vld [tilespmem:s22+$0xF820];
	[tilespmem:s24+$0x17810] =	vst v14;
	v14 =	vadd.f32 v9, v3;
	v10 =	vmul.f32 $1.131370830e+01, v10;
	(pc) =	sbr.rel @p2 .LBB2_9-.Ltmp5, $4  }
0x144: {  	v9 =	vld [tilespmem:s22+$0xF830];
	[tilespmem:s24+$0x17820] =	vst v13;
	v18 =	vadd.f32 v8, v2;
	v12 =	vmul.f32 $1.131370830e+01, v12  }
0x145: {  	v8 =	vld [tilespmem:s22+$0xF840];
	v17 =	vmul.f32 $1.131370830e+01, v17;
	[tilespmem:s24+$0x17830] =	vst v14;
	v19 =	vadd.f32 v10, v1  }
0x146: {  	v13 =	vmul.f32 $1.131370830e+01, v15;
	v10 =	vld [tilespmem:s22+$0xF850];
	[tilespmem:s24+$0x17840] =	vst v18;
	v15 =	vadd.f32 v12, v0  }
0x147: {  	s26 =	sshra.s32 s29, $0x2;
	s29 =	sadd.s32 $0x200, s29;
	v14 =	vmul.f32 $1.131370830e+01, v16;
	v12 =	vld [tilespmem:s22+$0xF860];
	v16 =	vadd.f32 v17, v7;
	[tilespmem:s24+$0x17850] =	vst v19  }
0x148: {  	v17 =	vld [tilespmem:s26+$0xF870];
	[tilespmem:s24+$0x17860] =	vst v15;
	v13 =	vadd.f32 v13, v6;
	v11 =	vmul.f32 $1.131370830e+01, v11  }
0x149: {  	v15 =	vld [tilespmem:s26+$0xF800];
	[tilespmem:s22+$0x17870] =	vst v16;
	v14 =	vadd.f32 v14, v5;
	v9 =	vmul.f32 $1.131370830e+01, v9  }
0x14a: {  	v16 =	vld [tilespmem:s26+$0xF810];
	[tilespmem:s22+$0x17800] =	vst v13;
	v11 =	vadd.f32 v11, v4  }
0x14b: {  	v8 =	vmul.f32 $1.131370830e+01, v8;
	v13 =	vld [tilespmem:s26+$0xF820];
	[tilespmem:s22+$0x17810] =	vst v14;
	v9 =	vadd.f32 v9, v3  }
0x14c: {  	v10 =	vmul.f32 $1.131370830e+01, v10;
	v14 =	vld [tilespmem:s26+$0xF830];
	[tilespmem:s22+$0x17820] =	vst v11  }
0x14d: {  	v8 =	vadd.f32 v8, v2;
	v11 =	vld [tilespmem:s26+$0xF840];
	[tilespmem:s22+$0x17830] =	vst v9;
	v9 =	vmul.f32 $1.131370830e+01, v12  }
0x14e: {  	v17 =	vmul.f32 $1.131370830e+01, v17;
	v10 =	vadd.f32 v10, v1  }
0x14f: {  	v12 =	vld [tilespmem:s26+$0xF850];
	[tilespmem:s22+$0x17840] =	vst v8;
	v8 =	vmul.f32 $1.131370830e+01, v15;
	v9 =	vadd.f32 v9, v0  }
0x150: {  	v15 =	vld [tilespmem:s26+$0xF860];
	v16 =	vmul.f32 $1.131370830e+01, v16;
	v7 =	vadd.f32 v17, v7;
	[tilespmem:s22+$0x17850] =	vst v10  }
0x151: {  	v6 =	vadd.f32 v8, v6;
	v8 =	vmul.f32 $1.131370830e+01, v13;
	[tilespmem:s22+$0x17860] =	vst v9  }
0x152: {  	v5 =	vadd.f32 v16, v5;
	v9 =	vmul.f32 $1.131370830e+01, v14;
	[tilespmem:s26+$0x17870] =	vst v7  }
0x153: {  	[tilespmem:s26+$0x17800] =	vst v6;
	v4 =	vadd.f32 v8, v4;
	v6 =	vmul.f32 $1.131370830e+01, v11  }
0x154: {  	[tilespmem:s26+$0x17810] =	vst v5;
	v3 =	vadd.f32 v9, v3;
	v5 =	vmul.f32 $1.131370830e+01, v12  }
0x155: {  	[tilespmem:s26+$0x17820] =	vst v4;
	v2 =	vadd.f32 v6, v2;
	v4 =	vmul.f32 $1.131370830e+01, v15  }
0x156: {  	[tilespmem:s26+$0x17830] =	vst v3;
	v1 =	vadd.f32 v5, v1  }
0x157: {  	[tilespmem:s26+$0x17840] =	vst v2;
	v0 =	vadd.f32 v4, v0  }
0x158: {  	[tilespmem:s26+$0x17850] =	vst v1  }
0x159: {  	s24 =	sadd.s32 s18, s10;
	[tilespmem:s26+$0x17860] =	vst v0;
	s26 =	simm.s32 $0x17800  }
0x15a: {  	[hbm4b:s24+s20] =	stream.strided.scatter [tilespmem:s26], [sflag:$0xC], $0x1000, s19, s20, $0x38;
	[tilespmem:$0x1C800] =	vst v63  }
0x15b: {  	s22 =	sadd.s32 @!p1 $0x580, s2;
	s24 =	simm.s32 @!p1 $0x10;
	s26 =	simm.s32 @!p1 $0xF800  }
0x15c: {  	[tilespmem:s26], [sflag:$0x4] =	stream.indirect.gather @!p1 [hbm4b:s1+s24], $0x80, s22, s24, $0xb8;
	[tilespmem:$0x1C800] =	vst v63  }
0x15d: {  	s22 =	sadd.s32 @!p1 $0x590, s2;
	s26 =	simm.s32 @!p1 $0x10000  }
0x15e: {  	[tilespmem:s26], [sflag:$0x4] =	stream.indirect.gather @!p1 [hbm4b:s1+s24], $0x80, s22, s24, $0xb8;
	[tilespmem:$0x1C800] =	vst v63  }
0x15f: {  	_ =	swait.ge [sflag:s30], $0x800  }
0x160: {  	[sflag:s30] =	ssyncset.done $0x0  }
0x161: {  	[sflag:s30] =	ssyncadd.s32 $0xFFFFF800  }
0x162: {  	_ =	swait.ge [sflag:s30], $0x800  }
0x163: {  	[sflag:s30] =	ssyncset.done $0x0  }
0x164: {  	s22 =	simm.s32 @!p0 $0xD;
	[sflag:s30] =	ssyncadd.s32 $0xFFFFF800  }
0x165: {  	_ =	swait.ge @!p0 [sflag:s22], $0x1000  }
0x166: {  	[sflag:s22] =	ssyncset.done @!p0 $0x0  }
0x167: {  	[sflag:s22] =	ssyncadd.s32 @!p0 $0xFFFFF000  }
0x168: {  	v6 =	vld [tilespmem:s2+$0x6600]  }
0x169: {  	v5 =	vld [tilespmem:s2+$0x6610]  }
0x16a: {  	v4 =	vld [tilespmem:s2+$0x6620]  }
0x16b: {  	v3 =	vld [tilespmem:s2+$0x6630]  }
0x16c: {  	v2 =	vld [tilespmem:s2+$0x6640]  }
0x16d: {  	v1 =	vld [tilespmem:s2+$0x6650]  }
0x16e: {  	v0 =	vld [tilespmem:s2+$0x6660]  }
0x16f: {  	s24 =	simm.s32 $0x0;
	v7 =	vld [tilespmem:s2+$0x6670]  }
0x170: {  	v8 =	vld [tilespmem:s24+$0x10870]  }
0x171: {  	v9 =	vld [tilespmem:s24+$0x10800]  }
0x172: {  	v10 =	vld [tilespmem:s24+$0x10810]  }
0x173: {  	v11 =	vld [tilespmem:s24+$0x10820]  }
0x174: {  	v12 =	vld [tilespmem:s24+$0x10830]  }
0x175: {  	v13 =	vld [tilespmem:s24+$0x10840];
	v8 =	vmul.f32 $1.131370830e+01, v8  }
0x176: {  	v14 =	vld [tilespmem:s24+$0x10850];
	v9 =	vmul.f32 $1.131370830e+01, v9  }
0x177: {  	s22 =	simm.s32 $0x80;
	v15 =	vld [tilespmem:s24+$0x10860];
	v10 =	vmul.f32 $1.131370830e+01, v10;
	v8 =	vadd.f32 v8, v7  }
0x178: {  	v16 =	vld [tilespmem:s22+$0x10870];
	v9 =	vadd.f32 v9, v6  }
0x179: {  	v17 =	vld [tilespmem:s22+$0x10800];
	v10 =	vadd.f32 v10, v5;
	[tilespmem:s24+$0x18870] =	vst v8;
	v8 =	vmul.f32 $1.131370830e+01, v11  }
0x17a: {  	v12 =	vmul.f32 $1.131370830e+01, v12;
	v18 =	vld [tilespmem:s22+$0x10810];
	[tilespmem:s24+$0x18800] =	vst v9  }
0x17b: {  	v11 =	vld [tilespmem:s22+$0x10820];
	v8 =	vadd.f32 v8, v4;
	[tilespmem:s24+$0x18810] =	vst v10;
	v10 =	vmul.f32 $1.131370830e+01, v13  }
0x17c: {  	v12 =	vadd.f32 v12, v3;
	v13 =	vmul.f32 $1.131370830e+01, v14  }
0x17d: {  	v15 =	vmul.f32 $1.131370830e+01, v15;
	v9 =	vld [tilespmem:s22+$0x10830];
	[tilespmem:s24+$0x18820] =	vst v8;
	v14 =	vadd.f32 v10, v2  }
0x17e: {  	v16 =	vmul.f32 $1.131370830e+01, v16;
	v19 =	vadd.f32 v13, v1;
	v8 =	vld [tilespmem:s22+$0x10840];
	[tilespmem:s24+$0x18830] =	vst v12  }
0x17f: {  	v15 =	vadd.f32 v15, v0;
	v13 =	vmul.f32 $1.131370830e+01, v17;
	v10 =	vld [tilespmem:s22+$0x10850];
	[tilespmem:s24+$0x18840] =	vst v14  }
0x180: {  	s29 =	simm.s32 $0x600;
	s26 =	simm.s32 $0x100;
	v16 =	vadd.f32 v16, v7;
	v14 =	vmul.f32 $1.131370830e+01, v18;
	v12 =	vld [tilespmem:s22+$0x10860];
	[tilespmem:s24+$0x18850] =	vst v19  }
.LBB2_11:
0x181: {  	p2 =	sne.s32 s29, $0x3E00;
	v17 =	vld [tilespmem:s26+$0x10870];
	v13 =	vadd.f32 v13, v6;
	v11 =	vmul.f32 $1.131370830e+01, v11;
	[tilespmem:s24+$0x18860] =	vst v15;
	s24 =	smov.u32 s22;
	s22 =	smov.u32 s26  }
0x182: {  	v15 =	vld [tilespmem:s22+$0x10800];
	v14 =	vadd.f32 v14, v5;
	v9 =	vmul.f32 $1.131370830e+01, v9;
	[tilespmem:s24+$0x18870] =	vst v16  }
0x183: {  	v16 =	vld [tilespmem:s22+$0x10810];
	[tilespmem:s24+$0x18800] =	vst v13;
	v13 =	vadd.f32 v11, v4;
	v8 =	vmul.f32 $1.131370830e+01, v8  }
.Ltmp6:
0x184: {  	v11 =	vld [tilespmem:s22+$0x10820];
	[tilespmem:s24+$0x18810] =	vst v14;
	v14 =	vadd.f32 v9, v3;
	v10 =	vmul.f32 $1.131370830e+01, v10;
	(pc) =	sbr.rel @p2 .LBB2_11-.Ltmp6, $4  }
0x185: {  	v9 =	vld [tilespmem:s22+$0x10830];
	[tilespmem:s24+$0x18820] =	vst v13;
	v18 =	vadd.f32 v8, v2;
	v12 =	vmul.f32 $1.131370830e+01, v12  }
0x186: {  	v8 =	vld [tilespmem:s22+$0x10840];
	v17 =	vmul.f32 $1.131370830e+01, v17;
	[tilespmem:s24+$0x18830] =	vst v14;
	v19 =	vadd.f32 v10, v1  }
0x187: {  	v13 =	vmul.f32 $1.131370830e+01, v15;
	v10 =	vld [tilespmem:s22+$0x10850];
	[tilespmem:s24+$0x18840] =	vst v18;
	v15 =	vadd.f32 v12, v0  }
0x188: {  	s26 =	sshra.s32 s29, $0x2;
	s29 =	sadd.s32 $0x200, s29;
	v14 =	vmul.f32 $1.131370830e+01, v16;
	v12 =	vld [tilespmem:s22+$0x10860];
	v16 =	vadd.f32 v17, v7;
	[tilespmem:s24+$0x18850] =	vst v19  }
0x189: {  	v17 =	vld [tilespmem:s26+$0x10870];
	[tilespmem:s24+$0x18860] =	vst v15;
	v13 =	vadd.f32 v13, v6;
	v11 =	vmul.f32 $1.131370830e+01, v11  }
0x18a: {  	v15 =	vld [tilespmem:s26+$0x10800];
	[tilespmem:s22+$0x18870] =	vst v16;
	v14 =	vadd.f32 v14, v5;
	v9 =	vmul.f32 $1.131370830e+01, v9  }
0x18b: {  	v16 =	vld [tilespmem:s26+$0x10810];
	[tilespmem:s22+$0x18800] =	vst v13;
	v11 =	vadd.f32 v11, v4  }
0x18c: {  	v8 =	vmul.f32 $1.131370830e+01, v8;
	v13 =	vld [tilespmem:s26+$0x10820];
	[tilespmem:s22+$0x18810] =	vst v14;
	v9 =	vadd.f32 v9, v3  }
0x18d: {  	v10 =	vmul.f32 $1.131370830e+01, v10;
	v14 =	vld [tilespmem:s26+$0x10830];
	[tilespmem:s22+$0x18820] =	vst v11  }
0x18e: {  	v8 =	vadd.f32 v8, v2;
	v11 =	vld [tilespmem:s26+$0x10840];
	[tilespmem:s22+$0x18830] =	vst v9;
	v9 =	vmul.f32 $1.131370830e+01, v12  }
0x18f: {  	v17 =	vmul.f32 $1.131370830e+01, v17;
	v10 =	vadd.f32 v10, v1  }
0x190: {  	v12 =	vld [tilespmem:s26+$0x10850];
	[tilespmem:s22+$0x18840] =	vst v8;
	v8 =	vmul.f32 $1.131370830e+01, v15;
	v9 =	vadd.f32 v9, v0  }
0x191: {  	v15 =	vld [tilespmem:s26+$0x10860];
	v16 =	vmul.f32 $1.131370830e+01, v16;
	v7 =	vadd.f32 v17, v7;
	[tilespmem:s22+$0x18850] =	vst v10  }
0x192: {  	v6 =	vadd.f32 v8, v6;
	v8 =	vmul.f32 $1.131370830e+01, v13;
	[tilespmem:s22+$0x18860] =	vst v9  }
0x193: {  	v5 =	vadd.f32 v16, v5;
	v9 =	vmul.f32 $1.131370830e+01, v14;
	[tilespmem:s26+$0x18870] =	vst v7  }
0x194: {  	[tilespmem:s26+$0x18800] =	vst v6;
	v4 =	vadd.f32 v8, v4;
	v6 =	vmul.f32 $1.131370830e+01, v11  }
0x195: {  	[tilespmem:s26+$0x18810] =	vst v5;
	v3 =	vadd.f32 v9, v3;
	v5 =	vmul.f32 $1.131370830e+01, v12  }
0x196: {  	[tilespmem:s26+$0x18820] =	vst v4;
	v2 =	vadd.f32 v6, v2;
	v4 =	vmul.f32 $1.131370830e+01, v15  }
0x197: {  	[tilespmem:s26+$0x18830] =	vst v3;
	v1 =	vadd.f32 v5, v1  }
0x198: {  	[tilespmem:s26+$0x18840] =	vst v2;
	v0 =	vadd.f32 v4, v0  }
0x199: {  	[tilespmem:s26+$0x18850] =	vst v1  }
0x19a: {  	[tilespmem:s26+$0x18860] =	vst v0;
	s26 =	sadd.s32 s18, s11  }
0x19b: {  	[hbm4b:s26+s20] =	stream.strided.scatter [tilespmem:s31], [sflag:$0xD], $0x1000, s19, s20, $0x38;
	[tilespmem:$0x1C800] =	vst v63  }
0x19c: {  	s24 =	simm.s32 @!p1 $0x10;
	s22 =	sadd.s32 @!p1 $0x600, s2;
	s26 =	simm.s32 @!p1 $0x10800  }
0x19d: {  	[tilespmem:s26], [sflag:$0x5] =	stream.indirect.gather @!p1 [hbm4b:s1+s24], $0x80, s22, s24, $0xb8;
	[tilespmem:$0x1C800] =	vst v63  }
0x19e: {  	s22 =	sadd.s32 @!p1 $0x610, s2;
	s26 =	simm.s32 @!p1 $0x11000  }
0x19f: {  	[tilespmem:s26], [sflag:$0x5] =	stream.indirect.gather @!p1 [hbm4b:s1+s24], $0x80, s22, s24, $0xb8;
	[tilespmem:$0x1C800] =	vst v63  }
0x1a0: {  	_ =	swait.ge [sflag:s0], $0x800  }
0x1a1: {  	[sflag:s0] =	ssyncset.done $0x0  }
0x1a2: {  	[sflag:s0] =	ssyncadd.s32 $0xFFFFF800  }
0x1a3: {  	_ =	swait.ge [sflag:s0], $0x800  }
0x1a4: {  	[sflag:s0] =	ssyncset.done $0x0  }
0x1a5: {  	s22 =	simm.s32 @!p0 $0xE;
	[sflag:s0] =	ssyncadd.s32 $0xFFFFF800  }
0x1a6: {  	_ =	swait.ge @!p0 [sflag:s22], $0x1000  }
0x1a7: {  	[sflag:s22] =	ssyncset.done @!p0 $0x0  }
0x1a8: {  	[sflag:s22] =	ssyncadd.s32 @!p0 $0xFFFFF000  }
0x1a9: {  	v6 =	vld [tilespmem:s2+$0x6680]  }
0x1aa: {  	v5 =	vld [tilespmem:s2+$0x6690]  }
0x1ab: {  	v4 =	vld [tilespmem:s2+$0x66A0]  }
0x1ac: {  	v3 =	vld [tilespmem:s2+$0x66B0]  }
0x1ad: {  	v2 =	vld [tilespmem:s2+$0x66C0]  }
0x1ae: {  	v1 =	vld [tilespmem:s2+$0x66D0]  }
0x1af: {  	v0 =	vld [tilespmem:s2+$0x66E0]  }
0x1b0: {  	s24 =	simm.s32 $0x0;
	v7 =	vld [tilespmem:s2+$0x66F0]  }
0x1b1: {  	v8 =	vld [tilespmem:s24+$0x11870]  }
0x1b2: {  	v9 =	vld [tilespmem:s24+$0x11800]  }
0x1b3: {  	v10 =	vld [tilespmem:s24+$0x11810]  }
0x1b4: {  	v11 =	vld [tilespmem:s24+$0x11820]  }
0x1b5: {  	v12 =	vld [tilespmem:s24+$0x11830]  }
0x1b6: {  	v13 =	vld [tilespmem:s24+$0x11840];
	v8 =	vmul.f32 $1.131370830e+01, v8  }
0x1b7: {  	v14 =	vld [tilespmem:s24+$0x11850];
	v9 =	vmul.f32 $1.131370830e+01, v9  }
0x1b8: {  	s22 =	simm.s32 $0x80;
	v15 =	vld [tilespmem:s24+$0x11860];
	v10 =	vmul.f32 $1.131370830e+01, v10;
	v8 =	vadd.f32 v8, v7  }
0x1b9: {  	v16 =	vld [tilespmem:s22+$0x11870];
	v9 =	vadd.f32 v9, v6  }
0x1ba: {  	v17 =	vld [tilespmem:s22+$0x11800];
	v10 =	vadd.f32 v10, v5;
	[tilespmem:s24+$0x19870] =	vst v8;
	v8 =	vmul.f32 $1.131370830e+01, v11  }
0x1bb: {  	v12 =	vmul.f32 $1.131370830e+01, v12;
	v18 =	vld [tilespmem:s22+$0x11810];
	[tilespmem:s24+$0x19800] =	vst v9  }
0x1bc: {  	v11 =	vld [tilespmem:s22+$0x11820];
	v8 =	vadd.f32 v8, v4;
	[tilespmem:s24+$0x19810] =	vst v10;
	v10 =	vmul.f32 $1.131370830e+01, v13  }
0x1bd: {  	v12 =	vadd.f32 v12, v3;
	v13 =	vmul.f32 $1.131370830e+01, v14  }
0x1be: {  	v15 =	vmul.f32 $1.131370830e+01, v15;
	v9 =	vld [tilespmem:s22+$0x11830];
	[tilespmem:s24+$0x19820] =	vst v8;
	v14 =	vadd.f32 v10, v2  }
0x1bf: {  	v16 =	vmul.f32 $1.131370830e+01, v16;
	v19 =	vadd.f32 v13, v1;
	v8 =	vld [tilespmem:s22+$0x11840];
	[tilespmem:s24+$0x19830] =	vst v12  }
0x1c0: {  	v15 =	vadd.f32 v15, v0;
	v13 =	vmul.f32 $1.131370830e+01, v17;
	v10 =	vld [tilespmem:s22+$0x11850];
	[tilespmem:s24+$0x19840] =	vst v14  }
0x1c1: {  	s29 =	simm.s32 $0x600;
	s26 =	simm.s32 $0x100;
	v16 =	vadd.f32 v16, v7;
	v14 =	vmul.f32 $1.131370830e+01, v18;
	v12 =	vld [tilespmem:s22+$0x11860];
	[tilespmem:s24+$0x19850] =	vst v19  }
.LBB2_13:
0x1c2: {  	p2 =	sne.s32 s29, $0x3E00;
	v17 =	vld [tilespmem:s26+$0x11870];
	v13 =	vadd.f32 v13, v6;
	v11 =	vmul.f32 $1.131370830e+01, v11;
	[tilespmem:s24+$0x19860] =	vst v15;
	s24 =	smov.u32 s22;
	s22 =	smov.u32 s26  }
0x1c3: {  	v15 =	vld [tilespmem:s22+$0x11800];
	v14 =	vadd.f32 v14, v5;
	v9 =	vmul.f32 $1.131370830e+01, v9;
	[tilespmem:s24+$0x19870] =	vst v16  }
0x1c4: {  	v16 =	vld [tilespmem:s22+$0x11810];
	[tilespmem:s24+$0x19800] =	vst v13;
	v13 =	vadd.f32 v11, v4;
	v8 =	vmul.f32 $1.131370830e+01, v8  }
.Ltmp7:
0x1c5: {  	v11 =	vld [tilespmem:s22+$0x11820];
	[tilespmem:s24+$0x19810] =	vst v14;
	v14 =	vadd.f32 v9, v3;
	v10 =	vmul.f32 $1.131370830e+01, v10;
	(pc) =	sbr.rel @p2 .LBB2_13-.Ltmp7, $4  }
0x1c6: {  	v9 =	vld [tilespmem:s22+$0x11830];
	[tilespmem:s24+$0x19820] =	vst v13;
	v18 =	vadd.f32 v8, v2;
	v12 =	vmul.f32 $1.131370830e+01, v12  }
0x1c7: {  	v8 =	vld [tilespmem:s22+$0x11840];
	v17 =	vmul.f32 $1.131370830e+01, v17;
	[tilespmem:s24+$0x19830] =	vst v14;
	v19 =	vadd.f32 v10, v1  }
0x1c8: {  	v13 =	vmul.f32 $1.131370830e+01, v15;
	v10 =	vld [tilespmem:s22+$0x11850];
	[tilespmem:s24+$0x19840] =	vst v18;
	v15 =	vadd.f32 v12, v0  }
0x1c9: {  	s26 =	sshra.s32 s29, $0x2;
	s29 =	sadd.s32 $0x200, s29;
	v14 =	vmul.f32 $1.131370830e+01, v16;
	v12 =	vld [tilespmem:s22+$0x11860];
	v16 =	vadd.f32 v17, v7;
	[tilespmem:s24+$0x19850] =	vst v19  }
0x1ca: {  	v17 =	vld [tilespmem:s26+$0x11870];
	[tilespmem:s24+$0x19860] =	vst v15;
	v13 =	vadd.f32 v13, v6;
	v11 =	vmul.f32 $1.131370830e+01, v11  }
0x1cb: {  	v15 =	vld [tilespmem:s26+$0x11800];
	[tilespmem:s22+$0x19870] =	vst v16;
	v14 =	vadd.f32 v14, v5;
	v9 =	vmul.f32 $1.131370830e+01, v9  }
0x1cc: {  	v16 =	vld [tilespmem:s26+$0x11810];
	[tilespmem:s22+$0x19800] =	vst v13;
	v11 =	vadd.f32 v11, v4  }
0x1cd: {  	v8 =	vmul.f32 $1.131370830e+01, v8;
	v13 =	vld [tilespmem:s26+$0x11820];
	[tilespmem:s22+$0x19810] =	vst v14;
	v9 =	vadd.f32 v9, v3  }
0x1ce: {  	v10 =	vmul.f32 $1.131370830e+01, v10;
	v14 =	vld [tilespmem:s26+$0x11830];
	[tilespmem:s22+$0x19820] =	vst v11  }
0x1cf: {  	v8 =	vadd.f32 v8, v2;
	v11 =	vld [tilespmem:s26+$0x11840];
	[tilespmem:s22+$0x19830] =	vst v9;
	v9 =	vmul.f32 $1.131370830e+01, v12  }
0x1d0: {  	v17 =	vmul.f32 $1.131370830e+01, v17;
	v10 =	vadd.f32 v10, v1  }
0x1d1: {  	v12 =	vld [tilespmem:s26+$0x11850];
	[tilespmem:s22+$0x19840] =	vst v8;
	v8 =	vmul.f32 $1.131370830e+01, v15;
	v9 =	vadd.f32 v9, v0  }
0x1d2: {  	v15 =	vld [tilespmem:s26+$0x11860];
	v16 =	vmul.f32 $1.131370830e+01, v16;
	v7 =	vadd.f32 v17, v7;
	[tilespmem:s22+$0x19850] =	vst v10  }
0x1d3: {  	v6 =	vadd.f32 v8, v6;
	v8 =	vmul.f32 $1.131370830e+01, v13;
	[tilespmem:s22+$0x19860] =	vst v9  }
0x1d4: {  	v5 =	vadd.f32 v16, v5;
	v9 =	vmul.f32 $1.131370830e+01, v14;
	[tilespmem:s26+$0x19870] =	vst v7  }
0x1d5: {  	[tilespmem:s26+$0x19800] =	vst v6;
	v4 =	vadd.f32 v8, v4;
	v6 =	vmul.f32 $1.131370830e+01, v11  }
0x1d6: {  	[tilespmem:s26+$0x19810] =	vst v5;
	v3 =	vadd.f32 v9, v3;
	v5 =	vmul.f32 $1.131370830e+01, v12  }
0x1d7: {  	[tilespmem:s26+$0x19820] =	vst v4;
	v2 =	vadd.f32 v6, v2;
	v4 =	vmul.f32 $1.131370830e+01, v15  }
0x1d8: {  	[tilespmem:s26+$0x19830] =	vst v3;
	v1 =	vadd.f32 v5, v1  }
0x1d9: {  	[tilespmem:s26+$0x19840] =	vst v2;
	v0 =	vadd.f32 v4, v0  }
0x1da: {  	[tilespmem:s26+$0x19850] =	vst v1  }
0x1db: {  	[tilespmem:s26+$0x19860] =	vst v0;
	s26 =	sadd.s32 s18, s12  }
0x1dc: {  	[hbm4b:s26+s20] =	stream.strided.scatter [tilespmem:s5], [sflag:$0xE], $0x1000, s19, s20, $0x38;
	[tilespmem:$0x1C800] =	vst v63  }
0x1dd: {  	s24 =	simm.s32 @!p1 $0x10;
	s22 =	sadd.s32 @!p1 $0x680, s2;
	s26 =	simm.s32 @!p1 $0x11800  }
0x1de: {  	[tilespmem:s26], [sflag:$0x6] =	stream.indirect.gather @!p1 [hbm4b:s1+s24], $0x80, s22, s24, $0xb8;
	[tilespmem:$0x1C800] =	vst v63  }
0x1df: {  	s22 =	sadd.s32 @!p1 $0x690, s2;
	s26 =	simm.s32 @!p1 $0x12000  }
0x1e0: {  	[tilespmem:s26], [sflag:$0x6] =	stream.indirect.gather @!p1 [hbm4b:s1+s24], $0x80, s22, s24, $0xb8;
	[tilespmem:$0x1C800] =	vst v63  }
0x1e1: {  	_ =	swait.ge [sflag:s6], $0x800  }
0x1e2: {  	[sflag:s6] =	ssyncset.done $0x0  }
0x1e3: {  	[sflag:s6] =	ssyncadd.s32 $0xFFFFF800  }
0x1e4: {  	_ =	swait.ge [sflag:s6], $0x800  }
0x1e5: {  	[sflag:s6] =	ssyncset.done $0x0  }
0x1e6: {  	s22 =	simm.s32 @!p0 $0xF;
	[sflag:s6] =	ssyncadd.s32 $0xFFFFF800  }
0x1e7: {  	_ =	swait.ge @!p0 [sflag:s22], $0x1000  }
0x1e8: {  	[sflag:s22] =	ssyncset.done @!p0 $0x0  }
0x1e9: {  	[sflag:s22] =	ssyncadd.s32 @!p0 $0xFFFFF000  }
0x1ea: {  	v6 =	vld [tilespmem:s2+$0x6700]  }
0x1eb: {  	v5 =	vld [tilespmem:s2+$0x6710]  }
0x1ec: {  	v4 =	vld [tilespmem:s2+$0x6720]  }
0x1ed: {  	v3 =	vld [tilespmem:s2+$0x6730]  }
0x1ee: {  	v2 =	vld [tilespmem:s2+$0x6740]  }
0x1ef: {  	v1 =	vld [tilespmem:s2+$0x6750]  }
0x1f0: {  	v0 =	vld [tilespmem:s2+$0x6760]  }
0x1f1: {  	s24 =	simm.s32 $0x0;
	v7 =	vld [tilespmem:s2+$0x6770]  }
0x1f2: {  	v8 =	vld [tilespmem:s24+$0x12870]  }
0x1f3: {  	v9 =	vld [tilespmem:s24+$0x12800]  }
0x1f4: {  	v10 =	vld [tilespmem:s24+$0x12810]  }
0x1f5: {  	v11 =	vld [tilespmem:s24+$0x12820]  }
0x1f6: {  	v12 =	vld [tilespmem:s24+$0x12830]  }
0x1f7: {  	v13 =	vld [tilespmem:s24+$0x12840];
	v8 =	vmul.f32 $1.131370830e+01, v8  }
0x1f8: {  	v14 =	vld [tilespmem:s24+$0x12850];
	v9 =	vmul.f32 $1.131370830e+01, v9  }
0x1f9: {  	s22 =	simm.s32 $0x80;
	v15 =	vld [tilespmem:s24+$0x12860];
	v10 =	vmul.f32 $1.131370830e+01, v10;
	v8 =	vadd.f32 v8, v7  }
0x1fa: {  	v16 =	vld [tilespmem:s22+$0x12870];
	v9 =	vadd.f32 v9, v6  }
0x1fb: {  	v17 =	vld [tilespmem:s22+$0x12800];
	v10 =	vadd.f32 v10, v5;
	[tilespmem:s24+$0x1A870] =	vst v8;
	v8 =	vmul.f32 $1.131370830e+01, v11  }
0x1fc: {  	v12 =	vmul.f32 $1.131370830e+01, v12;
	v18 =	vld [tilespmem:s22+$0x12810];
	[tilespmem:s24+$0x1A800] =	vst v9  }
0x1fd: {  	v11 =	vld [tilespmem:s22+$0x12820];
	v8 =	vadd.f32 v8, v4;
	[tilespmem:s24+$0x1A810] =	vst v10;
	v10 =	vmul.f32 $1.131370830e+01, v13  }
0x1fe: {  	v12 =	vadd.f32 v12, v3;
	v13 =	vmul.f32 $1.131370830e+01, v14  }
0x1ff: {  	v15 =	vmul.f32 $1.131370830e+01, v15;
	v9 =	vld [tilespmem:s22+$0x12830];
	[tilespmem:s24+$0x1A820] =	vst v8;
	v14 =	vadd.f32 v10, v2  }
0x200: {  	v16 =	vmul.f32 $1.131370830e+01, v16;
	v19 =	vadd.f32 v13, v1;
	v8 =	vld [tilespmem:s22+$0x12840];
	[tilespmem:s24+$0x1A830] =	vst v12  }
0x201: {  	v15 =	vadd.f32 v15, v0;
	v13 =	vmul.f32 $1.131370830e+01, v17;
	v10 =	vld [tilespmem:s22+$0x12850];
	[tilespmem:s24+$0x1A840] =	vst v14  }
0x202: {  	s29 =	simm.s32 $0x600;
	s26 =	simm.s32 $0x100;
	v16 =	vadd.f32 v16, v7;
	v14 =	vmul.f32 $1.131370830e+01, v18;
	v12 =	vld [tilespmem:s22+$0x12860];
	[tilespmem:s24+$0x1A850] =	vst v19  }
.LBB2_15:
0x203: {  	p2 =	sne.s32 s29, $0x3E00;
	v17 =	vld [tilespmem:s26+$0x12870];
	v13 =	vadd.f32 v13, v6;
	v11 =	vmul.f32 $1.131370830e+01, v11;
	[tilespmem:s24+$0x1A860] =	vst v15;
	s24 =	smov.u32 s22;
	s22 =	smov.u32 s26  }
0x204: {  	v15 =	vld [tilespmem:s22+$0x12800];
	v14 =	vadd.f32 v14, v5;
	v9 =	vmul.f32 $1.131370830e+01, v9;
	[tilespmem:s24+$0x1A870] =	vst v16  }
0x205: {  	v16 =	vld [tilespmem:s22+$0x12810];
	[tilespmem:s24+$0x1A800] =	vst v13;
	v13 =	vadd.f32 v11, v4;
	v8 =	vmul.f32 $1.131370830e+01, v8  }
.Ltmp8:
0x206: {  	v11 =	vld [tilespmem:s22+$0x12820];
	[tilespmem:s24+$0x1A810] =	vst v14;
	v14 =	vadd.f32 v9, v3;
	v10 =	vmul.f32 $1.131370830e+01, v10;
	(pc) =	sbr.rel @p2 .LBB2_15-.Ltmp8, $4  }
0x207: {  	v9 =	vld [tilespmem:s22+$0x12830];
	[tilespmem:s24+$0x1A820] =	vst v13;
	v18 =	vadd.f32 v8, v2;
	v12 =	vmul.f32 $1.131370830e+01, v12  }
0x208: {  	v8 =	vld [tilespmem:s22+$0x12840];
	v17 =	vmul.f32 $1.131370830e+01, v17;
	[tilespmem:s24+$0x1A830] =	vst v14;
	v19 =	vadd.f32 v10, v1  }
0x209: {  	v13 =	vmul.f32 $1.131370830e+01, v15;
	v10 =	vld [tilespmem:s22+$0x12850];
	[tilespmem:s24+$0x1A840] =	vst v18;
	v15 =	vadd.f32 v12, v0  }
0x20a: {  	s26 =	sshra.s32 s29, $0x2;
	s29 =	sadd.s32 $0x200, s29;
	v14 =	vmul.f32 $1.131370830e+01, v16;
	v12 =	vld [tilespmem:s22+$0x12860];
	v16 =	vadd.f32 v17, v7;
	[tilespmem:s24+$0x1A850] =	vst v19  }
0x20b: {  	v17 =	vld [tilespmem:s26+$0x12870];
	[tilespmem:s24+$0x1A860] =	vst v15;
	v13 =	vadd.f32 v13, v6;
	v11 =	vmul.f32 $1.131370830e+01, v11  }
0x20c: {  	v15 =	vld [tilespmem:s26+$0x12800];
	[tilespmem:s22+$0x1A870] =	vst v16;
	v14 =	vadd.f32 v14, v5;
	v9 =	vmul.f32 $1.131370830e+01, v9  }
0x20d: {  	v16 =	vld [tilespmem:s26+$0x12810];
	[tilespmem:s22+$0x1A800] =	vst v13;
	v11 =	vadd.f32 v11, v4  }
0x20e: {  	v8 =	vmul.f32 $1.131370830e+01, v8;
	v13 =	vld [tilespmem:s26+$0x12820];
	[tilespmem:s22+$0x1A810] =	vst v14;
	v9 =	vadd.f32 v9, v3  }
0x20f: {  	v10 =	vmul.f32 $1.131370830e+01, v10;
	v14 =	vld [tilespmem:s26+$0x12830];
	[tilespmem:s22+$0x1A820] =	vst v11  }
0x210: {  	v8 =	vadd.f32 v8, v2;
	v11 =	vld [tilespmem:s26+$0x12840];
	[tilespmem:s22+$0x1A830] =	vst v9;
	v9 =	vmul.f32 $1.131370830e+01, v12  }
0x211: {  	v17 =	vmul.f32 $1.131370830e+01, v17;
	v10 =	vadd.f32 v10, v1  }
0x212: {  	v12 =	vld [tilespmem:s26+$0x12850];
	[tilespmem:s22+$0x1A840] =	vst v8;
	v8 =	vmul.f32 $1.131370830e+01, v15;
	v9 =	vadd.f32 v9, v0  }
0x213: {  	v15 =	vld [tilespmem:s26+$0x12860];
	v16 =	vmul.f32 $1.131370830e+01, v16;
	v7 =	vadd.f32 v17, v7;
	[tilespmem:s22+$0x1A850] =	vst v10  }
0x214: {  	v6 =	vadd.f32 v8, v6;
	v8 =	vmul.f32 $1.131370830e+01, v13;
	[tilespmem:s22+$0x1A860] =	vst v9  }
0x215: {  	v5 =	vadd.f32 v16, v5;
	v9 =	vmul.f32 $1.131370830e+01, v14;
	[tilespmem:s26+$0x1A870] =	vst v7  }
0x216: {  	[tilespmem:s26+$0x1A800] =	vst v6;
	v4 =	vadd.f32 v8, v4;
	v6 =	vmul.f32 $1.131370830e+01, v11  }
0x217: {  	[tilespmem:s26+$0x1A810] =	vst v5;
	v3 =	vadd.f32 v9, v3;
	v5 =	vmul.f32 $1.131370830e+01, v12  }
0x218: {  	[tilespmem:s26+$0x1A820] =	vst v4;
	v2 =	vadd.f32 v6, v2;
	v4 =	vmul.f32 $1.131370830e+01, v15  }
0x219: {  	[tilespmem:s26+$0x1A830] =	vst v3;
	v1 =	vadd.f32 v5, v1  }
0x21a: {  	[tilespmem:s26+$0x1A840] =	vst v2;
	v0 =	vadd.f32 v4, v0  }
0x21b: {  	[tilespmem:s26+$0x1A850] =	vst v1  }
0x21c: {  	[tilespmem:s26+$0x1A860] =	vst v0;
	s26 =	sadd.s32 s18, s13  }
0x21d: {  	[hbm4b:s26+s20] =	stream.strided.scatter [tilespmem:s15], [sflag:$0xF], $0x1000, s19, s20, $0x38;
	[tilespmem:$0x1C800] =	vst v63  }
0x21e: {  	s24 =	simm.s32 @!p1 $0x10;
	s22 =	sadd.s32 @!p1 $0x700, s2;
	s26 =	simm.s32 @!p1 $0x12800  }
0x21f: {  	[tilespmem:s26], [sflag:$0x7] =	stream.indirect.gather @!p1 [hbm4b:s1+s24], $0x80, s22, s24, $0xb8;
	[tilespmem:$0x1C800] =	vst v63  }
0x220: {  	s22 =	sadd.s32 @!p1 $0x710, s2;
	s26 =	simm.s32 @!p1 $0x13000  }
0x221: {  	[tilespmem:s26], [sflag:$0x7] =	stream.indirect.gather @!p1 [hbm4b:s1+s24], $0x80, s22, s24, $0xb8;
	[tilespmem:$0x1C800] =	vst v63  }
0x222: {  	_ =	swait.ge [sflag:s4], $0x800  }
0x223: {  	[sflag:s4] =	ssyncset.done $0x0  }
0x224: {  	[sflag:s4] =	ssyncadd.s32 $0xFFFFF800  }
0x225: {  	_ =	swait.ge [sflag:s4], $0x800  }
0x226: {  	[sflag:s4] =	ssyncset.done $0x0  }
0x227: {  	s22 =	simm.s32 @!p0 $0x10;
	[sflag:s4] =	ssyncadd.s32 $0xFFFFF800  }
0x228: {  	_ =	swait.ge @!p0 [sflag:s22], $0x1000  }
0x229: {  	[sflag:s22] =	ssyncset.done @!p0 $0x0  }
0x22a: {  	[sflag:s22] =	ssyncadd.s32 @!p0 $0xFFFFF000  }
0x22b: {  	v6 =	vld [tilespmem:s2+$0x6780]  }
0x22c: {  	v5 =	vld [tilespmem:s2+$0x6790]  }
0x22d: {  	v4 =	vld [tilespmem:s2+$0x67A0]  }
0x22e: {  	v3 =	vld [tilespmem:s2+$0x67B0]  }
0x22f: {  	v2 =	vld [tilespmem:s2+$0x67C0]  }
0x230: {  	v1 =	vld [tilespmem:s2+$0x67D0]  }
0x231: {  	v0 =	vld [tilespmem:s2+$0x67E0]  }
0x232: {  	s24 =	simm.s32 $0x0;
	v7 =	vld [tilespmem:s2+$0x67F0]  }
0x233: {  	v8 =	vld [tilespmem:s24+$0x13870]  }
0x234: {  	v9 =	vld [tilespmem:s24+$0x13800]  }
0x235: {  	v10 =	vld [tilespmem:s24+$0x13810]  }
0x236: {  	v11 =	vld [tilespmem:s24+$0x13820]  }
0x237: {  	v12 =	vld [tilespmem:s24+$0x13830]  }
0x238: {  	v13 =	vld [tilespmem:s24+$0x13840];
	v8 =	vmul.f32 $1.131370830e+01, v8  }
0x239: {  	v14 =	vld [tilespmem:s24+$0x13850];
	v9 =	vmul.f32 $1.131370830e+01, v9  }
0x23a: {  	s22 =	simm.s32 $0x80;
	v15 =	vld [tilespmem:s24+$0x13860];
	v10 =	vmul.f32 $1.131370830e+01, v10;
	v8 =	vadd.f32 v8, v7  }
0x23b: {  	v16 =	vld [tilespmem:s22+$0x13870];
	v9 =	vadd.f32 v9, v6  }
0x23c: {  	v17 =	vld [tilespmem:s22+$0x13800];
	v10 =	vadd.f32 v10, v5;
	[tilespmem:s24+$0x1B870] =	vst v8;
	v8 =	vmul.f32 $1.131370830e+01, v11  }
0x23d: {  	v12 =	vmul.f32 $1.131370830e+01, v12;
	v18 =	vld [tilespmem:s22+$0x13810];
	[tilespmem:s24+$0x1B800] =	vst v9  }
0x23e: {  	v11 =	vld [tilespmem:s22+$0x13820];
	v8 =	vadd.f32 v8, v4;
	[tilespmem:s24+$0x1B810] =	vst v10;
	v10 =	vmul.f32 $1.131370830e+01, v13  }
0x23f: {  	v12 =	vadd.f32 v12, v3;
	v13 =	vmul.f32 $1.131370830e+01, v14  }
0x240: {  	v15 =	vmul.f32 $1.131370830e+01, v15;
	v9 =	vld [tilespmem:s22+$0x13830];
	[tilespmem:s24+$0x1B820] =	vst v8;
	v14 =	vadd.f32 v10, v2  }
0x241: {  	v16 =	vmul.f32 $1.131370830e+01, v16;
	v19 =	vadd.f32 v13, v1;
	v8 =	vld [tilespmem:s22+$0x13840];
	[tilespmem:s24+$0x1B830] =	vst v12  }
0x242: {  	v15 =	vadd.f32 v15, v0;
	v13 =	vmul.f32 $1.131370830e+01, v17;
	v10 =	vld [tilespmem:s22+$0x13850];
	[tilespmem:s24+$0x1B840] =	vst v14  }
0x243: {  	s29 =	simm.s32 $0x600;
	s26 =	simm.s32 $0x100;
	v16 =	vadd.f32 v16, v7;
	v14 =	vmul.f32 $1.131370830e+01, v18;
	v12 =	vld [tilespmem:s22+$0x13860];
	[tilespmem:s24+$0x1B850] =	vst v19  }
.LBB2_17:
0x244: {  	p0 =	sne.s32 s29, $0x3E00;
	v17 =	vld [tilespmem:s26+$0x13870];
	v13 =	vadd.f32 v13, v6;
	v11 =	vmul.f32 $1.131370830e+01, v11;
	[tilespmem:s24+$0x1B860] =	vst v15;
	s24 =	smov.u32 s22;
	s22 =	smov.u32 s26  }
0x245: {  	v15 =	vld [tilespmem:s22+$0x13800];
	v14 =	vadd.f32 v14, v5;
	v9 =	vmul.f32 $1.131370830e+01, v9;
	[tilespmem:s24+$0x1B870] =	vst v16  }
0x246: {  	v16 =	vld [tilespmem:s22+$0x13810];
	[tilespmem:s24+$0x1B800] =	vst v13;
	v13 =	vadd.f32 v11, v4;
	v8 =	vmul.f32 $1.131370830e+01, v8  }
.Ltmp9:
0x247: {  	v11 =	vld [tilespmem:s22+$0x13820];
	[tilespmem:s24+$0x1B810] =	vst v14;
	v14 =	vadd.f32 v9, v3;
	v10 =	vmul.f32 $1.131370830e+01, v10;
	(pc) =	sbr.rel @p0 .LBB2_17-.Ltmp9, $4  }
0x248: {  	v9 =	vld [tilespmem:s22+$0x13830];
	[tilespmem:s24+$0x1B820] =	vst v13;
	v18 =	vadd.f32 v8, v2;
	v12 =	vmul.f32 $1.131370830e+01, v12  }
0x249: {  	v8 =	vld [tilespmem:s22+$0x13840];
	v17 =	vmul.f32 $1.131370830e+01, v17;
	[tilespmem:s24+$0x1B830] =	vst v14;
	v19 =	vadd.f32 v10, v1  }
0x24a: {  	v13 =	vmul.f32 $1.131370830e+01, v15;
	v10 =	vld [tilespmem:s22+$0x13850];
	[tilespmem:s24+$0x1B840] =	vst v18;
	v15 =	vadd.f32 v12, v0  }
0x24b: {  	s26 =	sshra.s32 s29, $0x2;
	s29 =	sadd.s32 $0x200, s29;
	v14 =	vmul.f32 $1.131370830e+01, v16;
	v12 =	vld [tilespmem:s22+$0x13860];
	v16 =	vadd.f32 v17, v7;
	[tilespmem:s24+$0x1B850] =	vst v19  }
0x24c: {  	v17 =	vld [tilespmem:s26+$0x13870];
	[tilespmem:s24+$0x1B860] =	vst v15;
	v13 =	vadd.f32 v13, v6;
	v11 =	vmul.f32 $1.131370830e+01, v11  }
0x24d: {  	v15 =	vld [tilespmem:s26+$0x13800];
	[tilespmem:s22+$0x1B870] =	vst v16;
	v14 =	vadd.f32 v14, v5;
	v9 =	vmul.f32 $1.131370830e+01, v9  }
0x24e: {  	v16 =	vld [tilespmem:s26+$0x13810];
	[tilespmem:s22+$0x1B800] =	vst v13;
	v11 =	vadd.f32 v11, v4;
	v8 =	vmul.f32 $1.131370830e+01, v8  }
0x24f: {  	v13 =	vld [tilespmem:s26+$0x13820];
	[tilespmem:s22+$0x1B810] =	vst v14;
	v9 =	vadd.f32 v9, v3;
	v10 =	vmul.f32 $1.131370830e+01, v10  }
0x250: {  	v14 =	vld [tilespmem:s26+$0x13830];
	[tilespmem:s22+$0x1B820] =	vst v11;
	v8 =	vadd.f32 v8, v2;
	v48 =	vmul.f32 $1.131370830e+01, v12  }
0x251: {  	v11 =	vld [tilespmem:s26+$0x13840];
	[tilespmem:s22+$0x1B830] =	vst v9;
	v17 =	vmul.f32 $1.131370830e+01, v17;
	v10 =	vadd.f32 v10, v1  }
0x252: {  	v49 =	vld [tilespmem:s26+$0x13850];
	[tilespmem:s22+$0x1B840] =	vst v8;
	v50 =	vmul.f32 $1.131370830e+01, v15;
	v9 =	vadd.f32 v48, v0  }
0x253: {  	v51 =	vld [tilespmem:s26+$0x13860];
	v16 =	vmul.f32 $1.131370830e+01, v16;
	v7 =	vadd.f32 v17, v7;
	[tilespmem:s22+$0x1B850] =	vst v10  }
0x254: {  	v52 =	vadd.f32 v50, v6;
	v53 =	vmul.f32 $1.131370830e+01, v13;
	[tilespmem:s22+$0x1B860] =	vst v9  }
0x255: {  	v54 =	vadd.f32 v16, v5;
	v55 =	vmul.f32 $1.131370830e+01, v14;
	[tilespmem:s26+$0x1B870] =	vst v7  }
0x256: {  	[tilespmem:s26+$0x1B800] =	vst v52;
	v56 =	vadd.f32 v53, v4;
	v57 =	vmul.f32 $1.131370830e+01, v11  }
0x257: {  	[tilespmem:s26+$0x1B810] =	vst v54;
	v58 =	vadd.f32 v55, v3;
	v59 =	vmul.f32 $1.131370830e+01, v49  }
0x258: {  	[tilespmem:s26+$0x1B820] =	vst v56;
	v60 =	vadd.f32 v57, v2;
	v61 =	vmul.f32 $1.131370830e+01, v51  }
.Ltmp10:
0x259: {  	[tilespmem:s26+$0x1B830] =	vst v58;
	v62 =	vadd.f32 v59, v1;
	(pc) =	sbr.rel @p1 .LBB2_20-.Ltmp10, $4  }
0x25a: {  	[tilespmem:s26+$0x1B840] =	vst v60;
	v63 =	vadd.f32 v61, v0  }
0x25b: {  	[tilespmem:s26+$0x1B850] =	vst v62  }
0x25c: {  	s18 =	sadd.s32 s18, s14;
	[tilespmem:s26+$0x1B860] =	vst v63  }
0x25d: {  	[hbm4b:s18+s20] =	stream.strided.scatter [tilespmem:s16], [sflag:$0x10], $0x1000, s19, s20, $0x38;
	[tilespmem:$0x1C800] =	vst v63  }
.Ltmp11:
0x25e: {  	(pc) =	sbr.rel .LBB2_2-.Ltmp11, $4  }
0x25f: {  	s18 =	sadd.s32 $0x780, s2;
	s22 =	simm.s32 $0x13800  }
0x260: {  	[tilespmem:s22], [sflag:$0x8] =	stream.indirect.gather [hbm4b:s1+s17], $0x80, s18, s17, $0xb8;
	[tilespmem:$0x1C800] =	vst v63  }
0x261: {  	s26 =	sadd.s32 $0x790, s2;
	s29 =	simm.s32 $0x14000;
	s3 =	sadd.s32 $0x1, s3  }
0x262: {  	[tilespmem:s29], [sflag:$0x8] =	stream.indirect.gather [hbm4b:s1+s17], $0x80, s26, s17, $0xb8;
	[tilespmem:$0x1C800] =	vst v63  }
.LBB2_21:
0x263: {  	_ =	sfence.sel $0x180000  }
0x264: {  	[bflag:$0x0] =	sbarrier.arrive $0xFFFF  }
0x265: {  	_ =	strace $0x90000047  }
0x266: {  	s0 =	stileid.u32;
	[bflag:$0x2] =	sbarrier.arrive $0xFFFF  }
0x267: {  	p0 =	sne.s32 s0, $0x0;
	s0 =	rddreg [dreg:$0x3]  }
0x268: {  	s0 =	sadd.s32 @!p0 $0x100000, s0  }
0x269: {  	[sflag:s0] =	ssyncadd.tile.s32 @!p0 $0x1;
	_ =	shalt  }
.Lfunc_end2:
_tile_overlayer_lowered:
.L_overlay_start_2:
0x26a: {  	(tag) =	ssettag $0x2  }
0x26b: {  	s0 =	rddreg [dreg:$0x0];
	s2 =	stileid.u32  }
0x26c: {  	s1 =	rddreg [dreg:$0x1];
	p0 =	sne.s32 s2, $0x0  }
0x26d: {  	s3 =	rddreg [dreg:$0x2];
	[bflag:$0x3] =	sbarrier.arrive $0xFFFF;
	s2 =	simm.s32 @!p0 $0x1C11  }
0x26e: {  	[timem:s3], [sflag:s2] =	dma.local @!p0 [hbm:s0], s1  }
0x26f: {  	s0 =	simm.s32 @!p0 $0x11  }
0x270: {  	_ =	swait.ge @!p0 [sflag:s0], s1  }
0x271: {  	s1 =	ssub.s32 @!p0 $0x0, s1;
	[sflag:s0] =	ssyncset.done @!p0 $0x0  }
0x272: {  	[sflag:s0] =	ssyncadd.s32 @!p0 s1  }
0x273: {  	[bflag:$0x3] =	sbarrier.arrive $0xFFFF  }
0x274: {  	_ =	shalt  }

</sc_bundles>
